<compile_context>
chip_gen: v7x
topology: tpu7x:2x2x1
jax: 0.10.2.dev20260603
libtpu: 0.0.44.dev20260713+nightly
codegen_flags: <defaults>
</compile_context>

<pallas_src>
import functools

import jax
import jax.numpy as jnp
from jax import lax
from jax.experimental import pallas as pl
from jax.experimental.pallas import tpu as pltpu
from jax.experimental.pallas import tpu_sc as plsc

NS = 64
NV = 16
HID = 192
N_NODES = 10000
N_EDGES = 160000

WEXT = NS + 3 * NV
MROW = 128
NTILES = 32
CHUNK = 64
ACC_ROWS = 10112
ROWS_PER_TILE = ACC_ROWS // 16
MLP_BLK = 3200
XW = 128
SPLIT = 76800


def _mlp_body(at_ref, sht_ref, w1_ref, b1_ref, w2_ref, b2_ref, o_ref):
    ht = jnp.maximum(
        lax.dot_general(w1_ref[...].astype(jnp.bfloat16),
                        at_ref[...].astype(jnp.bfloat16),
                        (((0,), (0,)), ((), ())),
                        preferred_element_type=jnp.float32) + b1_ref[...], 0.0)
    wt = lax.dot_general(w2_ref[...].astype(jnp.bfloat16),
                         ht.astype(jnp.bfloat16), (((0,), (0,)), ((), ())),
                         preferred_element_type=jnp.float32) + b2_ref[...]
    wst = wt[:NS, :]
    wvt = wt[NS:NS + NV, :]
    u0 = wvt * sht_ref[1:2, :]
    u1 = wvt * sht_ref[2:3, :]
    u2 = wvt * sht_ref[3:4, :]
    pad = jnp.zeros((MROW - WEXT, MLP_BLK), jnp.float32)
    ot = jnp.concatenate([wst, u0, u1, u2, pad], axis=0)
    o_ref[...] = ot.T


def _mlp(edge_attr_t, edge_sh_t, W1, b1, W2, b2, n_edges, blk_off):
    grid = (n_edges // MLP_BLK,)
    return pl.pallas_call(
        _mlp_body,
        grid=grid,
        in_specs=[
            pl.BlockSpec((HID, MLP_BLK), lambda i: (0, i + blk_off)),
            pl.BlockSpec((4, MLP_BLK), lambda i: (0, i + blk_off)),
            pl.BlockSpec((HID, HID), lambda i: (0, 0)),
            pl.BlockSpec((HID, 1), lambda i: (0, 0)),
            pl.BlockSpec((HID, NS + NV), lambda i: (0, 0)),
            pl.BlockSpec((NS + NV, 1), lambda i: (0, 0)),
        ],
        out_specs=pl.BlockSpec((MLP_BLK, MROW), lambda i: (i, 0)),
        out_shape=jax.ShapeDtypeStruct((n_edges, MROW), jnp.float32),
    )(edge_attr_t, edge_sh_t, W1, b1, W2, b2)


def _sc_kernel(x, src, dst, wext, ebase, n_edges):
    ept = n_edges // NTILES
    full_iters = ept // CHUNK
    pairs = full_iters // 2
    epi = full_iters - 2 * pairs
    tail = ept - full_iters * CHUNK
    assert ept % 8 == 0 and (tail == 0 or tail >= 8) and pairs >= 2
    mesh = plsc.VectorSubcoreMesh(core_axis_name="c", subcore_axis_name="s")

    @functools.partial(
        pl.kernel,
        mesh=mesh,
        out_type=jax.ShapeDtypeStruct((2, ACC_ROWS, MROW), jnp.float32),
        scratch_types=[
            pltpu.VMEM((CHUNK,), jnp.int32),
            pltpu.VMEM((CHUNK,), jnp.int32),
            pltpu.VMEM((CHUNK,), jnp.int32),
            pltpu.VMEM((CHUNK,), jnp.int32),
            pltpu.VMEM((max(tail, 8),), jnp.int32),
            pltpu.VMEM((max(tail, 8),), jnp.int32),
            pltpu.VMEM((CHUNK, XW), jnp.float32),
            pltpu.VMEM((CHUNK, XW), jnp.float32),
            pltpu.VMEM((CHUNK, MROW), jnp.float32),
            pltpu.VMEM((CHUNK, MROW), jnp.float32),
            pltpu.VMEM((CHUNK, MROW), jnp.float32),
            pltpu.VMEM((CHUNK, MROW), jnp.float32),
            pltpu.VMEM_SHARED((ACC_ROWS, MROW), jnp.float32),
            pltpu.SemaphoreType.DMA,
            pltpu.SemaphoreType.DMA,
            pltpu.SemaphoreType.DMA,
            pltpu.SemaphoreType.DMA,
            pltpu.SemaphoreType.DMA,
            pltpu.SemaphoreType.DMA,
            pltpu.SemaphoreType.DMA,
            pltpu.SemaphoreType.DMA,
            pltpu.SemaphoreType.DMA,
        ],
    )
    def body(x_hbm, src_hbm, dst_hbm, w_hbm, out_hbm,
             idxs0, idxs1, idxd0, idxd1, idxs8, idxd8,
             hsrc0, hsrc1, w0, w1, msg0, msg1, acc_sh,
             sem_in0, sem_in1, sem_w0, sem_w1, sem_g0, sem_g1,
             sem_s0, sem_s1, sem):
        cid = lax.axis_index("c")
        sid = lax.axis_index("s")
        idxs = (idxs0, idxs1)
        idxd = (idxd0, idxd1)
        hsrc = (hsrc0, hsrc1)
        wv = (w0, w1)
        msg = (msg0, msg1)
        sem_in = (sem_in0, sem_in1)
        sem_w = (sem_w0, sem_w1)
        sem_g = (sem_g0, sem_g1)
        sem_s = (sem_s0, sem_s1)

        zeros16 = jnp.zeros((16,), jnp.float32)

        def zero_buf(buf):
            def f(i, _):
                r = i // (MROW // 16)
                c = i % (MROW // 16)
                buf[r, pl.ds(c * 16, 16)] = zeros16
                return 0
            lax.fori_loop(0, CHUNK * (MROW // 16), f, 0)

        zero_buf(msg0)
        zero_buf(msg1)

        for k in range(ROWS_PER_TILE // CHUNK):
            pltpu.sync_copy(
                msg0, acc_sh.at[pl.ds(sid * ROWS_PER_TILE + k * CHUNK, CHUNK)])
        rem = ROWS_PER_TILE % CHUNK
        if rem:
            pltpu.sync_copy(
                msg0.at[pl.ds(0, rem)],
                acc_sh.at[pl.ds(sid * ROWS_PER_TILE
                                + (ROWS_PER_TILE // CHUNK) * CHUNK, rem)])

        ii = lax.broadcasted_iota(jnp.int32, (16,), 0)
        cvec = jnp.where(ii == 0, 1.0, 0.0).astype(jnp.float32)

        def crow(buf):
            def f(r, _):
                buf[r, pl.ds(WEXT, 16)] = cvec
                return 0
            lax.fori_loop(0, CHUNK, f, 0)

        crow(msg0)
        crow(msg1)

        plsc.subcore_barrier()

        tloc = (cid * 16 + sid) * ept
        tbase = ebase + tloc

        def make_edge_body(hs, wb, mb):
            def edge_body(e, _):
                h0 = hs[e, pl.ds(0, 16)]
                mb[e, pl.ds(0, 16)] = h0 * wb[e, pl.ds(0, 16)]
                for k in range(1, NS // 16):
                    mb[e, pl.ds(k * 16, 16)] = (
                        hs[e, pl.ds(k * 16, 16)] * wb[e, pl.ds(k * 16, 16)])
                for j in range(3):
                    off = NS + j * 16
                    mb[e, pl.ds(off, 16)] = h0 * wb[e, pl.ds(off, 16)]
                return 0
            return edge_body

        def half_step(p, c, S, prefetch):
            pltpu.make_async_copy(x_hbm.at[idxs[S]], hsrc[S], sem_g[S]).wait()
            pltpu.make_async_copy(
                w_hbm.at[pl.ds(0, CHUNK)], wv[S], sem_w[S]).wait()

            @pl.when(p > 0)
            def _():
                pltpu.make_async_copy(
                    msg[S], acc_sh.at[idxd[S]], sem_s[S]).wait()

            base = tbase + c * CHUNK
            pltpu.async_copy(dst_hbm.at[pl.ds(base, CHUNK)], idxd[S], sem)

            @pl.when(prefetch)
            def _():
                nbase = tbase + (c + 2) * CHUNK
                pltpu.async_copy(
                    src_hbm.at[pl.ds(nbase, CHUNK)], idxs[S], sem_in[S])

            lax.fori_loop(0, CHUNK, make_edge_body(hsrc[S], wv[S], msg[S]), 0)

            pltpu.make_async_copy(
                dst_hbm.at[pl.ds(base, CHUNK)], idxd[S], sem).wait()
            pltpu.async_copy(msg[S], acc_sh.at[idxd[S]], sem_s[S], add=True)

            @pl.when(prefetch)
            def _():
                nloc = tloc + (c + 2) * CHUNK
                nbase = tbase + (c + 2) * CHUNK
                pltpu.async_copy(
                    w_hbm.at[pl.ds(nloc, CHUNK)], wv[S], sem_w[S])
                pltpu.make_async_copy(
                    src_hbm.at[pl.ds(nbase, CHUNK)], idxs[S], sem_in[S]).wait()
                pltpu.async_copy(x_hbm.at[idxs[S]], hsrc[S], sem_g[S])

        def pair_body(p, _):
            half_step(p, 2 * p, 0, p < pairs - 1 + epi)
            half_step(p, 2 * p + 1, 1, p < pairs - 1)
            return 0

        for S in range(2):
            pltpu.async_copy(
                src_hbm.at[pl.ds(tbase + S * CHUNK, CHUNK)], idxs[S], sem_in[S])
            pltpu.async_copy(
                w_hbm.at[pl.ds(tloc + S * CHUNK, CHUNK)], wv[S], sem_w[S])
        for S in range(2):
            pltpu.make_async_copy(
                src_hbm.at[pl.ds(tbase, CHUNK)], idxs[S], sem_in[S]).wait()
            pltpu.async_copy(x_hbm.at[idxs[S]], hsrc[S], sem_g[S])

        lax.fori_loop(0, pairs, pair_body, 0)

        if epi:
            ce = 2 * pairs
            pltpu.make_async_copy(x_hbm.at[idxs[0]], hsrc[0], sem_g[0]).wait()
            pltpu.make_async_copy(
                w_hbm.at[pl.ds(0, CHUNK)], wv[0], sem_w[0]).wait()
            pltpu.make_async_copy(msg[0], acc_sh.at[idxd[0]], sem_s[0]).wait()
            ebch = tbase + ce * CHUNK
            pltpu.async_copy(dst_hbm.at[pl.ds(ebch, CHUNK)], idxd[0], sem)
            lax.fori_loop(0, CHUNK, make_edge_body(hsrc[0], wv[0], msg[0]), 0)
            pltpu.make_async_copy(
                dst_hbm.at[pl.ds(ebch, CHUNK)], idxd[0], sem).wait()
            pltpu.async_copy(msg[0], acc_sh.at[idxd[0]], sem_s[0], add=True)

        pltpu.make_async_copy(msg[0], acc_sh.at[idxd[0]], sem_s[0]).wait()
        pltpu.make_async_copy(msg[1], acc_sh.at[idxd[1]], sem_s[1]).wait()

        if tail:
            tl = tloc + full_iters * CHUNK
            tb = tbase + full_iters * CHUNK
            pltpu.sync_copy(src_hbm.at[pl.ds(tb, tail)], idxs8)
            pltpu.sync_copy(dst_hbm.at[pl.ds(tb, tail)], idxd8)
            pltpu.sync_copy(w_hbm.at[pl.ds(tl, tail)], w0.at[pl.ds(0, tail)])
            pltpu.async_copy(
                x_hbm.at[idxs8], hsrc0.at[pl.ds(0, tail)], sem).wait()
            lax.fori_loop(0, tail, make_edge_body(hsrc0, w0, msg0), 0)
            pltpu.sync_copy(msg0.at[pl.ds(0, tail)], acc_sh.at[idxd8], add=True)

        plsc.subcore_barrier()

        pltpu.sync_copy(
            acc_sh.at[pl.ds(sid * ROWS_PER_TILE, ROWS_PER_TILE)],
            out_hbm.at[cid, pl.ds(sid * ROWS_PER_TILE, ROWS_PER_TILE)])

    return body(x, src, dst, wext)


def _combine_body(pa_ref, pb_ref, o_ref):
    a = pa_ref[0] + pa_ref[1] + pb_ref[0] + pb_ref[1]
    deg = jnp.maximum(a[:, WEXT:WEXT + 1], 1.0)
    s = a[:, :NS] / deg
    v = a[:, NS:WEXT] / deg
    r = lax.broadcasted_iota(jnp.int32, (3 * NV, 3 * NV), 0)
    c = lax.broadcasted_iota(jnp.int32, (3 * NV, 3 * NV), 1)
    perm = ((c % 3) * NV + (c // 3) == r).astype(jnp.float32)
    vp = jnp.dot(v, perm, preferred_element_type=jnp.float32)
    o_ref[...] = jnp.concatenate([s, vp], axis=1)


def _combine(pa, pb):
    grid = (10,)
    blk = N_NODES // 10
    spec = pl.BlockSpec((2, blk, MROW), lambda i: (0, i, 0))
    return pl.pallas_call(
        _combine_body,
        grid=grid,
        in_specs=[spec, spec],
        out_specs=pl.BlockSpec((blk, NS + 3 * NV), lambda i: (i, 0)),
        out_shape=jax.ShapeDtypeStruct((N_NODES, NS + 3 * NV), jnp.float32),
    )(pa, pb)


def kernel(x, edge_index, edge_attr, edge_sh, W1, b1, W2, b2):
    src = edge_index[0].astype(jnp.int32)
    dst = edge_index[1].astype(jnp.int32)
    ea_t = edge_attr.T
    sh_t = edge_sh.T
    b1r = b1.reshape(HID, 1)
    b2r = b2.reshape(NS + NV, 1)
    x_pad = jnp.pad(x, ((0, 0), (0, XW - NS)))

    wext_a = _mlp(ea_t, sh_t, W1, b1r, W2, b2r, SPLIT, 0)
    pa = _sc_kernel(x_pad, src, dst, wext_a, 0, SPLIT)
    wext_b = _mlp(ea_t, sh_t, W1, b1r, W2, b2r, N_EDGES - SPLIT,
                  SPLIT // MLP_BLK)
    pb = _sc_kernel(x_pad, src, dst, wext_b, SPLIT, N_EDGES - SPLIT)
    return _combine(pa, pb)

# --- scband reference (transcript-rebuilt; emitter-appended) ---
"""Pipeline reference for scband-tensor-product-model-18760417149587 (READ-ONLY COPY).

The authoritative reference and input builder live on the scoring server;
editing this copy changes nothing except your own understanding.
"""

import jax, jax.numpy as jnp
import numpy as np

NS = 64
NV = 16
HID = 192  # 3 * ns, hidden_features of tp-weight MLP
N_NODES = 10000
N_EDGES = 160000


def setup_inputs(seed: int = 0) -> dict:
    key = jax.random.key(seed)
    ks = jax.random.split(key, 8)
    x = jax.random.normal(ks[0], (N_NODES, NS), dtype=jnp.float32)
    edge_index = jax.random.randint(ks[1], (2, N_EDGES), 0, N_NODES)
    edge_attr = jax.random.normal(ks[2], (N_EDGES, HID), dtype=jnp.float32)
    edge_sh = jax.random.normal(ks[3], (N_EDGES, 4), dtype=jnp.float32)
    # tp-weight MLP parameters (two layers, relu), output one weight per tp path
    W1 = jax.random.normal(ks[4], (HID, HID), dtype=jnp.float32) * 0.05
    b1 = jnp.zeros((HID,), dtype=jnp.float32)
    W2 = jax.random.normal(ks[5], (HID, NS + NV), dtype=jnp.float32) * 0.05
    b2 = jnp.zeros((NS + NV,), dtype=jnp.float32)
    return {"x": x, "edge_index": edge_index, "edge_attr": edge_attr,
            "edge_sh": edge_sh, "W1": W1, "b1": b1, "W2": W2, "b2": b2}


def reference(x, edge_index, edge_attr, edge_sh, W1, b1, W2, b2):
    # TensorProductConvLayer core: per-edge MLP produces tensor-product path
    # weights; weighted tp of gathered source node irreps (ns x 0e) with edge
    # spherical harmonics (1x0e + 1x1o); scatter-mean aggregation to dst nodes.
    src = edge_index[0]
    dst = edge_index[1]
    n = x.shape[0]
    # tp-weight MLP over concatenated edge features (3*ns)
    h = jnp.maximum(edge_attr @ W1 + b1, 0.0)
    w = h @ W2 + b2                      # [E, ns + nv]
    h_src = jnp.take(x, src, axis=0)     # gather source node scalars [E, ns]
    # path 0e x 0e -> 0e (scalar output channels)
    msg_s = h_src * w[:, :NS]            # [E, ns]
    # path 0e x 1o -> 1o (vector output channels)
    sh_vec = edge_sh[:, 1:4]             # [E, 3]
    msg_v = (h_src[:, :NV] * w[:, NS:])[:, :, None] * sh_vec[:, None, :]  # [E, nv, 3]
    msg_v = msg_v.reshape(msg_v.shape[0], NV * 3)
    out_s = jax.ops.segment_sum(msg_s, dst, num_segments=n)
    out_v = jax.ops.segment_sum(msg_v, dst, num_segments=n)
    deg = jax.ops.segment_sum(jnp.ones_like(dst, dtype=x.dtype), dst, num_segments=n)
    deg = jnp.maximum(deg, 1.0)[:, None]
    return jnp.concatenate([out_s / deg, out_v / deg], axis=-1)  # [N, ns + 3*nv]

if __name__ == "__main__":
    import jax
    _d = setup_inputs()
    print(jax.jit(kernel)(*tuple(_d.values())))

</pallas_src>

<mosaic_0001>
#map = affine_map<(d0, d1) -> (0, 0)>
#map1 = affine_map<(d0, d1) -> (0)>
#map2 = affine_map<(d0, d1) -> (0, 0, 0)>
module attributes {stable_mosaic.version = 14 : i64} {
  func.func @body(%arg0: i32, %arg1: i32, %arg2: memref<10000x128xf32, #tpu.memory_space<hbm>>, %arg3: memref<160000xi32, #tpu.memory_space<hbm>>, %arg4: memref<160000xi32, #tpu.memory_space<hbm>>, %arg5: memref<76800x128xf32, #tpu.memory_space<hbm>>, %arg6: memref<2x10112x128xf32, #tpu.memory_space<hbm>>, %arg7: memref<64xi32, #tpu.memory_space<vmem>>, %arg8: memref<64xi32, #tpu.memory_space<vmem>>, %arg9: memref<64xi32, #tpu.memory_space<vmem>>, %arg10: memref<64xi32, #tpu.memory_space<vmem>>, %arg11: memref<32xi32, #tpu.memory_space<vmem>>, %arg12: memref<32xi32, #tpu.memory_space<vmem>>, %arg13: memref<64x128xf32, #tpu.memory_space<vmem>>, %arg14: memref<64x128xf32, #tpu.memory_space<vmem>>, %arg15: memref<64x128xf32, #tpu.memory_space<vmem>>, %arg16: memref<64x128xf32, #tpu.memory_space<vmem>>, %arg17: memref<64x128xf32, #tpu.memory_space<vmem>>, %arg18: memref<64x128xf32, #tpu.memory_space<vmem>>, %arg19: memref<10112x128xf32, #tpu.memory_space<vmem_shared>>, %arg20: memref<!tpu.dma_semaphore, #tpu.memory_space<semaphore_mem>>, %arg21: memref<!tpu.dma_semaphore, #tpu.memory_space<semaphore_mem>>, %arg22: memref<!tpu.dma_semaphore, #tpu.memory_space<semaphore_mem>>, %arg23: memref<!tpu.dma_semaphore, #tpu.memory_space<semaphore_mem>>, %arg24: memref<!tpu.dma_semaphore, #tpu.memory_space<semaphore_mem>>, %arg25: memref<!tpu.dma_semaphore, #tpu.memory_space<semaphore_mem>>, %arg26: memref<!tpu.dma_semaphore, #tpu.memory_space<semaphore_mem>>, %arg27: memref<!tpu.dma_semaphore, #tpu.memory_space<semaphore_mem>>, %arg28: memref<!tpu.dma_semaphore, #tpu.memory_space<semaphore_mem>>) attributes {dimension_semantics = [#tpu.dimension_semantics<core_parallel>, #tpu.dimension_semantics<subcore_parallel>], iteration_bounds = array<i64: 2, 16>, scalar_prefetch = 0 : i64, scratch_operands = 22 : i64, tpu.core_type = #tpu.core_type<sc_vector_subcore>, window_params = [{transform_indices = #map}, {transform_indices = #map1}, {transform_indices = #map1}, {transform_indices = #map}, {transform_indices = #map2}]} {
    %broadcast_in_dim3A = arith.constant 0.000000e+00 : f32
    %broadcast_in_dim3A_0 = vector.broadcast %broadcast_in_dim3A : f32 to vector<16xf32>
    %scan3A = arith.constant 0 : i32
    %scan3A_1 = arith.constant 0 : i32
    %scan3A_2 = arith.constant 512 : i32
    %scan3A_3 = arith.addi %scan3A_1, %scan3A_2 : i32
    %scan3A_4 = arith.constant 1 : i32
    %scan3A_5 = scf.for %scan3A_175 = %scan3A_1 to %scan3A_3 step %scan3A_4 iter_args(%scan3A_176 = %scan3A) -> (i32)  : i32 {
      %jit3A_177 = arith.constant 8 : i32
      %div3A = arith.divsi %scan3A_175, %jit3A_177 : i32
      %sign3A = arith.constant 0 : i32
      %sign3A_178 = arith.cmpi sgt, %scan3A_175, %sign3A : i32
      %sign3A_179 = arith.extui %sign3A_178 : i1 to i32
      %sign3A_180 = arith.constant 0 : i32
      %sign3A_181 = arith.cmpi slt, %scan3A_175, %sign3A_180 : i32
      %sign3A_182 = arith.extui %sign3A_181 : i1 to i32
      %sign3A_183 = arith.subi %sign3A_179, %sign3A_182 : i32
      %sign3A_184 = arith.constant 0 : i32
      %sign3A_185 = arith.cmpi sgt, %jit3A_177, %sign3A_184 : i32
      %sign3A_186 = arith.extui %sign3A_185 : i1 to i32
      %sign3A_187 = arith.constant 0 : i32
      %sign3A_188 = arith.cmpi slt, %jit3A_177, %sign3A_187 : i32
      %sign3A_189 = arith.extui %sign3A_188 : i1 to i32
      %sign3A_190 = arith.subi %sign3A_186, %sign3A_189 : i32
      %ne3A = arith.cmpi ne, %sign3A_183, %sign3A_190 : i32
      %rem3A = arith.remsi %scan3A_175, %jit3A_177 : i32
      %ne3A_191 = arith.constant 0 : i32
      %ne3A_192 = arith.cmpi ne, %rem3A, %ne3A_191 : i32
      %and3A = arith.andi %ne3A, %ne3A_192 : i1
      %sub3A = arith.constant 1 : i32
      %sub3A_193 = arith.subi %div3A, %sub3A : i32
      %select_n3A_194 = arith.select %and3A, %sub3A_193, %div3A : i32
      %jit3A_195 = arith.constant 8 : i32
      %eq3A_196 = arith.constant 0 : i32
      %eq3A_197 = arith.cmpi eq, %jit3A_195, %eq3A_196 : i32
      %jit3A_198 = arith.constant 1 : i32
      %select_n3A_199 = arith.select %eq3A_197, %jit3A_198, %jit3A_195 : i32
      %rem3A_200 = arith.remsi %scan3A_175, %select_n3A_199 : i32
      %ne3A_201 = arith.constant 0 : i32
      %ne3A_202 = arith.cmpi ne, %rem3A_200, %ne3A_201 : i32
      %lt3A = arith.constant 0 : i32
      %lt3A_203 = arith.cmpi slt, %rem3A_200, %lt3A : i32
      %lt3A_204 = arith.constant 0 : i32
      %lt3A_205 = arith.cmpi slt, %select_n3A_199, %lt3A_204 : i32
      %ne3A_206 = arith.xori %lt3A_203, %lt3A_205 : i1
      %and3A_207 = arith.andi %ne3A_206, %ne3A_202 : i1
      %add3A_208 = arith.addi %rem3A_200, %select_n3A_199 : i32
      %select_n3A_209 = arith.select %and3A_207, %add3A_208, %rem3A_200 : i32
      %mul3A_210 = arith.constant 16 : i32
      %mul3A_211 = arith.muli %select_n3A_209, %mul3A_210 : i32
      %swap3A = arith.index_cast %select_n3A_194 : i32 to index
      %swap3A_212 = arith.index_cast %mul3A_211 : i32 to index
      %swap3A_213 = tpu.vector_load %arg17[%swap3A, %swap3A_212] {strides = array<i32>} : memref<64x128xf32, #tpu.memory_space<vmem>>, vector<1x16xf32>,
      %swap3A_214 = vector.shape_cast %swap3A_213 : vector<1x16xf32> to vector<16xf32>
      %swap3A_215 = vector.shape_cast %broadcast_in_dim3A_0 : vector<16xf32> to vector<1x16xf32>
      tpu.vector_store %arg17[%swap3A, %swap3A_212], %swap3A_215 {strides = array<i32>} : memref<64x128xf32, #tpu.memory_space<vmem>>, vector<1x16xf32>,
      %scan3A_216 = arith.constant 0 : i32
      scf.yield %scan3A_216 : i32
    }
    %scan3A_6 = arith.constant 512 : i32
    %scan3A_7 = arith.constant 0 : i32
    %scan3A_8 = arith.constant 0 : i32
    %scan3A_9 = arith.constant 512 : i32
    %scan3A_10 = arith.addi %scan3A_8, %scan3A_9 : i32
    %scan3A_11 = arith.constant 1 : i32
    %scan3A_12 = scf.for %scan3A_175 = %scan3A_8 to %scan3A_10 step %scan3A_11 iter_args(%scan3A_176 = %scan3A_7) -> (i32)  : i32 {
      %jit3A_177 = arith.constant 8 : i32
      %div3A = arith.divsi %scan3A_175, %jit3A_177 : i32
      %sign3A = arith.constant 0 : i32
      %sign3A_178 = arith.cmpi sgt, %scan3A_175, %sign3A : i32
      %sign3A_179 = arith.extui %sign3A_178 : i1 to i32
      %sign3A_180 = arith.constant 0 : i32
      %sign3A_181 = arith.cmpi slt, %scan3A_175, %sign3A_180 : i32
      %sign3A_182 = arith.extui %sign3A_181 : i1 to i32
      %sign3A_183 = arith.subi %sign3A_179, %sign3A_182 : i32
      %sign3A_184 = arith.constant 0 : i32
      %sign3A_185 = arith.cmpi sgt, %jit3A_177, %sign3A_184 : i32
      %sign3A_186 = arith.extui %sign3A_185 : i1 to i32
      %sign3A_187 = arith.constant 0 : i32
      %sign3A_188 = arith.cmpi slt, %jit3A_177, %sign3A_187 : i32
      %sign3A_189 = arith.extui %sign3A_188 : i1 to i32
      %sign3A_190 = arith.subi %sign3A_186, %sign3A_189 : i32
      %ne3A = arith.cmpi ne, %sign3A_183, %sign3A_190 : i32
      %rem3A = arith.remsi %scan3A_175, %jit3A_177 : i32
      %ne3A_191 = arith.constant 0 : i32
      %ne3A_192 = arith.cmpi ne, %rem3A, %ne3A_191 : i32
      %and3A = arith.andi %ne3A, %ne3A_192 : i1
      %sub3A = arith.constant 1 : i32
      %sub3A_193 = arith.subi %div3A, %sub3A : i32
      %select_n3A_194 = arith.select %and3A, %sub3A_193, %div3A : i32
      %jit3A_195 = arith.constant 8 : i32
      %eq3A_196 = arith.constant 0 : i32
      %eq3A_197 = arith.cmpi eq, %jit3A_195, %eq3A_196 : i32
      %jit3A_198 = arith.constant 1 : i32
      %select_n3A_199 = arith.select %eq3A_197, %jit3A_198, %jit3A_195 : i32
      %rem3A_200 = arith.remsi %scan3A_175, %select_n3A_199 : i32
      %ne3A_201 = arith.constant 0 : i32
      %ne3A_202 = arith.cmpi ne, %rem3A_200, %ne3A_201 : i32
      %lt3A = arith.constant 0 : i32
      %lt3A_203 = arith.cmpi slt, %rem3A_200, %lt3A : i32
      %lt3A_204 = arith.constant 0 : i32
      %lt3A_205 = arith.cmpi slt, %select_n3A_199, %lt3A_204 : i32
      %ne3A_206 = arith.xori %lt3A_203, %lt3A_205 : i1
      %and3A_207 = arith.andi %ne3A_206, %ne3A_202 : i1
      %add3A_208 = arith.addi %rem3A_200, %select_n3A_199 : i32
      %select_n3A_209 = arith.select %and3A_207, %add3A_208, %rem3A_200 : i32
      %mul3A_210 = arith.constant 16 : i32
      %mul3A_211 = arith.muli %select_n3A_209, %mul3A_210 : i32
      %swap3A = arith.index_cast %select_n3A_194 : i32 to index
      %swap3A_212 = arith.index_cast %mul3A_211 : i32 to index
      %swap3A_213 = tpu.vector_load %arg18[%swap3A, %swap3A_212] {strides = array<i32>} : memref<64x128xf32, #tpu.memory_space<vmem>>, vector<1x16xf32>,
      %swap3A_214 = vector.shape_cast %swap3A_213 : vector<1x16xf32> to vector<16xf32>
      %swap3A_215 = vector.shape_cast %broadcast_in_dim3A_0 : vector<16xf32> to vector<1x16xf32>
      tpu.vector_store %arg18[%swap3A, %swap3A_212], %swap3A_215 {strides = array<i32>} : memref<64x128xf32, #tpu.memory_space<vmem>>, vector<1x16xf32>,
      %scan3A_216 = arith.constant 0 : i32
      scf.yield %scan3A_216 : i32
    }
    %scan3A_13 = arith.constant 512 : i32
    %mul3A = arith.constant 632 : i32
    %mul3A_14 = arith.muli %arg1, %mul3A : i32
    %add3A = arith.constant 0 : i32
    %add3A_15 = arith.addi %mul3A_14, %add3A : i32
    "tpu.region"() ({
      %run_scoped3A = tpu.sem_alloc : memref<!tpu.dma_semaphore, #tpu.memory_space<semaphore_mem>>
      %dma_start3A_175 = arith.constant 0 : i32
      %dma_start3A_176 = tpu.memref_slice %arg19[%add3A_15, %dma_start3A_175] : memref<10112x128xf32, #tpu.memory_space<vmem_shared>> -> memref<64x128xf32, #tpu.memory_space<vmem_shared>>
      %dma_start3A_177 = arith.constant 0 : i32
      %dma_start3A_178 = tpu.memref_slice %arg19[%add3A_15, %dma_start3A_177] : memref<10112x128xf32, #tpu.memory_space<vmem_shared>> -> memref<64x128xf32, #tpu.memory_space<vmem_shared>>
      tpu.enqueue_dma source(%arg17 : memref<64x128xf32, #tpu.memory_space<vmem>>) target(%dma_start3A_178 : memref<64x128xf32, #tpu.memory_space<vmem_shared>>) target_semaphore(%run_scoped3A : memref<!tpu.dma_semaphore, #tpu.memory_space<semaphore_mem>>)
      %dma_wait3A_179 = arith.constant 0 : i32
      %dma_wait3A_180 = tpu.memref_slice %arg19[%add3A_15, %dma_wait3A_179] : memref<10112x128xf32, #tpu.memory_space<vmem_shared>> -> memref<64x128xf32, #tpu.memory_space<vmem_shared>>
      %dma_wait3A_181 = arith.constant 0 : i32
      %dma_wait3A_182 = tpu.memref_slice %arg19[%add3A_15, %dma_wait3A_181] : memref<10112x128xf32, #tpu.memory_space<vmem_shared>> -> memref<64x128xf32, #tpu.memory_space<vmem_shared>>
      tpu.wait_dma2 semaphore(%run_scoped3A : memref<!tpu.dma_semaphore, #tpu.memory_space<semaphore_mem>>) src(%arg17 : memref<64x128xf32, #tpu.memory_space<vmem>>) dst(%dma_wait3A_182 : memref<64x128xf32, #tpu.memory_space<vmem_shared>>)
      tpu.yield
    }) : () -> ()
    %mul3A_16 = arith.constant 632 : i32
    %mul3A_17 = arith.muli %arg1, %mul3A_16 : i32
    %add3A_18 = arith.constant 64 : i32
    %add3A_19 = arith.addi %mul3A_17, %add3A_18 : i32
    "tpu.region"() ({
      %run_scoped3A = tpu.sem_alloc : memref<!tpu.dma_semaphore, #tpu.memory_space<semaphore_mem>>
      %dma_start3A_175 = arith.constant 0 : i32
      %dma_start3A_176 = tpu.memref_slice %arg19[%add3A_19, %dma_start3A_175] : memref<10112x128xf32, #tpu.memory_space<vmem_shared>> -> memref<64x128xf32, #tpu.memory_space<vmem_shared>>
      %dma_start3A_177 = arith.constant 0 : i32
      %dma_start3A_178 = tpu.memref_slice %arg19[%add3A_19, %dma_start3A_177] : memref<10112x128xf32, #tpu.memory_space<vmem_shared>> -> memref<64x128xf32, #tpu.memory_space<vmem_shared>>
      tpu.enqueue_dma source(%arg17 : memref<64x128xf32, #tpu.memory_space<vmem>>) target(%dma_start3A_178 : memref<64x128xf32, #tpu.memory_space<vmem_shared>>) target_semaphore(%run_scoped3A : memref<!tpu.dma_semaphore, #tpu.memory_space<semaphore_mem>>)
      %dma_wait3A_179 = arith.constant 0 : i32
      %dma_wait3A_180 = tpu.memref_slice %arg19[%add3A_19, %dma_wait3A_179] : memref<10112x128xf32, #tpu.memory_space<vmem_shared>> -> memref<64x128xf32, #tpu.memory_space<vmem_shared>>
      %dma_wait3A_181 = arith.constant 0 : i32
      %dma_wait3A_182 = tpu.memref_slice %arg19[%add3A_19, %dma_wait3A_181] : memref<10112x128xf32, #tpu.memory_space<vmem_shared>> -> memref<64x128xf32, #tpu.memory_space<vmem_shared>>
      tpu.wait_dma2 semaphore(%run_scoped3A : memref<!tpu.dma_semaphore, #tpu.memory_space<semaphore_mem>>) src(%arg17 : memref<64x128xf32, #tpu.memory_space<vmem>>) dst(%dma_wait3A_182 : memref<64x128xf32, #tpu.memory_space<vmem_shared>>)
      tpu.yield
    }) : () -> ()
    %mul3A_20 = arith.constant 632 : i32
    %mul3A_21 = arith.muli %arg1, %mul3A_20 : i32
    %add3A_22 = arith.constant 128 : i32
    %add3A_23 = arith.addi %mul3A_21, %add3A_22 : i32
    "tpu.region"() ({
      %run_scoped3A = tpu.sem_alloc : memref<!tpu.dma_semaphore, #tpu.memory_space<semaphore_mem>>
      %dma_start3A_175 = arith.constant 0 : i32
      %dma_start3A_176 = tpu.memref_slice %arg19[%add3A_23, %dma_start3A_175] : memref<10112x128xf32, #tpu.memory_space<vmem_shared>> -> memref<64x128xf32, #tpu.memory_space<vmem_shared>>
      %dma_start3A_177 = arith.constant 0 : i32
      %dma_start3A_178 = tpu.memref_slice %arg19[%add3A_23, %dma_start3A_177] : memref<10112x128xf32, #tpu.memory_space<vmem_shared>> -> memref<64x128xf32, #tpu.memory_space<vmem_shared>>
      tpu.enqueue_dma source(%arg17 : memref<64x128xf32, #tpu.memory_space<vmem>>) target(%dma_start3A_178 : memref<64x128xf32, #tpu.memory_space<vmem_shared>>) target_semaphore(%run_scoped3A : memref<!tpu.dma_semaphore, #tpu.memory_space<semaphore_mem>>)
      %dma_wait3A_179 = arith.constant 0 : i32
      %dma_wait3A_180 = tpu.memref_slice %arg19[%add3A_23, %dma_wait3A_179] : memref<10112x128xf32, #tpu.memory_space<vmem_shared>> -> memref<64x128xf32, #tpu.memory_space<vmem_shared>>
      %dma_wait3A_181 = arith.constant 0 : i32
      %dma_wait3A_182 = tpu.memref_slice %arg19[%add3A_23, %dma_wait3A_181] : memref<10112x128xf32, #tpu.memory_space<vmem_shared>> -> memref<64x128xf32, #tpu.memory_space<vmem_shared>>
      tpu.wait_dma2 semaphore(%run_scoped3A : memref<!tpu.dma_semaphore, #tpu.memory_space<semaphore_mem>>) src(%arg17 : memref<64x128xf32, #tpu.memory_space<vmem>>) dst(%dma_wait3A_182 : memref<64x128xf32, #tpu.memory_space<vmem_shared>>)
      tpu.yield
    }) : () -> ()
    %mul3A_24 = arith.constant 632 : i32
    %mul3A_25 = arith.muli %arg1, %mul3A_24 : i32
    %add3A_26 = arith.constant 192 : i32
    %add3A_27 = arith.addi %mul3A_25, %add3A_26 : i32
    "tpu.region"() ({
      %run_scoped3A = tpu.sem_alloc : memref<!tpu.dma_semaphore, #tpu.memory_space<semaphore_mem>>
      %dma_start3A_175 = arith.constant 0 : i32
      %dma_start3A_176 = tpu.memref_slice %arg19[%add3A_27, %dma_start3A_175] : memref<10112x128xf32, #tpu.memory_space<vmem_shared>> -> memref<64x128xf32, #tpu.memory_space<vmem_shared>>
      %dma_start3A_177 = arith.constant 0 : i32
      %dma_start3A_178 = tpu.memref_slice %arg19[%add3A_27, %dma_start3A_177] : memref<10112x128xf32, #tpu.memory_space<vmem_shared>> -> memref<64x128xf32, #tpu.memory_space<vmem_shared>>
      tpu.enqueue_dma source(%arg17 : memref<64x128xf32, #tpu.memory_space<vmem>>) target(%dma_start3A_178 : memref<64x128xf32, #tpu.memory_space<vmem_shared>>) target_semaphore(%run_scoped3A : memref<!tpu.dma_semaphore, #tpu.memory_space<semaphore_mem>>)
      %dma_wait3A_179 = arith.constant 0 : i32
      %dma_wait3A_180 = tpu.memref_slice %arg19[%add3A_27, %dma_wait3A_179] : memref<10112x128xf32, #tpu.memory_space<vmem_shared>> -> memref<64x128xf32, #tpu.memory_space<vmem_shared>>
      %dma_wait3A_181 = arith.constant 0 : i32
      %dma_wait3A_182 = tpu.memref_slice %arg19[%add3A_27, %dma_wait3A_181] : memref<10112x128xf32, #tpu.memory_space<vmem_shared>> -> memref<64x128xf32, #tpu.memory_space<vmem_shared>>
      tpu.wait_dma2 semaphore(%run_scoped3A : memref<!tpu.dma_semaphore, #tpu.memory_space<semaphore_mem>>) src(%arg17 : memref<64x128xf32, #tpu.memory_space<vmem>>) dst(%dma_wait3A_182 : memref<64x128xf32, #tpu.memory_space<vmem_shared>>)
      tpu.yield
    }) : () -> ()
    %mul3A_28 = arith.constant 632 : i32
    %mul3A_29 = arith.muli %arg1, %mul3A_28 : i32
    %add3A_30 = arith.constant 256 : i32
    %add3A_31 = arith.addi %mul3A_29, %add3A_30 : i32
    "tpu.region"() ({
      %run_scoped3A = tpu.sem_alloc : memref<!tpu.dma_semaphore, #tpu.memory_space<semaphore_mem>>
      %dma_start3A_175 = arith.constant 0 : i32
      %dma_start3A_176 = tpu.memref_slice %arg19[%add3A_31, %dma_start3A_175] : memref<10112x128xf32, #tpu.memory_space<vmem_shared>> -> memref<64x128xf32, #tpu.memory_space<vmem_shared>>
      %dma_start3A_177 = arith.constant 0 : i32
      %dma_start3A_178 = tpu.memref_slice %arg19[%add3A_31, %dma_start3A_177] : memref<10112x128xf32, #tpu.memory_space<vmem_shared>> -> memref<64x128xf32, #tpu.memory_space<vmem_shared>>
      tpu.enqueue_dma source(%arg17 : memref<64x128xf32, #tpu.memory_space<vmem>>) target(%dma_start3A_178 : memref<64x128xf32, #tpu.memory_space<vmem_shared>>) target_semaphore(%run_scoped3A : memref<!tpu.dma_semaphore, #tpu.memory_space<semaphore_mem>>)
      %dma_wait3A_179 = arith.constant 0 : i32
      %dma_wait3A_180 = tpu.memref_slice %arg19[%add3A_31, %dma_wait3A_179] : memref<10112x128xf32, #tpu.memory_space<vmem_shared>> -> memref<64x128xf32, #tpu.memory_space<vmem_shared>>
      %dma_wait3A_181 = arith.constant 0 : i32
      %dma_wait3A_182 = tpu.memref_slice %arg19[%add3A_31, %dma_wait3A_181] : memref<10112x128xf32, #tpu.memory_space<vmem_shared>> -> memref<64x128xf32, #tpu.memory_space<vmem_shared>>
      tpu.wait_dma2 semaphore(%run_scoped3A : memref<!tpu.dma_semaphore, #tpu.memory_space<semaphore_mem>>) src(%arg17 : memref<64x128xf32, #tpu.memory_space<vmem>>) dst(%dma_wait3A_182 : memref<64x128xf32, #tpu.memory_space<vmem_shared>>)
      tpu.yield
    }) : () -> ()
    %mul3A_32 = arith.constant 632 : i32
    %mul3A_33 = arith.muli %arg1, %mul3A_32 : i32
    %add3A_34 = arith.constant 320 : i32
    %add3A_35 = arith.addi %mul3A_33, %add3A_34 : i32
    "tpu.region"() ({
      %run_scoped3A = tpu.sem_alloc : memref<!tpu.dma_semaphore, #tpu.memory_space<semaphore_mem>>
      %dma_start3A_175 = arith.constant 0 : i32
      %dma_start3A_176 = tpu.memref_slice %arg19[%add3A_35, %dma_start3A_175] : memref<10112x128xf32, #tpu.memory_space<vmem_shared>> -> memref<64x128xf32, #tpu.memory_space<vmem_shared>>
      %dma_start3A_177 = arith.constant 0 : i32
      %dma_start3A_178 = tpu.memref_slice %arg19[%add3A_35, %dma_start3A_177] : memref<10112x128xf32, #tpu.memory_space<vmem_shared>> -> memref<64x128xf32, #tpu.memory_space<vmem_shared>>
      tpu.enqueue_dma source(%arg17 : memref<64x128xf32, #tpu.memory_space<vmem>>) target(%dma_start3A_178 : memref<64x128xf32, #tpu.memory_space<vmem_shared>>) target_semaphore(%run_scoped3A : memref<!tpu.dma_semaphore, #tpu.memory_space<semaphore_mem>>)
      %dma_wait3A_179 = arith.constant 0 : i32
      %dma_wait3A_180 = tpu.memref_slice %arg19[%add3A_35, %dma_wait3A_179] : memref<10112x128xf32, #tpu.memory_space<vmem_shared>> -> memref<64x128xf32, #tpu.memory_space<vmem_shared>>
      %dma_wait3A_181 = arith.constant 0 : i32
      %dma_wait3A_182 = tpu.memref_slice %arg19[%add3A_35, %dma_wait3A_181] : memref<10112x128xf32, #tpu.memory_space<vmem_shared>> -> memref<64x128xf32, #tpu.memory_space<vmem_shared>>
      tpu.wait_dma2 semaphore(%run_scoped3A : memref<!tpu.dma_semaphore, #tpu.memory_space<semaphore_mem>>) src(%arg17 : memref<64x128xf32, #tpu.memory_space<vmem>>) dst(%dma_wait3A_182 : memref<64x128xf32, #tpu.memory_space<vmem_shared>>)
      tpu.yield
    }) : () -> ()
    %mul3A_36 = arith.constant 632 : i32
    %mul3A_37 = arith.muli %arg1, %mul3A_36 : i32
    %add3A_38 = arith.constant 384 : i32
    %add3A_39 = arith.addi %mul3A_37, %add3A_38 : i32
    "tpu.region"() ({
      %run_scoped3A = tpu.sem_alloc : memref<!tpu.dma_semaphore, #tpu.memory_space<semaphore_mem>>
      %dma_start3A_175 = arith.constant 0 : i32
      %dma_start3A_176 = tpu.memref_slice %arg19[%add3A_39, %dma_start3A_175] : memref<10112x128xf32, #tpu.memory_space<vmem_shared>> -> memref<64x128xf32, #tpu.memory_space<vmem_shared>>
      %dma_start3A_177 = arith.constant 0 : i32
      %dma_start3A_178 = tpu.memref_slice %arg19[%add3A_39, %dma_start3A_177] : memref<10112x128xf32, #tpu.memory_space<vmem_shared>> -> memref<64x128xf32, #tpu.memory_space<vmem_shared>>
      tpu.enqueue_dma source(%arg17 : memref<64x128xf32, #tpu.memory_space<vmem>>) target(%dma_start3A_178 : memref<64x128xf32, #tpu.memory_space<vmem_shared>>) target_semaphore(%run_scoped3A : memref<!tpu.dma_semaphore, #tpu.memory_space<semaphore_mem>>)
      %dma_wait3A_179 = arith.constant 0 : i32
      %dma_wait3A_180 = tpu.memref_slice %arg19[%add3A_39, %dma_wait3A_179] : memref<10112x128xf32, #tpu.memory_space<vmem_shared>> -> memref<64x128xf32, #tpu.memory_space<vmem_shared>>
      %dma_wait3A_181 = arith.constant 0 : i32
      %dma_wait3A_182 = tpu.memref_slice %arg19[%add3A_39, %dma_wait3A_181] : memref<10112x128xf32, #tpu.memory_space<vmem_shared>> -> memref<64x128xf32, #tpu.memory_space<vmem_shared>>
      tpu.wait_dma2 semaphore(%run_scoped3A : memref<!tpu.dma_semaphore, #tpu.memory_space<semaphore_mem>>) src(%arg17 : memref<64x128xf32, #tpu.memory_space<vmem>>) dst(%dma_wait3A_182 : memref<64x128xf32, #tpu.memory_space<vmem_shared>>)
      tpu.yield
    }) : () -> ()
    %mul3A_40 = arith.constant 632 : i32
    %mul3A_41 = arith.muli %arg1, %mul3A_40 : i32
    %add3A_42 = arith.constant 448 : i32
    %add3A_43 = arith.addi %mul3A_41, %add3A_42 : i32
    "tpu.region"() ({
      %run_scoped3A = tpu.sem_alloc : memref<!tpu.dma_semaphore, #tpu.memory_space<semaphore_mem>>
      %dma_start3A_175 = arith.constant 0 : i32
      %dma_start3A_176 = tpu.memref_slice %arg19[%add3A_43, %dma_start3A_175] : memref<10112x128xf32, #tpu.memory_space<vmem_shared>> -> memref<64x128xf32, #tpu.memory_space<vmem_shared>>
      %dma_start3A_177 = arith.constant 0 : i32
      %dma_start3A_178 = tpu.memref_slice %arg19[%add3A_43, %dma_start3A_177] : memref<10112x128xf32, #tpu.memory_space<vmem_shared>> -> memref<64x128xf32, #tpu.memory_space<vmem_shared>>
      tpu.enqueue_dma source(%arg17 : memref<64x128xf32, #tpu.memory_space<vmem>>) target(%dma_start3A_178 : memref<64x128xf32, #tpu.memory_space<vmem_shared>>) target_semaphore(%run_scoped3A : memref<!tpu.dma_semaphore, #tpu.memory_space<semaphore_mem>>)
      %dma_wait3A_179 = arith.constant 0 : i32
      %dma_wait3A_180 = tpu.memref_slice %arg19[%add3A_43, %dma_wait3A_179] : memref<10112x128xf32, #tpu.memory_space<vmem_shared>> -> memref<64x128xf32, #tpu.memory_space<vmem_shared>>
      %dma_wait3A_181 = arith.constant 0 : i32
      %dma_wait3A_182 = tpu.memref_slice %arg19[%add3A_43, %dma_wait3A_181] : memref<10112x128xf32, #tpu.memory_space<vmem_shared>> -> memref<64x128xf32, #tpu.memory_space<vmem_shared>>
      tpu.wait_dma2 semaphore(%run_scoped3A : memref<!tpu.dma_semaphore, #tpu.memory_space<semaphore_mem>>) src(%arg17 : memref<64x128xf32, #tpu.memory_space<vmem>>) dst(%dma_wait3A_182 : memref<64x128xf32, #tpu.memory_space<vmem_shared>>)
      tpu.yield
    }) : () -> ()
    %mul3A_44 = arith.constant 632 : i32
    %mul3A_45 = arith.muli %arg1, %mul3A_44 : i32
    %add3A_46 = arith.constant 512 : i32
    %add3A_47 = arith.addi %mul3A_45, %add3A_46 : i32
    "tpu.region"() ({
      %run_scoped3A = tpu.sem_alloc : memref<!tpu.dma_semaphore, #tpu.memory_space<semaphore_mem>>
      %dma_start3A_175 = arith.constant 0 : i32
      %dma_start3A_176 = tpu.memref_slice %arg19[%add3A_47, %dma_start3A_175] : memref<10112x128xf32, #tpu.memory_space<vmem_shared>> -> memref<64x128xf32, #tpu.memory_space<vmem_shared>>
      %dma_start3A_177 = arith.constant 0 : i32
      %dma_start3A_178 = tpu.memref_slice %arg19[%add3A_47, %dma_start3A_177] : memref<10112x128xf32, #tpu.memory_space<vmem_shared>> -> memref<64x128xf32, #tpu.memory_space<vmem_shared>>
      tpu.enqueue_dma source(%arg17 : memref<64x128xf32, #tpu.memory_space<vmem>>) target(%dma_start3A_178 : memref<64x128xf32, #tpu.memory_space<vmem_shared>>) target_semaphore(%run_scoped3A : memref<!tpu.dma_semaphore, #tpu.memory_space<semaphore_mem>>)
      %dma_wait3A_179 = arith.constant 0 : i32
      %dma_wait3A_180 = tpu.memref_slice %arg19[%add3A_47, %dma_wait3A_179] : memref<10112x128xf32, #tpu.memory_space<vmem_shared>> -> memref<64x128xf32, #tpu.memory_space<vmem_shared>>
      %dma_wait3A_181 = arith.constant 0 : i32
      %dma_wait3A_182 = tpu.memref_slice %arg19[%add3A_47, %dma_wait3A_181] : memref<10112x128xf32, #tpu.memory_space<vmem_shared>> -> memref<64x128xf32, #tpu.memory_space<vmem_shared>>
      tpu.wait_dma2 semaphore(%run_scoped3A : memref<!tpu.dma_semaphore, #tpu.memory_space<semaphore_mem>>) src(%arg17 : memref<64x128xf32, #tpu.memory_space<vmem>>) dst(%dma_wait3A_182 : memref<64x128xf32, #tpu.memory_space<vmem_shared>>)
      tpu.yield
    }) : () -> ()
    %mul3A_48 = arith.constant 632 : i32
    %mul3A_49 = arith.muli %arg1, %mul3A_48 : i32
    %add3A_50 = arith.constant 576 : i32
    %add3A_51 = arith.addi %mul3A_49, %add3A_50 : i32
    "tpu.region"() ({
      %run_scoped3A = tpu.sem_alloc : memref<!tpu.dma_semaphore, #tpu.memory_space<semaphore_mem>>
      %dma_start3A_175 = arith.constant 0 : i32
      %dma_start3A_176 = arith.constant 0 : i32
      %dma_start3A_177 = tpu.memref_slice %arg17[%dma_start3A_175, %dma_start3A_176] : memref<64x128xf32, #tpu.memory_space<vmem>> -> memref<56x128xf32, #tpu.memory_space<vmem>>
      %dma_start3A_178 = arith.constant 0 : i32
      %dma_start3A_179 = tpu.memref_slice %arg19[%add3A_51, %dma_start3A_178] : memref<10112x128xf32, #tpu.memory_space<vmem_shared>> -> memref<56x128xf32, #tpu.memory_space<vmem_shared>>
      %dma_start3A_180 = arith.constant 0 : i32
      %dma_start3A_181 = tpu.memref_slice %arg19[%add3A_51, %dma_start3A_180] : memref<10112x128xf32, #tpu.memory_space<vmem_shared>> -> memref<56x128xf32, #tpu.memory_space<vmem_shared>>
      %dma_start3A_182 = arith.constant 0 : i32
      %dma_start3A_183 = arith.constant 0 : i32
      %dma_start3A_184 = tpu.memref_slice %arg17[%dma_start3A_182, %dma_start3A_183] : memref<64x128xf32, #tpu.memory_space<vmem>> -> memref<56x128xf32, #tpu.memory_space<vmem>>
      tpu.enqueue_dma source(%dma_start3A_184 : memref<56x128xf32, #tpu.memory_space<vmem>>) target(%dma_start3A_181 : memref<56x128xf32, #tpu.memory_space<vmem_shared>>) target_semaphore(%run_scoped3A : memref<!tpu.dma_semaphore, #tpu.memory_space<semaphore_mem>>)
      %dma_wait3A_185 = arith.constant 0 : i32
      %dma_wait3A_186 = arith.constant 0 : i32
      %dma_wait3A_187 = tpu.memref_slice %arg17[%dma_wait3A_185, %dma_wait3A_186] : memref<64x128xf32, #tpu.memory_space<vmem>> -> memref<56x128xf32, #tpu.memory_space<vmem>>
      %dma_wait3A_188 = arith.constant 0 : i32
      %dma_wait3A_189 = tpu.memref_slice %arg19[%add3A_51, %dma_wait3A_188] : memref<10112x128xf32, #tpu.memory_space<vmem_shared>> -> memref<56x128xf32, #tpu.memory_space<vmem_shared>>
      %dma_wait3A_190 = arith.constant 0 : i32
      %dma_wait3A_191 = tpu.memref_slice %arg19[%add3A_51, %dma_wait3A_190] : memref<10112x128xf32, #tpu.memory_space<vmem_shared>> -> memref<56x128xf32, #tpu.memory_space<vmem_shared>>
      %dma_wait3A_192 = arith.constant 0 : i32
      %dma_wait3A_193 = arith.constant 0 : i32
      %dma_wait3A_194 = tpu.memref_slice %arg17[%dma_wait3A_192, %dma_wait3A_193] : memref<64x128xf32, #tpu.memory_space<vmem>> -> memref<56x128xf32, #tpu.memory_space<vmem>>
      tpu.wait_dma2 semaphore(%run_scoped3A : memref<!tpu.dma_semaphore, #tpu.memory_space<semaphore_mem>>) src(%dma_wait3A_194 : memref<56x128xf32, #tpu.memory_space<vmem>>) dst(%dma_wait3A_191 : memref<56x128xf32, #tpu.memory_space<vmem_shared>>)
      tpu.yield
    }) : () -> ()
    %iota3A = tpu.iota {dimensions = array<i32: 0>} : vector<16xi32>
    %eq3A = arith.constant 0 : i32
    %eq3A_52 = vector.broadcast %eq3A : i32 to vector<16xi32>
    %eq3A_53 = arith.cmpi eq, %iota3A, %eq3A_52 : vector<16xi32>
    %jit3A = arith.constant 1.000000e+00 : f32
    %jit3A_54 = arith.constant 0.000000e+00 : f32
    %broadcast_in_dim3A_55 = vector.broadcast %jit3A : f32 to vector<16xf32>
    %broadcast_in_dim3A_56 = vector.broadcast %jit3A_54 : f32 to vector<16xf32>
    %select_n3A = arith.select %eq3A_53, %broadcast_in_dim3A_55, %broadcast_in_dim3A_56 : vector<16xi1>, vector<16xf32>
    %scan3A_57 = arith.constant 0 : i32
    %scan3A_58 = arith.constant 0 : i32
    %scan3A_59 = arith.constant 64 : i32
    %scan3A_60 = arith.addi %scan3A_58, %scan3A_59 : i32
    %scan3A_61 = arith.constant 1 : i32
    %scan3A_62 = scf.for %scan3A_175 = %scan3A_58 to %scan3A_60 step %scan3A_61 iter_args(%scan3A_176 = %scan3A_57) -> (i32)  : i32 {
      %swap3A = arith.index_cast %scan3A_175 : i32 to index
      %swap3A_177 = arith.constant 112 : index
      %swap3A_178 = tpu.vector_load %arg17[%swap3A, %swap3A_177] {strides = array<i32>} : memref<64x128xf32, #tpu.memory_space<vmem>>, vector<1x16xf32>,
      %swap3A_179 = vector.shape_cast %swap3A_178 : vector<1x16xf32> to vector<16xf32>
      %swap3A_180 = vector.shape_cast %select_n3A : vector<16xf32> to vector<1x16xf32>
      tpu.vector_store %arg17[%swap3A, %swap3A_177], %swap3A_180 {strides = array<i32>} : memref<64x128xf32, #tpu.memory_space<vmem>>, vector<1x16xf32>,
      %scan3A_181 = arith.constant 0 : i32
      scf.yield %scan3A_181 : i32
    }
    %scan3A_63 = arith.constant 64 : i32
    %scan3A_64 = arith.constant 0 : i32
    %scan3A_65 = arith.constant 0 : i32
    %scan3A_66 = arith.constant 64 : i32
    %scan3A_67 = arith.addi %scan3A_65, %scan3A_66 : i32
    %scan3A_68 = arith.constant 1 : i32
    %scan3A_69 = scf.for %scan3A_175 = %scan3A_65 to %scan3A_67 step %scan3A_68 iter_args(%scan3A_176 = %scan3A_64) -> (i32)  : i32 {
      %swap3A = arith.index_cast %scan3A_175 : i32 to index
      %swap3A_177 = arith.constant 112 : index
      %swap3A_178 = tpu.vector_load %arg18[%swap3A, %swap3A_177] {strides = array<i32>} : memref<64x128xf32, #tpu.memory_space<vmem>>, vector<1x16xf32>,
      %swap3A_179 = vector.shape_cast %swap3A_178 : vector<1x16xf32> to vector<16xf32>
      %swap3A_180 = vector.shape_cast %select_n3A : vector<16xf32> to vector<1x16xf32>
      tpu.vector_store %arg18[%swap3A, %swap3A_177], %swap3A_180 {strides = array<i32>} : memref<64x128xf32, #tpu.memory_space<vmem>>, vector<1x16xf32>,
      %scan3A_181 = arith.constant 0 : i32
      scf.yield %scan3A_181 : i32
    }
    %scan3A_70 = arith.constant 64 : i32
    %barrier3A = arith.constant 0 : index
    tpu.barrier barrier_id(%barrier3A)
    %mul3A_71 = arith.constant 16 : i32
    %mul3A_72 = arith.muli %arg0, %mul3A_71 : i32
    %add3A_73 = arith.addi %mul3A_72, %arg1 : i32
    %mul3A_74 = arith.constant 2400 : i32
    %mul3A_75 = arith.muli %add3A_73, %mul3A_74 : i32
    %add3A_76 = arith.constant 0 : i32
    %add3A_77 = arith.addi %add3A_76, %mul3A_75 : i32
    %add3A_78 = arith.constant 0 : i32
    %add3A_79 = arith.addi %add3A_77, %add3A_78 : i32
    %dma_start3A = tpu.memref_slice %arg3[%add3A_79] : memref<160000xi32, #tpu.memory_space<hbm>> -> memref<64xi32, #tpu.memory_space<hbm>>
    %dma_start3A_80 = tpu.memref_slice %arg3[%add3A_79] : memref<160000xi32, #tpu.memory_space<hbm>> -> memref<64xi32, #tpu.memory_space<hbm>>
    tpu.enqueue_dma source(%dma_start3A_80 : memref<64xi32, #tpu.memory_space<hbm>>) target(%arg7 : memref<64xi32, #tpu.memory_space<vmem>>) target_semaphore(%arg20 : memref<!tpu.dma_semaphore, #tpu.memory_space<semaphore_mem>>)
    %add3A_81 = arith.constant 0 : i32
    %add3A_82 = arith.addi %mul3A_75, %add3A_81 : i32
    %dma_start3A_83 = arith.constant 0 : i32
    %dma_start3A_84 = tpu.memref_slice %arg5[%add3A_82, %dma_start3A_83] : memref<76800x128xf32, #tpu.memory_space<hbm>> -> memref<64x128xf32, #tpu.memory_space<hbm>>
    %dma_start3A_85 = arith.constant 0 : i32
    %dma_start3A_86 = tpu.memref_slice %arg5[%add3A_82, %dma_start3A_85] : memref<76800x128xf32, #tpu.memory_space<hbm>> -> memref<64x128xf32, #tpu.memory_space<hbm>>
    tpu.enqueue_dma source(%dma_start3A_86 : memref<64x128xf32, #tpu.memory_space<hbm>>) target(%arg15 : memref<64x128xf32, #tpu.memory_space<vmem>>) target_semaphore(%arg22 : memref<!tpu.dma_semaphore, #tpu.memory_space<semaphore_mem>>)
    %add3A_87 = arith.constant 64 : i32
    %add3A_88 = arith.addi %add3A_77, %add3A_87 : i32
    %dma_start3A_89 = tpu.memref_slice %arg3[%add3A_88] : memref<160000xi32, #tpu.memory_space<hbm>> -> memref<64xi32, #tpu.memory_space<hbm>>
    %dma_start3A_90 = tpu.memref_slice %arg3[%add3A_88] : memref<160000xi32, #tpu.memory_space<hbm>> -> memref<64xi32, #tpu.memory_space<hbm>>
    tpu.enqueue_dma source(%dma_start3A_90 : memref<64xi32, #tpu.memory_space<hbm>>) target(%arg8 : memref<64xi32, #tpu.memory_space<vmem>>) target_semaphore(%arg21 : memref<!tpu.dma_semaphore, #tpu.memory_space<semaphore_mem>>)
    %add3A_91 = arith.constant 64 : i32
    %add3A_92 = arith.addi %mul3A_75, %add3A_91 : i32
    %dma_start3A_93 = arith.constant 0 : i32
    %dma_start3A_94 = tpu.memref_slice %arg5[%add3A_92, %dma_start3A_93] : memref<76800x128xf32, #tpu.memory_space<hbm>> -> memref<64x128xf32, #tpu.memory_space<hbm>>
    %dma_start3A_95 = arith.constant 0 : i32
    %dma_start3A_96 = tpu.memref_slice %arg5[%add3A_92, %dma_start3A_95] : memref<76800x128xf32, #tpu.memory_space<hbm>> -> memref<64x128xf32, #tpu.memory_space<hbm>>
    tpu.enqueue_dma source(%dma_start3A_96 : memref<64x128xf32, #tpu.memory_space<hbm>>) target(%arg16 : memref<64x128xf32, #tpu.memory_space<vmem>>) target_semaphore(%arg23 : memref<!tpu.dma_semaphore, #tpu.memory_space<semaphore_mem>>)
    %dma_wait3A = tpu.memref_slice %arg3[%add3A_77] : memref<160000xi32, #tpu.memory_space<hbm>> -> memref<64xi32, #tpu.memory_space<hbm>>
    %dma_wait3A_97 = tpu.memref_slice %arg3[%add3A_77] : memref<160000xi32, #tpu.memory_space<hbm>> -> memref<64xi32, #tpu.memory_space<hbm>>
    tpu.wait_dma2 semaphore(%arg20 : memref<!tpu.dma_semaphore, #tpu.memory_space<semaphore_mem>>) src(%dma_wait3A_97 : memref<64xi32, #tpu.memory_space<hbm>>) dst(%arg7 : memref<64xi32, #tpu.memory_space<vmem>>)
    %dma_start3A_98 = arith.constant 0 : i32
    %dma_start3A_99 = arith.constant 0 : i32
    %dma_start3A_100 = tpu.memref_slice %arg2[%dma_start3A_98, %dma_start3A_99] : memref<10000x128xf32, #tpu.memory_space<hbm>> -> memref<10000x128xf32, #tpu.memory_space<hbm>>
    tpu.enqueue_indirect_dma source(%dma_start3A_100 : memref<10000x128xf32, #tpu.memory_space<hbm>>) target(%arg13 : memref<64x128xf32, #tpu.memory_space<vmem>>) offsets(%arg7 : memref<64xi32, #tpu.memory_space<vmem>>) semaphore(%arg24 : memref<!tpu.dma_semaphore, #tpu.memory_space<semaphore_mem>>)
    %dma_wait3A_101 = tpu.memref_slice %arg3[%add3A_77] : memref<160000xi32, #tpu.memory_space<hbm>> -> memref<64xi32, #tpu.memory_space<hbm>>
    %dma_wait3A_102 = tpu.memref_slice %arg3[%add3A_77] : memref<160000xi32, #tpu.memory_space<hbm>> -> memref<64xi32, #tpu.memory_space<hbm>>
    tpu.wait_dma2 semaphore(%arg21 : memref<!tpu.dma_semaphore, #tpu.memory_space<semaphore_mem>>) src(%dma_wait3A_102 : memref<64xi32, #tpu.memory_space<hbm>>) dst(%arg8 : memref<64xi32, #tpu.memory_space<vmem>>)
    %dma_start3A_103 = arith.constant 0 : i32
    %dma_start3A_104 = arith.constant 0 : i32
    %dma_start3A_105 = tpu.memref_slice %arg2[%dma_start3A_103, %dma_start3A_104] : memref<10000x128xf32, #tpu.memory_space<hbm>> -> memref<10000x128xf32, #tpu.memory_space<hbm>>
    tpu.enqueue_indirect_dma source(%dma_start3A_105 : memref<10000x128xf32, #tpu.memory_space<hbm>>) target(%arg14 : memref<64x128xf32, #tpu.memory_space<vmem>>) offsets(%arg8 : memref<64xi32, #tpu.memory_space<vmem>>) semaphore(%arg25 : memref<!tpu.dma_semaphore, #tpu.memory_space<semaphore_mem>>)
    %scan3A_106 = arith.constant 0 : i32
    %scan3A_107 = arith.constant 0 : i32
    %scan3A_108 = arith.constant 18 : i32
    %scan3A_109 = arith.addi %scan3A_107, %scan3A_108 : i32
    %scan3A_110 = arith.constant 1 : i32
    %scan3A_111 = scf.for %scan3A_175 = %scan3A_107 to %scan3A_109 step %scan3A_110 iter_args(%scan3A_176 = %scan3A_106) -> (i32)  : i32 {
      %mul3A_177 = arith.constant 2 : i32
      %mul3A_178 = arith.muli %mul3A_177, %scan3A_175 : i32
      %lt3A = arith.constant 18 : i32
      %lt3A_179 = arith.cmpi slt, %scan3A_175, %lt3A : i32
      %dma_wait3A_180 = arith.constant 0 : i32
      %dma_wait3A_181 = arith.constant 0 : i32
      %dma_wait3A_182 = tpu.memref_slice %arg2[%dma_wait3A_180, %dma_wait3A_181] : memref<10000x128xf32, #tpu.memory_space<hbm>> -> memref<10000x128xf32, #tpu.memory_space<hbm>>
      tpu.wait_indirect_dma semaphore(%arg24 : memref<!tpu.dma_semaphore, #tpu.memory_space<semaphore_mem>>) src(%dma_wait3A_182 : memref<10000x128xf32, #tpu.memory_space<hbm>>) dst(%arg13 : memref<64x128xf32, #tpu.memory_space<vmem>>)
      %dma_wait3A_183 = arith.constant 0 : i32
      %dma_wait3A_184 = arith.constant 0 : i32
      %dma_wait3A_185 = tpu.memref_slice %arg5[%dma_wait3A_183, %dma_wait3A_184] : memref<76800x128xf32, #tpu.memory_space<hbm>> -> memref<64x128xf32, #tpu.memory_space<hbm>>
      %dma_wait3A_186 = arith.constant 0 : i32
      %dma_wait3A_187 = arith.constant 0 : i32
      %dma_wait3A_188 = tpu.memref_slice %arg5[%dma_wait3A_186, %dma_wait3A_187] : memref<76800x128xf32, #tpu.memory_space<hbm>> -> memref<64x128xf32, #tpu.memory_space<hbm>>
      tpu.wait_dma2 semaphore(%arg22 : memref<!tpu.dma_semaphore, #tpu.memory_space<semaphore_mem>>) src(%dma_wait3A_188 : memref<64x128xf32, #tpu.memory_space<hbm>>) dst(%arg15 : memref<64x128xf32, #tpu.memory_space<vmem>>)
      %gt3A = arith.constant 0 : i32
      %gt3A_189 = arith.cmpi sgt, %scan3A_175, %gt3A : i32
      %convert_element_type3A = arith.extui %gt3A_189 : i1 to i32
      %cond3A = arith.constant 0 : i32
      %cond3A_190 = arith.cmpi ne, %convert_element_type3A, %cond3A : i32
      scf.if %cond3A_190 {
        %dma_wait3A_258 = arith.constant 0 : i32
        %dma_wait3A_259 = arith.constant 0 : i32
        %dma_wait3A_260 = tpu.memref_slice %arg19[%dma_wait3A_258, %dma_wait3A_259] : memref<10112x128xf32, #tpu.memory_space<vmem_shared>> -> memref<10112x128xf32, #tpu.memory_space<vmem_shared>>
        tpu.wait_indirect_dma semaphore(%arg26 : memref<!tpu.dma_semaphore, #tpu.memory_space<semaphore_mem>>) src(%arg17 : memref<64x128xf32, #tpu.memory_space<vmem>>) dst(%dma_wait3A_260 : memref<10112x128xf32, #tpu.memory_space<vmem_shared>>)
      } else {
      }
      %mul3A_191 = arith.constant 64 : i32
      %mul3A_192 = arith.muli %mul3A_178, %mul3A_191 : i32
      %add3A_193 = arith.addi %add3A_77, %mul3A_192 : i32
      %dma_start3A_194 = tpu.memref_slice %arg4[%add3A_193] : memref<160000xi32, #tpu.memory_space<hbm>> -> memref<64xi32, #tpu.memory_space<hbm>>
      %dma_start3A_195 = tpu.memref_slice %arg4[%add3A_193] : memref<160000xi32, #tpu.memory_space<hbm>> -> memref<64xi32, #tpu.memory_space<hbm>>
      tpu.enqueue_dma source(%dma_start3A_195 : memref<64xi32, #tpu.memory_space<hbm>>) target(%arg9 : memref<64xi32, #tpu.memory_space<vmem>>) target_semaphore(%arg28 : memref<!tpu.dma_semaphore, #tpu.memory_space<semaphore_mem>>)
      %convert_element_type3A_196 = arith.extui %lt3A_179 : i1 to i32
      %cond3A_197 = arith.constant 0 : i32
      %cond3A_198 = arith.cmpi ne, %convert_element_type3A_196, %cond3A_197 : i32
      scf.if %cond3A_198 {
        %add3A_258 = arith.constant 2 : i32
        %add3A_259 = arith.addi %mul3A_178, %add3A_258 : i32
        %mul3A_260 = arith.constant 64 : i32
        %mul3A_261 = arith.muli %add3A_259, %mul3A_260 : i32
        %add3A_262 = arith.addi %add3A_77, %mul3A_261 : i32
        %dma_start3A_263 = tpu.memref_slice %arg3[%add3A_262] : memref<160000xi32, #tpu.memory_space<hbm>> -> memref<64xi32, #tpu.memory_space<hbm>>
        %dma_start3A_264 = tpu.memref_slice %arg3[%add3A_262] : memref<160000xi32, #tpu.memory_space<hbm>> -> memref<64xi32, #tpu.memory_space<hbm>>
        tpu.enqueue_dma source(%dma_start3A_264 : memref<64xi32, #tpu.memory_space<hbm>>) target(%arg7 : memref<64xi32, #tpu.memory_space<vmem>>) target_semaphore(%arg20 : memref<!tpu.dma_semaphore, #tpu.memory_space<semaphore_mem>>)
      } else {
      }
      %scan3A_199 = arith.constant 0 : i32
      %scan3A_200 = arith.constant 0 : i32
      %scan3A_201 = arith.constant 64 : i32
      %scan3A_202 = arith.addi %scan3A_200, %scan3A_201 : i32
      %scan3A_203 = arith.constant 1 : i32
      %scan3A_204 = scf.for %scan3A_258 = %scan3A_200 to %scan3A_202 step %scan3A_203 iter_args(%scan3A_259 = %scan3A_199) -> (i32)  : i32 {
        %get3A = arith.index_cast %scan3A_258 : i32 to index
        %get3A_260 = arith.constant 0 : index
        %get3A_261 = tpu.vector_load %arg13[%get3A, %get3A_260] {strides = array<i32>} : memref<64x128xf32, #tpu.memory_space<vmem>>, vector<1x16xf32>,
        %get3A_262 = vector.shape_cast %get3A_261 : vector<1x16xf32> to vector<16xf32>
        %get3A_263 = arith.index_cast %scan3A_258 : i32 to index
        %get3A_264 = arith.constant 0 : index
        %get3A_265 = tpu.vector_load %arg15[%get3A_263, %get3A_264] {strides = array<i32>} : memref<64x128xf32, #tpu.memory_space<vmem>>, vector<1x16xf32>,
        %get3A_266 = vector.shape_cast %get3A_265 : vector<1x16xf32> to vector<16xf32>
        %mul3A_267 = arith.mulf %get3A_262, %get3A_266 : vector<16xf32>
        %swap3A = arith.index_cast %scan3A_258 : i32 to index
        %swap3A_268 = arith.constant 0 : index
        %swap3A_269 = tpu.vector_load %arg17[%swap3A, %swap3A_268] {strides = array<i32>} : memref<64x128xf32, #tpu.memory_space<vmem>>, vector<1x16xf32>,
        %swap3A_270 = vector.shape_cast %swap3A_269 : vector<1x16xf32> to vector<16xf32>
        %swap3A_271 = vector.shape_cast %mul3A_267 : vector<16xf32> to vector<1x16xf32>
        tpu.vector_store %arg17[%swap3A, %swap3A_268], %swap3A_271 {strides = array<i32>} : memref<64x128xf32, #tpu.memory_space<vmem>>, vector<1x16xf32>,
        %get3A_272 = arith.index_cast %scan3A_258 : i32 to index
        %get3A_273 = arith.constant 16 : index
        %get3A_274 = tpu.vector_load %arg13[%get3A_272, %get3A_273] {strides = array<i32>} : memref<64x128xf32, #tpu.memory_space<vmem>>, vector<1x16xf32>,
        %get3A_275 = vector.shape_cast %get3A_274 : vector<1x16xf32> to vector<16xf32>
        %get3A_276 = arith.index_cast %scan3A_258 : i32 to index
        %get3A_277 = arith.constant 16 : index
        %get3A_278 = tpu.vector_load %arg15[%get3A_276, %get3A_277] {strides = array<i32>} : memref<64x128xf32, #tpu.memory_space<vmem>>, vector<1x16xf32>,
        %get3A_279 = vector.shape_cast %get3A_278 : vector<1x16xf32> to vector<16xf32>
        %mul3A_280 = arith.mulf %get3A_275, %get3A_279 : vector<16xf32>
        %swap3A_281 = arith.index_cast %scan3A_258 : i32 to index
        %swap3A_282 = arith.constant 16 : index
        %swap3A_283 = tpu.vector_load %arg17[%swap3A_281, %swap3A_282] {strides = array<i32>} : memref<64x128xf32, #tpu.memory_space<vmem>>, vector<1x16xf32>,
        %swap3A_284 = vector.shape_cast %swap3A_283 : vector<1x16xf32> to vector<16xf32>
        %swap3A_285 = vector.shape_cast %mul3A_280 : vector<16xf32> to vector<1x16xf32>
        tpu.vector_store %arg17[%swap3A_281, %swap3A_282], %swap3A_285 {strides = array<i32>} : memref<64x128xf32, #tpu.memory_space<vmem>>, vector<1x16xf32>,
        %get3A_286 = arith.index_cast %scan3A_258 : i32 to index
        %get3A_287 = arith.constant 32 : index
        %get3A_288 = tpu.vector_load %arg13[%get3A_286, %get3A_287] {strides = array<i32>} : memref<64x128xf32, #tpu.memory_space<vmem>>, vector<1x16xf32>,
        %get3A_289 = vector.shape_cast %get3A_288 : vector<1x16xf32> to vector<16xf32>
        %get3A_290 = arith.index_cast %scan3A_258 : i32 to index
        %get3A_291 = arith.constant 32 : index
        %get3A_292 = tpu.vector_load %arg15[%get3A_290, %get3A_291] {strides = array<i32>} : memref<64x128xf32, #tpu.memory_space<vmem>>, vector<1x16xf32>,
        %get3A_293 = vector.shape_cast %get3A_292 : vector<1x16xf32> to vector<16xf32>
        %mul3A_294 = arith.mulf %get3A_289, %get3A_293 : vector<16xf32>
        %swap3A_295 = arith.index_cast %scan3A_258 : i32 to index
        %swap3A_296 = arith.constant 32 : index
        %swap3A_297 = tpu.vector_load %arg17[%swap3A_295, %swap3A_296] {strides = array<i32>} : memref<64x128xf32, #tpu.memory_space<vmem>>, vector<1x16xf32>,
        %swap3A_298 = vector.shape_cast %swap3A_297 : vector<1x16xf32> to vector<16xf32>
        %swap3A_299 = vector.shape_cast %mul3A_294 : vector<16xf32> to vector<1x16xf32>
        tpu.vector_store %arg17[%swap3A_295, %swap3A_296], %swap3A_299 {strides = array<i32>} : memref<64x128xf32, #tpu.memory_space<vmem>>, vector<1x16xf32>,
        %get3A_300 = arith.index_cast %scan3A_258 : i32 to index
        %get3A_301 = arith.constant 48 : index
        %get3A_302 = tpu.vector_load %arg13[%get3A_300, %get3A_301] {strides = array<i32>} : memref<64x128xf32, #tpu.memory_space<vmem>>, vector<1x16xf32>,
        %get3A_303 = vector.shape_cast %get3A_302 : vector<1x16xf32> to vector<16xf32>
        %get3A_304 = arith.index_cast %scan3A_258 : i32 to index
        %get3A_305 = arith.constant 48 : index
        %get3A_306 = tpu.vector_load %arg15[%get3A_304, %get3A_305] {strides = array<i32>} : memref<64x128xf32, #tpu.memory_space<vmem>>, vector<1x16xf32>,
        %get3A_307 = vector.shape_cast %get3A_306 : vector<1x16xf32> to vector<16xf32>
        %mul3A_308 = arith.mulf %get3A_303, %get3A_307 : vector<16xf32>
        %swap3A_309 = arith.index_cast %scan3A_258 : i32 to index
        %swap3A_310 = arith.constant 48 : index
        %swap3A_311 = tpu.vector_load %arg17[%swap3A_309, %swap3A_310] {strides = array<i32>} : memref<64x128xf32, #tpu.memory_space<vmem>>, vector<1x16xf32>,
        %swap3A_312 = vector.shape_cast %swap3A_311 : vector<1x16xf32> to vector<16xf32>
        %swap3A_313 = vector.shape_cast %mul3A_308 : vector<16xf32> to vector<1x16xf32>
        tpu.vector_store %arg17[%swap3A_309, %swap3A_310], %swap3A_313 {strides = array<i32>} : memref<64x128xf32, #tpu.memory_space<vmem>>, vector<1x16xf32>,
        %get3A_314 = arith.index_cast %scan3A_258 : i32 to index
        %get3A_315 = arith.constant 64 : index
        %get3A_316 = tpu.vector_load %arg15[%get3A_314, %get3A_315] {strides = array<i32>} : memref<64x128xf32, #tpu.memory_space<vmem>>, vector<1x16xf32>,
        %get3A_317 = vector.shape_cast %get3A_316 : vector<1x16xf32> to vector<16xf32>
        %mul3A_318 = arith.mulf %get3A_262, %get3A_317 : vector<16xf32>
        %swap3A_319 = arith.index_cast %scan3A_258 : i32 to index
        %swap3A_320 = arith.constant 64 : index
        %swap3A_321 = tpu.vector_load %arg17[%swap3A_319, %swap3A_320] {strides = array<i32>} : memref<64x128xf32, #tpu.memory_space<vmem>>, vector<1x16xf32>,
        %swap3A_322 = vector.shape_cast %swap3A_321 : vector<1x16xf32> to vector<16xf32>
        %swap3A_323 = vector.shape_cast %mul3A_318 : vector<16xf32> to vector<1x16xf32>
        tpu.vector_store %arg17[%swap3A_319, %swap3A_320], %swap3A_323 {strides = array<i32>} : memref<64x128xf32, #tpu.memory_space<vmem>>, vector<1x16xf32>,
        %get3A_324 = arith.index_cast %scan3A_258 : i32 to index
        %get3A_325 = arith.constant 80 : index
        %get3A_326 = tpu.vector_load %arg15[%get3A_324, %get3A_325] {strides = array<i32>} : memref<64x128xf32, #tpu.memory_space<vmem>>, vector<1x16xf32>,
        %get3A_327 = vector.shape_cast %get3A_326 : vector<1x16xf32> to vector<16xf32>
        %mul3A_328 = arith.mulf %get3A_262, %get3A_327 : vector<16xf32>
        %swap3A_329 = arith.index_cast %scan3A_258 : i32 to index
        %swap3A_330 = arith.constant 80 : index
        %swap3A_331 = tpu.vector_load %arg17[%swap3A_329, %swap3A_330] {strides = array<i32>} : memref<64x128xf32, #tpu.memory_space<vmem>>, vector<1x16xf32>,
        %swap3A_332 = vector.shape_cast %swap3A_331 : vector<1x16xf32> to vector<16xf32>
        %swap3A_333 = vector.shape_cast %mul3A_328 : vector<16xf32> to vector<1x16xf32>
        tpu.vector_store %arg17[%swap3A_329, %swap3A_330], %swap3A_333 {strides = array<i32>} : memref<64x128xf32, #tpu.memory_space<vmem>>, vector<1x16xf32>,
        %get3A_334 = arith.index_cast %scan3A_258 : i32 to index
        %get3A_335 = arith.constant 96 : index
        %get3A_336 = tpu.vector_load %arg15[%get3A_334, %get3A_335] {strides = array<i32>} : memref<64x128xf32, #tpu.memory_space<vmem>>, vector<1x16xf32>,
        %get3A_337 = vector.shape_cast %get3A_336 : vector<1x16xf32> to vector<16xf32>
        %mul3A_338 = arith.mulf %get3A_262, %get3A_337 : vector<16xf32>
        %swap3A_339 = arith.index_cast %scan3A_258 : i32 to index
        %swap3A_340 = arith.constant 96 : index
        %swap3A_341 = tpu.vector_load %arg17[%swap3A_339, %swap3A_340] {strides = array<i32>} : memref<64x128xf32, #tpu.memory_space<vmem>>, vector<1x16xf32>,
        %swap3A_342 = vector.shape_cast %swap3A_341 : vector<1x16xf32> to vector<16xf32>
        %swap3A_343 = vector.shape_cast %mul3A_338 : vector<16xf32> to vector<1x16xf32>
        tpu.vector_store %arg17[%swap3A_339, %swap3A_340], %swap3A_343 {strides = array<i32>} : memref<64x128xf32, #tpu.memory_space<vmem>>, vector<1x16xf32>,
        %scan3A_344 = arith.constant 0 : i32
        scf.yield %scan3A_344 : i32
      }
      %scan3A_205 = arith.constant 64 : i32
      %dma_wait3A_206 = tpu.memref_slice %arg4[%add3A_193] : memref<160000xi32, #tpu.memory_space<hbm>> -> memref<64xi32, #tpu.memory_space<hbm>>
      %dma_wait3A_207 = tpu.memref_slice %arg4[%add3A_193] : memref<160000xi32, #tpu.memory_space<hbm>> -> memref<64xi32, #tpu.memory_space<hbm>>
      tpu.wait_dma2 semaphore(%arg28 : memref<!tpu.dma_semaphore, #tpu.memory_space<semaphore_mem>>) src(%dma_wait3A_207 : memref<64xi32, #tpu.memory_space<hbm>>) dst(%arg9 : memref<64xi32, #tpu.memory_space<vmem>>)
      %dma_start3A_208 = arith.constant 0 : i32
      %dma_start3A_209 = arith.constant 0 : i32
      %dma_start3A_210 = tpu.memref_slice %arg19[%dma_start3A_208, %dma_start3A_209] : memref<10112x128xf32, #tpu.memory_space<vmem_shared>> -> memref<10112x128xf32, #tpu.memory_space<vmem_shared>>
      tpu.enqueue_indirect_dma source(%arg17 : memref<64x128xf32, #tpu.memory_space<vmem>>) target(%dma_start3A_210 : memref<10112x128xf32, #tpu.memory_space<vmem_shared>>) offsets(%arg9 : memref<64xi32, #tpu.memory_space<vmem>>) semaphore(%arg26 : memref<!tpu.dma_semaphore, #tpu.memory_space<semaphore_mem>>) {add = true}
      %convert_element_type3A_211 = arith.extui %lt3A_179 : i1 to i32
      %cond3A_212 = arith.constant 0 : i32
      %cond3A_213 = arith.cmpi ne, %convert_element_type3A_211, %cond3A_212 : i32
      scf.if %cond3A_213 {
        %add3A_258 = arith.constant 2 : i32
        %add3A_259 = arith.addi %mul3A_178, %add3A_258 : i32
        %mul3A_260 = arith.constant 64 : i32
        %mul3A_261 = arith.muli %add3A_259, %mul3A_260 : i32
        %add3A_262 = arith.addi %mul3A_75, %mul3A_261 : i32
        %add3A_263 = arith.constant 2 : i32
        %add3A_264 = arith.addi %mul3A_178, %add3A_263 : i32
        %mul3A_265 = arith.constant 64 : i32
        %mul3A_266 = arith.muli %add3A_264, %mul3A_265 : i32
        %add3A_267 = arith.addi %add3A_77, %mul3A_266 : i32
        %dma_start3A_268 = arith.constant 0 : i32
        %dma_start3A_269 = tpu.memref_slice %arg5[%add3A_262, %dma_start3A_268] : memref<76800x128xf32, #tpu.memory_space<hbm>> -> memref<64x128xf32, #tpu.memory_space<hbm>>
        %dma_start3A_270 = arith.constant 0 : i32
        %dma_start3A_271 = tpu.memref_slice %arg5[%add3A_262, %dma_start3A_270] : memref<76800x128xf32, #tpu.memory_space<hbm>> -> memref<64x128xf32, #tpu.memory_space<hbm>>
        tpu.enqueue_dma source(%dma_start3A_271 : memref<64x128xf32, #tpu.memory_space<hbm>>) target(%arg15 : memref<64x128xf32, #tpu.memory_space<vmem>>) target_semaphore(%arg22 : memref<!tpu.dma_semaphore, #tpu.memory_space<semaphore_mem>>)
        %dma_wait3A_272 = tpu.memref_slice %arg3[%add3A_267] : memref<160000xi32, #tpu.memory_space<hbm>> -> memref<64xi32, #tpu.memory_space<hbm>>
        %dma_wait3A_273 = tpu.memref_slice %arg3[%add3A_267] : memref<160000xi32, #tpu.memory_space<hbm>> -> memref<64xi32, #tpu.memory_space<hbm>>
        tpu.wait_dma2 semaphore(%arg20 : memref<!tpu.dma_semaphore, #tpu.memory_space<semaphore_mem>>) src(%dma_wait3A_273 : memref<64xi32, #tpu.memory_space<hbm>>) dst(%arg7 : memref<64xi32, #tpu.memory_space<vmem>>)
        %dma_start3A_274 = arith.constant 0 : i32
        %dma_start3A_275 = arith.constant 0 : i32
        %dma_start3A_276 = tpu.memref_slice %arg2[%dma_start3A_274, %dma_start3A_275] : memref<10000x128xf32, #tpu.memory_space<hbm>> -> memref<10000x128xf32, #tpu.memory_space<hbm>>
        tpu.enqueue_indirect_dma source(%dma_start3A_276 : memref<10000x128xf32, #tpu.memory_space<hbm>>) target(%arg13 : memref<64x128xf32, #tpu.memory_space<vmem>>) offsets(%arg7 : memref<64xi32, #tpu.memory_space<vmem>>) semaphore(%arg24 : memref<!tpu.dma_semaphore, #tpu.memory_space<semaphore_mem>>)
      } else {
      }
      %mul3A_214 = arith.constant 2 : i32
      %mul3A_215 = arith.muli %mul3A_214, %scan3A_175 : i32
      %add3A_216 = arith.constant 1 : i32
      %add3A_217 = arith.addi %mul3A_215, %add3A_216 : i32
      %lt3A_218 = arith.constant 17 : i32
      %lt3A_219 = arith.cmpi slt, %scan3A_175, %lt3A_218 : i32
      %dma_wait3A_220 = arith.constant 0 : i32
      %dma_wait3A_221 = arith.constant 0 : i32
      %dma_wait3A_222 = tpu.memref_slice %arg2[%dma_wait3A_220, %dma_wait3A_221] : memref<10000x128xf32, #tpu.memory_space<hbm>> -> memref<10000x128xf32, #tpu.memory_space<hbm>>
      tpu.wait_indirect_dma semaphore(%arg25 : memref<!tpu.dma_semaphore, #tpu.memory_space<semaphore_mem>>) src(%dma_wait3A_222 : memref<10000x128xf32, #tpu.memory_space<hbm>>) dst(%arg14 : memref<64x128xf32, #tpu.memory_space<vmem>>)
      %dma_wait3A_223 = arith.constant 0 : i32
      %dma_wait3A_224 = arith.constant 0 : i32
      %dma_wait3A_225 = tpu.memref_slice %arg5[%dma_wait3A_223, %dma_wait3A_224] : memref<76800x128xf32, #tpu.memory_space<hbm>> -> memref<64x128xf32, #tpu.memory_space<hbm>>
      %dma_wait3A_226 = arith.constant 0 : i32
      %dma_wait3A_227 = arith.constant 0 : i32
      %dma_wait3A_228 = tpu.memref_slice %arg5[%dma_wait3A_226, %dma_wait3A_227] : memref<76800x128xf32, #tpu.memory_space<hbm>> -> memref<64x128xf32, #tpu.memory_space<hbm>>
      tpu.wait_dma2 semaphore(%arg23 : memref<!tpu.dma_semaphore, #tpu.memory_space<semaphore_mem>>) src(%dma_wait3A_228 : memref<64x128xf32, #tpu.memory_space<hbm>>) dst(%arg16 : memref<64x128xf32, #tpu.memory_space<vmem>>)
      %gt3A_229 = arith.constant 0 : i32
      %gt3A_230 = arith.cmpi sgt, %scan3A_175, %gt3A_229 : i32
      %convert_element_type3A_231 = arith.extui %gt3A_230 : i1 to i32
      %cond3A_232 = arith.constant 0 : i32
      %cond3A_233 = arith.cmpi ne, %convert_element_type3A_231, %cond3A_232 : i32
      scf.if %cond3A_233 {
        %dma_wait3A_258 = arith.constant 0 : i32
        %dma_wait3A_259 = arith.constant 0 : i32
        %dma_wait3A_260 = tpu.memref_slice %arg19[%dma_wait3A_258, %dma_wait3A_259] : memref<10112x128xf32, #tpu.memory_space<vmem_shared>> -> memref<10112x128xf32, #tpu.memory_space<vmem_shared>>
        tpu.wait_indirect_dma semaphore(%arg27 : memref<!tpu.dma_semaphore, #tpu.memory_space<semaphore_mem>>) src(%arg18 : memref<64x128xf32, #tpu.memory_space<vmem>>) dst(%dma_wait3A_260 : memref<10112x128xf32, #tpu.memory_space<vmem_shared>>)
      } else {
      }
      %mul3A_234 = arith.constant 64 : i32
      %mul3A_235 = arith.muli %add3A_217, %mul3A_234 : i32
      %add3A_236 = arith.addi %add3A_77, %mul3A_235 : i32
      %dma_start3A_237 = tpu.memref_slice %arg4[%add3A_236] : memref<160000xi32, #tpu.memory_space<hbm>> -> memref<64xi32, #tpu.memory_space<hbm>>
      %dma_start3A_238 = tpu.memref_slice %arg4[%add3A_236] : memref<160000xi32, #tpu.memory_space<hbm>> -> memref<64xi32, #tpu.memory_space<hbm>>
      tpu.enqueue_dma source(%dma_start3A_238 : memref<64xi32, #tpu.memory_space<hbm>>) target(%arg10 : memref<64xi32, #tpu.memory_space<vmem>>) target_semaphore(%arg28 : memref<!tpu.dma_semaphore, #tpu.memory_space<semaphore_mem>>)
      %convert_element_type3A_239 = arith.extui %lt3A_219 : i1 to i32
      %cond3A_240 = arith.constant 0 : i32
      %cond3A_241 = arith.cmpi ne, %convert_element_type3A_239, %cond3A_240 : i32
      scf.if %cond3A_241 {
        %add3A_258 = arith.constant 2 : i32
        %add3A_259 = arith.addi %add3A_217, %add3A_258 : i32
        %mul3A_260 = arith.constant 64 : i32
        %mul3A_261 = arith.muli %add3A_259, %mul3A_260 : i32
        %add3A_262 = arith.addi %add3A_77, %mul3A_261 : i32
        %dma_start3A_263 = tpu.memref_slice %arg3[%add3A_262] : memref<160000xi32, #tpu.memory_space<hbm>> -> memref<64xi32, #tpu.memory_space<hbm>>
        %dma_start3A_264 = tpu.memref_slice %arg3[%add3A_262] : memref<160000xi32, #tpu.memory_space<hbm>> -> memref<64xi32, #tpu.memory_space<hbm>>
        tpu.enqueue_dma source(%dma_start3A_264 : memref<64xi32, #tpu.memory_space<hbm>>) target(%arg8 : memref<64xi32, #tpu.memory_space<vmem>>) target_semaphore(%arg21 : memref<!tpu.dma_semaphore, #tpu.memory_space<semaphore_mem>>)
      } else {
      }
      %scan3A_242 = arith.constant 0 : i32
      %scan3A_243 = arith.constant 0 : i32
      %scan3A_244 = arith.constant 64 : i32
      %scan3A_245 = arith.addi %scan3A_243, %scan3A_244 : i32
      %scan3A_246 = arith.constant 1 : i32
      %scan3A_247 = scf.for %scan3A_258 = %scan3A_243 to %scan3A_245 step %scan3A_246 iter_args(%scan3A_259 = %scan3A_242) -> (i32)  : i32 {
        %get3A = arith.index_cast %scan3A_258 : i32 to index
        %get3A_260 = arith.constant 0 : index
        %get3A_261 = tpu.vector_load %arg14[%get3A, %get3A_260] {strides = array<i32>} : memref<64x128xf32, #tpu.memory_space<vmem>>, vector<1x16xf32>,
        %get3A_262 = vector.shape_cast %get3A_261 : vector<1x16xf32> to vector<16xf32>
        %get3A_263 = arith.index_cast %scan3A_258 : i32 to index
        %get3A_264 = arith.constant 0 : index
        %get3A_265 = tpu.vector_load %arg16[%get3A_263, %get3A_264] {strides = array<i32>} : memref<64x128xf32, #tpu.memory_space<vmem>>, vector<1x16xf32>,
        %get3A_266 = vector.shape_cast %get3A_265 : vector<1x16xf32> to vector<16xf32>
        %mul3A_267 = arith.mulf %get3A_262, %get3A_266 : vector<16xf32>
        %swap3A = arith.index_cast %scan3A_258 : i32 to index
        %swap3A_268 = arith.constant 0 : index
        %swap3A_269 = tpu.vector_load %arg18[%swap3A, %swap3A_268] {strides = array<i32>} : memref<64x128xf32, #tpu.memory_space<vmem>>, vector<1x16xf32>,
        %swap3A_270 = vector.shape_cast %swap3A_269 : vector<1x16xf32> to vector<16xf32>
        %swap3A_271 = vector.shape_cast %mul3A_267 : vector<16xf32> to vector<1x16xf32>
        tpu.vector_store %arg18[%swap3A, %swap3A_268], %swap3A_271 {strides = array<i32>} : memref<64x128xf32, #tpu.memory_space<vmem>>, vector<1x16xf32>,
        %get3A_272 = arith.index_cast %scan3A_258 : i32 to index
        %get3A_273 = arith.constant 16 : index
        %get3A_274 = tpu.vector_load %arg14[%get3A_272, %get3A_273] {strides = array<i32>} : memref<64x128xf32, #tpu.memory_space<vmem>>, vector<1x16xf32>,
        %get3A_275 = vector.shape_cast %get3A_274 : vector<1x16xf32> to vector<16xf32>
        %get3A_276 = arith.index_cast %scan3A_258 : i32 to index
        %get3A_277 = arith.constant 16 : index
        %get3A_278 = tpu.vector_load %arg16[%get3A_276, %get3A_277] {strides = array<i32>} : memref<64x128xf32, #tpu.memory_space<vmem>>, vector<1x16xf32>,
        %get3A_279 = vector.shape_cast %get3A_278 : vector<1x16xf32> to vector<16xf32>
        %mul3A_280 = arith.mulf %get3A_275, %get3A_279 : vector<16xf32>
        %swap3A_281 = arith.index_cast %scan3A_258 : i32 to index
        %swap3A_282 = arith.constant 16 : index
        %swap3A_283 = tpu.vector_load %arg18[%swap3A_281, %swap3A_282] {strides = array<i32>} : memref<64x128xf32, #tpu.memory_space<vmem>>, vector<1x16xf32>,
        %swap3A_284 = vector.shape_cast %swap3A_283 : vector<1x16xf32> to vector<16xf32>
        %swap3A_285 = vector.shape_cast %mul3A_280 : vector<16xf32> to vector<1x16xf32>
        tpu.vector_store %arg18[%swap3A_281, %swap3A_282], %swap3A_285 {strides = array<i32>} : memref<64x128xf32, #tpu.memory_space<vmem>>, vector<1x16xf32>,
        %get3A_286 = arith.index_cast %scan3A_258 : i32 to index
        %get3A_287 = arith.constant 32 : index
        %get3A_288 = tpu.vector_load %arg14[%get3A_286, %get3A_287] {strides = array<i32>} : memref<64x128xf32, #tpu.memory_space<vmem>>, vector<1x16xf32>,
        %get3A_289 = vector.shape_cast %get3A_288 : vector<1x16xf32> to vector<16xf32>
        %get3A_290 = arith.index_cast %scan3A_258 : i32 to index
        %get3A_291 = arith.constant 32 : index
        %get3A_292 = tpu.vector_load %arg16[%get3A_290, %get3A_291] {strides = array<i32>} : memref<64x128xf32, #tpu.memory_space<vmem>>, vector<1x16xf32>,
        %get3A_293 = vector.shape_cast %get3A_292 : vector<1x16xf32> to vector<16xf32>
        %mul3A_294 = arith.mulf %get3A_289, %get3A_293 : vector<16xf32>
        %swap3A_295 = arith.index_cast %scan3A_258 : i32 to index
        %swap3A_296 = arith.constant 32 : index
        %swap3A_297 = tpu.vector_load %arg18[%swap3A_295, %swap3A_296] {strides = array<i32>} : memref<64x128xf32, #tpu.memory_space<vmem>>, vector<1x16xf32>,
        %swap3A_298 = vector.shape_cast %swap3A_297 : vector<1x16xf32> to vector<16xf32>
        %swap3A_299 = vector.shape_cast %mul3A_294 : vector<16xf32> to vector<1x16xf32>
        tpu.vector_store %arg18[%swap3A_295, %swap3A_296], %swap3A_299 {strides = array<i32>} : memref<64x128xf32, #tpu.memory_space<vmem>>, vector<1x16xf32>,
        %get3A_300 = arith.index_cast %scan3A_258 : i32 to index
        %get3A_301 = arith.constant 48 : index
        %get3A_302 = tpu.vector_load %arg14[%get3A_300, %get3A_301] {strides = array<i32>} : memref<64x128xf32, #tpu.memory_space<vmem>>, vector<1x16xf32>,
        %get3A_303 = vector.shape_cast %get3A_302 : vector<1x16xf32> to vector<16xf32>
        %get3A_304 = arith.index_cast %scan3A_258 : i32 to index
        %get3A_305 = arith.constant 48 : index
        %get3A_306 = tpu.vector_load %arg16[%get3A_304, %get3A_305] {strides = array<i32>} : memref<64x128xf32, #tpu.memory_space<vmem>>, vector<1x16xf32>,
        %get3A_307 = vector.shape_cast %get3A_306 : vector<1x16xf32> to vector<16xf32>
        %mul3A_308 = arith.mulf %get3A_303, %get3A_307 : vector<16xf32>
        %swap3A_309 = arith.index_cast %scan3A_258 : i32 to index
        %swap3A_310 = arith.constant 48 : index
        %swap3A_311 = tpu.vector_load %arg18[%swap3A_309, %swap3A_310] {strides = array<i32>} : memref<64x128xf32, #tpu.memory_space<vmem>>, vector<1x16xf32>,
        %swap3A_312 = vector.shape_cast %swap3A_311 : vector<1x16xf32> to vector<16xf32>
        %swap3A_313 = vector.shape_cast %mul3A_308 : vector<16xf32> to vector<1x16xf32>
        tpu.vector_store %arg18[%swap3A_309, %swap3A_310], %swap3A_313 {strides = array<i32>} : memref<64x128xf32, #tpu.memory_space<vmem>>, vector<1x16xf32>,
        %get3A_314 = arith.index_cast %scan3A_258 : i32 to index
        %get3A_315 = arith.constant 64 : index
        %get3A_316 = tpu.vector_load %arg16[%get3A_314, %get3A_315] {strides = array<i32>} : memref<64x128xf32, #tpu.memory_space<vmem>>, vector<1x16xf32>,
        %get3A_317 = vector.shape_cast %get3A_316 : vector<1x16xf32> to vector<16xf32>
        %mul3A_318 = arith.mulf %get3A_262, %get3A_317 : vector<16xf32>
        %swap3A_319 = arith.index_cast %scan3A_258 : i32 to index
        %swap3A_320 = arith.constant 64 : index
        %swap3A_321 = tpu.vector_load %arg18[%swap3A_319, %swap3A_320] {strides = array<i32>} : memref<64x128xf32, #tpu.memory_space<vmem>>, vector<1x16xf32>,
        %swap3A_322 = vector.shape_cast %swap3A_321 : vector<1x16xf32> to vector<16xf32>
        %swap3A_323 = vector.shape_cast %mul3A_318 : vector<16xf32> to vector<1x16xf32>
        tpu.vector_store %arg18[%swap3A_319, %swap3A_320], %swap3A_323 {strides = array<i32>} : memref<64x128xf32, #tpu.memory_space<vmem>>, vector<1x16xf32>,
        %get3A_324 = arith.index_cast %scan3A_258 : i32 to index
        %get3A_325 = arith.constant 80 : index
        %get3A_326 = tpu.vector_load %arg16[%get3A_324, %get3A_325] {strides = array<i32>} : memref<64x128xf32, #tpu.memory_space<vmem>>, vector<1x16xf32>,
        %get3A_327 = vector.shape_cast %get3A_326 : vector<1x16xf32> to vector<16xf32>
        %mul3A_328 = arith.mulf %get3A_262, %get3A_327 : vector<16xf32>
        %swap3A_329 = arith.index_cast %scan3A_258 : i32 to index
        %swap3A_330 = arith.constant 80 : index
        %swap3A_331 = tpu.vector_load %arg18[%swap3A_329, %swap3A_330] {strides = array<i32>} : memref<64x128xf32, #tpu.memory_space<vmem>>, vector<1x16xf32>,
        %swap3A_332 = vector.shape_cast %swap3A_331 : vector<1x16xf32> to vector<16xf32>
        %swap3A_333 = vector.shape_cast %mul3A_328 : vector<16xf32> to vector<1x16xf32>
        tpu.vector_store %arg18[%swap3A_329, %swap3A_330], %swap3A_333 {strides = array<i32>} : memref<64x128xf32, #tpu.memory_space<vmem>>, vector<1x16xf32>,
        %get3A_334 = arith.index_cast %scan3A_258 : i32 to index
        %get3A_335 = arith.constant 96 : index
        %get3A_336 = tpu.vector_load %arg16[%get3A_334, %get3A_335] {strides = array<i32>} : memref<64x128xf32, #tpu.memory_space<vmem>>, vector<1x16xf32>,
        %get3A_337 = vector.shape_cast %get3A_336 : vector<1x16xf32> to vector<16xf32>
        %mul3A_338 = arith.mulf %get3A_262, %get3A_337 : vector<16xf32>
        %swap3A_339 = arith.index_cast %scan3A_258 : i32 to index
        %swap3A_340 = arith.constant 96 : index
        %swap3A_341 = tpu.vector_load %arg18[%swap3A_339, %swap3A_340] {strides = array<i32>} : memref<64x128xf32, #tpu.memory_space<vmem>>, vector<1x16xf32>,
        %swap3A_342 = vector.shape_cast %swap3A_341 : vector<1x16xf32> to vector<16xf32>
        %swap3A_343 = vector.shape_cast %mul3A_338 : vector<16xf32> to vector<1x16xf32>
        tpu.vector_store %arg18[%swap3A_339, %swap3A_340], %swap3A_343 {strides = array<i32>} : memref<64x128xf32, #tpu.memory_space<vmem>>, vector<1x16xf32>,
        %scan3A_344 = arith.constant 0 : i32
        scf.yield %scan3A_344 : i32
      }
      %scan3A_248 = arith.constant 64 : i32
      %dma_wait3A_249 = tpu.memref_slice %arg4[%add3A_236] : memref<160000xi32, #tpu.memory_space<hbm>> -> memref<64xi32, #tpu.memory_space<hbm>>
      %dma_wait3A_250 = tpu.memref_slice %arg4[%add3A_236] : memref<160000xi32, #tpu.memory_space<hbm>> -> memref<64xi32, #tpu.memory_space<hbm>>
      tpu.wait_dma2 semaphore(%arg28 : memref<!tpu.dma_semaphore, #tpu.memory_space<semaphore_mem>>) src(%dma_wait3A_250 : memref<64xi32, #tpu.memory_space<hbm>>) dst(%arg10 : memref<64xi32, #tpu.memory_space<vmem>>)
      %dma_start3A_251 = arith.constant 0 : i32
      %dma_start3A_252 = arith.constant 0 : i32
      %dma_start3A_253 = tpu.memref_slice %arg19[%dma_start3A_251, %dma_start3A_252] : memref<10112x128xf32, #tpu.memory_space<vmem_shared>> -> memref<10112x128xf32, #tpu.memory_space<vmem_shared>>
      tpu.enqueue_indirect_dma source(%arg18 : memref<64x128xf32, #tpu.memory_space<vmem>>) target(%dma_start3A_253 : memref<10112x128xf32, #tpu.memory_space<vmem_shared>>) offsets(%arg10 : memref<64xi32, #tpu.memory_space<vmem>>) semaphore(%arg27 : memref<!tpu.dma_semaphore, #tpu.memory_space<semaphore_mem>>) {add = true}
      %convert_element_type3A_254 = arith.extui %lt3A_219 : i1 to i32
      %cond3A_255 = arith.constant 0 : i32
      %cond3A_256 = arith.cmpi ne, %convert_element_type3A_254, %cond3A_255 : i32
      scf.if %cond3A_256 {
        %add3A_258 = arith.constant 2 : i32
        %add3A_259 = arith.addi %add3A_217, %add3A_258 : i32
        %mul3A_260 = arith.constant 64 : i32
        %mul3A_261 = arith.muli %add3A_259, %mul3A_260 : i32
        %add3A_262 = arith.addi %mul3A_75, %mul3A_261 : i32
        %add3A_263 = arith.constant 2 : i32
        %add3A_264 = arith.addi %add3A_217, %add3A_263 : i32
        %mul3A_265 = arith.constant 64 : i32
        %mul3A_266 = arith.muli %add3A_264, %mul3A_265 : i32
        %add3A_267 = arith.addi %add3A_77, %mul3A_266 : i32
        %dma_start3A_268 = arith.constant 0 : i32
        %dma_start3A_269 = tpu.memref_slice %arg5[%add3A_262, %dma_start3A_268] : memref<76800x128xf32, #tpu.memory_space<hbm>> -> memref<64x128xf32, #tpu.memory_space<hbm>>
        %dma_start3A_270 = arith.constant 0 : i32
        %dma_start3A_271 = tpu.memref_slice %arg5[%add3A_262, %dma_start3A_270] : memref<76800x128xf32, #tpu.memory_space<hbm>> -> memref<64x128xf32, #tpu.memory_space<hbm>>
        tpu.enqueue_dma source(%dma_start3A_271 : memref<64x128xf32, #tpu.memory_space<hbm>>) target(%arg16 : memref<64x128xf32, #tpu.memory_space<vmem>>) target_semaphore(%arg23 : memref<!tpu.dma_semaphore, #tpu.memory_space<semaphore_mem>>)
        %dma_wait3A_272 = tpu.memref_slice %arg3[%add3A_267] : memref<160000xi32, #tpu.memory_space<hbm>> -> memref<64xi32, #tpu.memory_space<hbm>>
        %dma_wait3A_273 = tpu.memref_slice %arg3[%add3A_267] : memref<160000xi32, #tpu.memory_space<hbm>> -> memref<64xi32, #tpu.memory_space<hbm>>
        tpu.wait_dma2 semaphore(%arg21 : memref<!tpu.dma_semaphore, #tpu.memory_space<semaphore_mem>>) src(%dma_wait3A_273 : memref<64xi32, #tpu.memory_space<hbm>>) dst(%arg8 : memref<64xi32, #tpu.memory_space<vmem>>)
        %dma_start3A_274 = arith.constant 0 : i32
        %dma_start3A_275 = arith.constant 0 : i32
        %dma_start3A_276 = tpu.memref_slice %arg2[%dma_start3A_274, %dma_start3A_275] : memref<10000x128xf32, #tpu.memory_space<hbm>> -> memref<10000x128xf32, #tpu.memory_space<hbm>>
        tpu.enqueue_indirect_dma source(%dma_start3A_276 : memref<10000x128xf32, #tpu.memory_space<hbm>>) target(%arg14 : memref<64x128xf32, #tpu.memory_space<vmem>>) offsets(%arg8 : memref<64xi32, #tpu.memory_space<vmem>>) semaphore(%arg25 : memref<!tpu.dma_semaphore, #tpu.memory_space<semaphore_mem>>)
      } else {
      }
      %scan3A_257 = arith.constant 0 : i32
      scf.yield %scan3A_257 : i32
    }
    %scan3A_112 = arith.constant 18 : i32
    %dma_wait3A_113 = arith.constant 0 : i32
    %dma_wait3A_114 = arith.constant 0 : i32
    %dma_wait3A_115 = tpu.memref_slice %arg2[%dma_wait3A_113, %dma_wait3A_114] : memref<10000x128xf32, #tpu.memory_space<hbm>> -> memref<10000x128xf32, #tpu.memory_space<hbm>>
    tpu.wait_indirect_dma semaphore(%arg24 : memref<!tpu.dma_semaphore, #tpu.memory_space<semaphore_mem>>) src(%dma_wait3A_115 : memref<10000x128xf32, #tpu.memory_space<hbm>>) dst(%arg13 : memref<64x128xf32, #tpu.memory_space<vmem>>)
    %dma_wait3A_116 = arith.constant 0 : i32
    %dma_wait3A_117 = arith.constant 0 : i32
    %dma_wait3A_118 = tpu.memref_slice %arg5[%dma_wait3A_116, %dma_wait3A_117] : memref<76800x128xf32, #tpu.memory_space<hbm>> -> memref<64x128xf32, #tpu.memory_space<hbm>>
    %dma_wait3A_119 = arith.constant 0 : i32
    %dma_wait3A_120 = arith.constant 0 : i32
    %dma_wait3A_121 = tpu.memref_slice %arg5[%dma_wait3A_119, %dma_wait3A_120] : memref<76800x128xf32, #tpu.memory_space<hbm>> -> memref<64x128xf32, #tpu.memory_space<hbm>>
    tpu.wait_dma2 semaphore(%arg22 : memref<!tpu.dma_semaphore, #tpu.memory_space<semaphore_mem>>) src(%dma_wait3A_121 : memref<64x128xf32, #tpu.memory_space<hbm>>) dst(%arg15 : memref<64x128xf32, #tpu.memory_space<vmem>>)
    %dma_wait3A_122 = arith.constant 0 : i32
    %dma_wait3A_123 = arith.constant 0 : i32
    %dma_wait3A_124 = tpu.memref_slice %arg19[%dma_wait3A_122, %dma_wait3A_123] : memref<10112x128xf32, #tpu.memory_space<vmem_shared>> -> memref<10112x128xf32, #tpu.memory_space<vmem_shared>>
    tpu.wait_indirect_dma semaphore(%arg26 : memref<!tpu.dma_semaphore, #tpu.memory_space<semaphore_mem>>) src(%arg17 : memref<64x128xf32, #tpu.memory_space<vmem>>) dst(%dma_wait3A_124 : memref<10112x128xf32, #tpu.memory_space<vmem_shared>>)
    %add3A_125 = arith.constant 2304 : i32
    %add3A_126 = arith.addi %add3A_77, %add3A_125 : i32
    %dma_start3A_127 = tpu.memref_slice %arg4[%add3A_126] : memref<160000xi32, #tpu.memory_space<hbm>> -> memref<64xi32, #tpu.memory_space<hbm>>
    %dma_start3A_128 = tpu.memref_slice %arg4[%add3A_126] : memref<160000xi32, #tpu.memory_space<hbm>> -> memref<64xi32, #tpu.memory_space<hbm>>
    tpu.enqueue_dma source(%dma_start3A_128 : memref<64xi32, #tpu.memory_space<hbm>>) target(%arg9 : memref<64xi32, #tpu.memory_space<vmem>>) target_semaphore(%arg28 : memref<!tpu.dma_semaphore, #tpu.memory_space<semaphore_mem>>)
    %scan3A_129 = arith.constant 0 : i32
    %scan3A_130 = arith.constant 0 : i32
    %scan3A_131 = arith.constant 64 : i32
    %scan3A_132 = arith.addi %scan3A_130, %scan3A_131 : i32
    %scan3A_133 = arith.constant 1 : i32
    %scan3A_134 = scf.for %scan3A_175 = %scan3A_130 to %scan3A_132 step %scan3A_133 iter_args(%scan3A_176 = %scan3A_129) -> (i32)  : i32 {
      %get3A = arith.index_cast %scan3A_175 : i32 to index
      %get3A_177 = arith.constant 0 : index
      %get3A_178 = tpu.vector_load %arg13[%get3A, %get3A_177] {strides = array<i32>} : memref<64x128xf32, #tpu.memory_space<vmem>>, vector<1x16xf32>,
      %get3A_179 = vector.shape_cast %get3A_178 : vector<1x16xf32> to vector<16xf32>
      %get3A_180 = arith.index_cast %scan3A_175 : i32 to index
      %get3A_181 = arith.constant 0 : index
      %get3A_182 = tpu.vector_load %arg15[%get3A_180, %get3A_181] {strides = array<i32>} : memref<64x128xf32, #tpu.memory_space<vmem>>, vector<1x16xf32>,
      %get3A_183 = vector.shape_cast %get3A_182 : vector<1x16xf32> to vector<16xf32>
      %mul3A_184 = arith.mulf %get3A_179, %get3A_183 : vector<16xf32>
      %swap3A = arith.index_cast %scan3A_175 : i32 to index
      %swap3A_185 = arith.constant 0 : index
      %swap3A_186 = tpu.vector_load %arg17[%swap3A, %swap3A_185] {strides = array<i32>} : memref<64x128xf32, #tpu.memory_space<vmem>>, vector<1x16xf32>,
      %swap3A_187 = vector.shape_cast %swap3A_186 : vector<1x16xf32> to vector<16xf32>
      %swap3A_188 = vector.shape_cast %mul3A_184 : vector<16xf32> to vector<1x16xf32>
      tpu.vector_store %arg17[%swap3A, %swap3A_185], %swap3A_188 {strides = array<i32>} : memref<64x128xf32, #tpu.memory_space<vmem>>, vector<1x16xf32>,
      %get3A_189 = arith.index_cast %scan3A_175 : i32 to index
      %get3A_190 = arith.constant 16 : index
      %get3A_191 = tpu.vector_load %arg13[%get3A_189, %get3A_190] {strides = array<i32>} : memref<64x128xf32, #tpu.memory_space<vmem>>, vector<1x16xf32>,
      %get3A_192 = vector.shape_cast %get3A_191 : vector<1x16xf32> to vector<16xf32>
      %get3A_193 = arith.index_cast %scan3A_175 : i32 to index
      %get3A_194 = arith.constant 16 : index
      %get3A_195 = tpu.vector_load %arg15[%get3A_193, %get3A_194] {strides = array<i32>} : memref<64x128xf32, #tpu.memory_space<vmem>>, vector<1x16xf32>,
      %get3A_196 = vector.shape_cast %get3A_195 : vector<1x16xf32> to vector<16xf32>
      %mul3A_197 = arith.mulf %get3A_192, %get3A_196 : vector<16xf32>
      %swap3A_198 = arith.index_cast %scan3A_175 : i32 to index
      %swap3A_199 = arith.constant 16 : index
      %swap3A_200 = tpu.vector_load %arg17[%swap3A_198, %swap3A_199] {strides = array<i32>} : memref<64x128xf32, #tpu.memory_space<vmem>>, vector<1x16xf32>,
      %swap3A_201 = vector.shape_cast %swap3A_200 : vector<1x16xf32> to vector<16xf32>
      %swap3A_202 = vector.shape_cast %mul3A_197 : vector<16xf32> to vector<1x16xf32>
      tpu.vector_store %arg17[%swap3A_198, %swap3A_199], %swap3A_202 {strides = array<i32>} : memref<64x128xf32, #tpu.memory_space<vmem>>, vector<1x16xf32>,
      %get3A_203 = arith.index_cast %scan3A_175 : i32 to index
      %get3A_204 = arith.constant 32 : index
      %get3A_205 = tpu.vector_load %arg13[%get3A_203, %get3A_204] {strides = array<i32>} : memref<64x128xf32, #tpu.memory_space<vmem>>, vector<1x16xf32>,
      %get3A_206 = vector.shape_cast %get3A_205 : vector<1x16xf32> to vector<16xf32>
      %get3A_207 = arith.index_cast %scan3A_175 : i32 to index
      %get3A_208 = arith.constant 32 : index
      %get3A_209 = tpu.vector_load %arg15[%get3A_207, %get3A_208] {strides = array<i32>} : memref<64x128xf32, #tpu.memory_space<vmem>>, vector<1x16xf32>,
      %get3A_210 = vector.shape_cast %get3A_209 : vector<1x16xf32> to vector<16xf32>
      %mul3A_211 = arith.mulf %get3A_206, %get3A_210 : vector<16xf32>
      %swap3A_212 = arith.index_cast %scan3A_175 : i32 to index
      %swap3A_213 = arith.constant 32 : index
      %swap3A_214 = tpu.vector_load %arg17[%swap3A_212, %swap3A_213] {strides = array<i32>} : memref<64x128xf32, #tpu.memory_space<vmem>>, vector<1x16xf32>,
      %swap3A_215 = vector.shape_cast %swap3A_214 : vector<1x16xf32> to vector<16xf32>
      %swap3A_216 = vector.shape_cast %mul3A_211 : vector<16xf32> to vector<1x16xf32>
      tpu.vector_store %arg17[%swap3A_212, %swap3A_213], %swap3A_216 {strides = array<i32>} : memref<64x128xf32, #tpu.memory_space<vmem>>, vector<1x16xf32>,
      %get3A_217 = arith.index_cast %scan3A_175 : i32 to index
      %get3A_218 = arith.constant 48 : index
      %get3A_219 = tpu.vector_load %arg13[%get3A_217, %get3A_218] {strides = array<i32>} : memref<64x128xf32, #tpu.memory_space<vmem>>, vector<1x16xf32>,
      %get3A_220 = vector.shape_cast %get3A_219 : vector<1x16xf32> to vector<16xf32>
      %get3A_221 = arith.index_cast %scan3A_175 : i32 to index
      %get3A_222 = arith.constant 48 : index
      %get3A_223 = tpu.vector_load %arg15[%get3A_221, %get3A_222] {strides = array<i32>} : memref<64x128xf32, #tpu.memory_space<vmem>>, vector<1x16xf32>,
      %get3A_224 = vector.shape_cast %get3A_223 : vector<1x16xf32> to vector<16xf32>
      %mul3A_225 = arith.mulf %get3A_220, %get3A_224 : vector<16xf32>
      %swap3A_226 = arith.index_cast %scan3A_175 : i32 to index
      %swap3A_227 = arith.constant 48 : index
      %swap3A_228 = tpu.vector_load %arg17[%swap3A_226, %swap3A_227] {strides = array<i32>} : memref<64x128xf32, #tpu.memory_space<vmem>>, vector<1x16xf32>,
      %swap3A_229 = vector.shape_cast %swap3A_228 : vector<1x16xf32> to vector<16xf32>
      %swap3A_230 = vector.shape_cast %mul3A_225 : vector<16xf32> to vector<1x16xf32>
      tpu.vector_store %arg17[%swap3A_226, %swap3A_227], %swap3A_230 {strides = array<i32>} : memref<64x128xf32, #tpu.memory_space<vmem>>, vector<1x16xf32>,
      %get3A_231 = arith.index_cast %scan3A_175 : i32 to index
      %get3A_232 = arith.constant 64 : index
      %get3A_233 = tpu.vector_load %arg15[%get3A_231, %get3A_232] {strides = array<i32>} : memref<64x128xf32, #tpu.memory_space<vmem>>, vector<1x16xf32>,
      %get3A_234 = vector.shape_cast %get3A_233 : vector<1x16xf32> to vector<16xf32>
      %mul3A_235 = arith.mulf %get3A_179, %get3A_234 : vector<16xf32>
      %swap3A_236 = arith.index_cast %scan3A_175 : i32 to index
      %swap3A_237 = arith.constant 64 : index
      %swap3A_238 = tpu.vector_load %arg17[%swap3A_236, %swap3A_237] {strides = array<i32>} : memref<64x128xf32, #tpu.memory_space<vmem>>, vector<1x16xf32>,
      %swap3A_239 = vector.shape_cast %swap3A_238 : vector<1x16xf32> to vector<16xf32>
      %swap3A_240 = vector.shape_cast %mul3A_235 : vector<16xf32> to vector<1x16xf32>
      tpu.vector_store %arg17[%swap3A_236, %swap3A_237], %swap3A_240 {strides = array<i32>} : memref<64x128xf32, #tpu.memory_space<vmem>>, vector<1x16xf32>,
      %get3A_241 = arith.index_cast %scan3A_175 : i32 to index
      %get3A_242 = arith.constant 80 : index
      %get3A_243 = tpu.vector_load %arg15[%get3A_241, %get3A_242] {strides = array<i32>} : memref<64x128xf32, #tpu.memory_space<vmem>>, vector<1x16xf32>,
      %get3A_244 = vector.shape_cast %get3A_243 : vector<1x16xf32> to vector<16xf32>
      %mul3A_245 = arith.mulf %get3A_179, %get3A_244 : vector<16xf32>
      %swap3A_246 = arith.index_cast %scan3A_175 : i32 to index
      %swap3A_247 = arith.constant 80 : index
      %swap3A_248 = tpu.vector_load %arg17[%swap3A_246, %swap3A_247] {strides = array<i32>} : memref<64x128xf32, #tpu.memory_space<vmem>>, vector<1x16xf32>,
      %swap3A_249 = vector.shape_cast %swap3A_248 : vector<1x16xf32> to vector<16xf32>
      %swap3A_250 = vector.shape_cast %mul3A_245 : vector<16xf32> to vector<1x16xf32>
      tpu.vector_store %arg17[%swap3A_246, %swap3A_247], %swap3A_250 {strides = array<i32>} : memref<64x128xf32, #tpu.memory_space<vmem>>, vector<1x16xf32>,
      %get3A_251 = arith.index_cast %scan3A_175 : i32 to index
      %get3A_252 = arith.constant 96 : index
      %get3A_253 = tpu.vector_load %arg15[%get3A_251, %get3A_252] {strides = array<i32>} : memref<64x128xf32, #tpu.memory_space<vmem>>, vector<1x16xf32>,
      %get3A_254 = vector.shape_cast %get3A_253 : vector<1x16xf32> to vector<16xf32>
      %mul3A_255 = arith.mulf %get3A_179, %get3A_254 : vector<16xf32>
      %swap3A_256 = arith.index_cast %scan3A_175 : i32 to index
      %swap3A_257 = arith.constant 96 : index
      %swap3A_258 = tpu.vector_load %arg17[%swap3A_256, %swap3A_257] {strides = array<i32>} : memref<64x128xf32, #tpu.memory_space<vmem>>, vector<1x16xf32>,
      %swap3A_259 = vector.shape_cast %swap3A_258 : vector<1x16xf32> to vector<16xf32>
      %swap3A_260 = vector.shape_cast %mul3A_255 : vector<16xf32> to vector<1x16xf32>
      tpu.vector_store %arg17[%swap3A_256, %swap3A_257], %swap3A_260 {strides = array<i32>} : memref<64x128xf32, #tpu.memory_space<vmem>>, vector<1x16xf32>,
      %scan3A_261 = arith.constant 0 : i32
      scf.yield %scan3A_261 : i32
    }
    %scan3A_135 = arith.constant 64 : i32
    %dma_wait3A_136 = tpu.memref_slice %arg4[%add3A_126] : memref<160000xi32, #tpu.memory_space<hbm>> -> memref<64xi32, #tpu.memory_space<hbm>>
    %dma_wait3A_137 = tpu.memref_slice %arg4[%add3A_126] : memref<160000xi32, #tpu.memory_space<hbm>> -> memref<64xi32, #tpu.memory_space<hbm>>
    tpu.wait_dma2 semaphore(%arg28 : memref<!tpu.dma_semaphore, #tpu.memory_space<semaphore_mem>>) src(%dma_wait3A_137 : memref<64xi32, #tpu.memory_space<hbm>>) dst(%arg9 : memref<64xi32, #tpu.memory_space<vmem>>)
    %dma_start3A_138 = arith.constant 0 : i32
    %dma_start3A_139 = arith.constant 0 : i32
    %dma_start3A_140 = tpu.memref_slice %arg19[%dma_start3A_138, %dma_start3A_139] : memref<10112x128xf32, #tpu.memory_space<vmem_shared>> -> memref<10112x128xf32, #tpu.memory_space<vmem_shared>>
    tpu.enqueue_indirect_dma source(%arg17 : memref<64x128xf32, #tpu.memory_space<vmem>>) target(%dma_start3A_140 : memref<10112x128xf32, #tpu.memory_space<vmem_shared>>) offsets(%arg9 : memref<64xi32, #tpu.memory_space<vmem>>) semaphore(%arg26 : memref<!tpu.dma_semaphore, #tpu.memory_space<semaphore_mem>>) {add = true}
    %dma_wait3A_141 = arith.constant 0 : i32
    %dma_wait3A_142 = arith.constant 0 : i32
    %dma_wait3A_143 = tpu.memref_slice %arg19[%dma_wait3A_141, %dma_wait3A_142] : memref<10112x128xf32, #tpu.memory_space<vmem_shared>> -> memref<10112x128xf32, #tpu.memory_space<vmem_shared>>
    tpu.wait_indirect_dma semaphore(%arg26 : memref<!tpu.dma_semaphore, #tpu.memory_space<semaphore_mem>>) src(%arg17 : memref<64x128xf32, #tpu.memory_space<vmem>>) dst(%dma_wait3A_143 : memref<10112x128xf32, #tpu.memory_space<vmem_shared>>)
    %dma_wait3A_144 = arith.constant 0 : i32
    %dma_wait3A_145 = arith.constant 0 : i32
    %dma_wait3A_146 = tpu.memref_slice %arg19[%dma_wait3A_144, %dma_wait3A_145] : memref<10112x128xf32, #tpu.memory_space<vmem_shared>> -> memref<10112x128xf32, #tpu.memory_space<vmem_shared>>
    tpu.wait_indirect_dma semaphore(%arg27 : memref<!tpu.dma_semaphore, #tpu.memory_space<semaphore_mem>>) src(%arg18 : memref<64x128xf32, #tpu.memory_space<vmem>>) dst(%dma_wait3A_146 : memref<10112x128xf32, #tpu.memory_space<vmem_shared>>)
    %add3A_147 = arith.constant 2368 : i32
    %add3A_148 = arith.addi %mul3A_75, %add3A_147 : i32
    %add3A_149 = arith.constant 2368 : i32
    %add3A_150 = arith.addi %add3A_77, %add3A_149 : i32
    "tpu.region"() ({
      %run_scoped3A = tpu.sem_alloc : memref<!tpu.dma_semaphore, #tpu.memory_space<semaphore_mem>>
      %dma_start3A_175 = tpu.memref_slice %arg3[%add3A_150] : memref<160000xi32, #tpu.memory_space<hbm>> -> memref<32xi32, #tpu.memory_space<hbm>>
      %dma_start3A_176 = tpu.memref_slice %arg3[%add3A_150] : memref<160000xi32, #tpu.memory_space<hbm>> -> memref<32xi32, #tpu.memory_space<hbm>>
      tpu.enqueue_dma source(%dma_start3A_176 : memref<32xi32, #tpu.memory_space<hbm>>) target(%arg11 : memref<32xi32, #tpu.memory_space<vmem>>) target_semaphore(%run_scoped3A : memref<!tpu.dma_semaphore, #tpu.memory_space<semaphore_mem>>)
      %dma_wait3A_177 = tpu.memref_slice %arg3[%add3A_150] : memref<160000xi32, #tpu.memory_space<hbm>> -> memref<32xi32, #tpu.memory_space<hbm>>
      %dma_wait3A_178 = tpu.memref_slice %arg3[%add3A_150] : memref<160000xi32, #tpu.memory_space<hbm>> -> memref<32xi32, #tpu.memory_space<hbm>>
      tpu.wait_dma2 semaphore(%run_scoped3A : memref<!tpu.dma_semaphore, #tpu.memory_space<semaphore_mem>>) src(%dma_wait3A_178 : memref<32xi32, #tpu.memory_space<hbm>>) dst(%arg11 : memref<32xi32, #tpu.memory_space<vmem>>)
      tpu.yield
    }) : () -> ()
    "tpu.region"() ({
      %run_scoped3A = tpu.sem_alloc : memref<!tpu.dma_semaphore, #tpu.memory_space<semaphore_mem>>
      %dma_start3A_175 = tpu.memref_slice %arg4[%add3A_150] : memref<160000xi32, #tpu.memory_space<hbm>> -> memref<32xi32, #tpu.memory_space<hbm>>
      %dma_start3A_176 = tpu.memref_slice %arg4[%add3A_150] : memref<160000xi32, #tpu.memory_space<hbm>> -> memref<32xi32, #tpu.memory_space<hbm>>
      tpu.enqueue_dma source(%dma_start3A_176 : memref<32xi32, #tpu.memory_space<hbm>>) target(%arg12 : memref<32xi32, #tpu.memory_space<vmem>>) target_semaphore(%run_scoped3A : memref<!tpu.dma_semaphore, #tpu.memory_space<semaphore_mem>>)
      %dma_wait3A_177 = tpu.memref_slice %arg4[%add3A_150] : memref<160000xi32, #tpu.memory_space<hbm>> -> memref<32xi32, #tpu.memory_space<hbm>>
      %dma_wait3A_178 = tpu.memref_slice %arg4[%add3A_150] : memref<160000xi32, #tpu.memory_space<hbm>> -> memref<32xi32, #tpu.memory_space<hbm>>
      tpu.wait_dma2 semaphore(%run_scoped3A : memref<!tpu.dma_semaphore, #tpu.memory_space<semaphore_mem>>) src(%dma_wait3A_178 : memref<32xi32, #tpu.memory_space<hbm>>) dst(%arg12 : memref<32xi32, #tpu.memory_space<vmem>>)
      tpu.yield
    }) : () -> ()
    "tpu.region"() ({
      %run_scoped3A = tpu.sem_alloc : memref<!tpu.dma_semaphore, #tpu.memory_space<semaphore_mem>>
      %dma_start3A_175 = arith.constant 0 : i32
      %dma_start3A_176 = arith.constant 0 : i32
      %dma_start3A_177 = tpu.memref_slice %arg15[%dma_start3A_175, %dma_start3A_176] : memref<64x128xf32, #tpu.memory_space<vmem>> -> memref<32x128xf32, #tpu.memory_space<vmem>>
      %dma_start3A_178 = arith.constant 0 : i32
      %dma_start3A_179 = tpu.memref_slice %arg5[%add3A_148, %dma_start3A_178] : memref<76800x128xf32, #tpu.memory_space<hbm>> -> memref<32x128xf32, #tpu.memory_space<hbm>>
      %dma_start3A_180 = arith.constant 0 : i32
      %dma_start3A_181 = arith.constant 0 : i32
      %dma_start3A_182 = tpu.memref_slice %arg15[%dma_start3A_180, %dma_start3A_181] : memref<64x128xf32, #tpu.memory_space<vmem>> -> memref<32x128xf32, #tpu.memory_space<vmem>>
      %dma_start3A_183 = arith.constant 0 : i32
      %dma_start3A_184 = tpu.memref_slice %arg5[%add3A_148, %dma_start3A_183] : memref<76800x128xf32, #tpu.memory_space<hbm>> -> memref<32x128xf32, #tpu.memory_space<hbm>>
      tpu.enqueue_dma source(%dma_start3A_184 : memref<32x128xf32, #tpu.memory_space<hbm>>) target(%dma_start3A_182 : memref<32x128xf32, #tpu.memory_space<vmem>>) target_semaphore(%run_scoped3A : memref<!tpu.dma_semaphore, #tpu.memory_space<semaphore_mem>>)
      %dma_wait3A_185 = arith.constant 0 : i32
      %dma_wait3A_186 = arith.constant 0 : i32
      %dma_wait3A_187 = tpu.memref_slice %arg15[%dma_wait3A_185, %dma_wait3A_186] : memref<64x128xf32, #tpu.memory_space<vmem>> -> memref<32x128xf32, #tpu.memory_space<vmem>>
      %dma_wait3A_188 = arith.constant 0 : i32
      %dma_wait3A_189 = tpu.memref_slice %arg5[%add3A_148, %dma_wait3A_188] : memref<76800x128xf32, #tpu.memory_space<hbm>> -> memref<32x128xf32, #tpu.memory_space<hbm>>
      %dma_wait3A_190 = arith.constant 0 : i32
      %dma_wait3A_191 = arith.constant 0 : i32
      %dma_wait3A_192 = tpu.memref_slice %arg15[%dma_wait3A_190, %dma_wait3A_191] : memref<64x128xf32, #tpu.memory_space<vmem>> -> memref<32x128xf32, #tpu.memory_space<vmem>>
      %dma_wait3A_193 = arith.constant 0 : i32
      %dma_wait3A_194 = tpu.memref_slice %arg5[%add3A_148, %dma_wait3A_193] : memref<76800x128xf32, #tpu.memory_space<hbm>> -> memref<32x128xf32, #tpu.memory_space<hbm>>
      tpu.wait_dma2 semaphore(%run_scoped3A : memref<!tpu.dma_semaphore, #tpu.memory_space<semaphore_mem>>) src(%dma_wait3A_194 : memref<32x128xf32, #tpu.memory_space<hbm>>) dst(%dma_wait3A_192 : memref<32x128xf32, #tpu.memory_space<vmem>>)
      tpu.yield
    }) : () -> ()
    %dma_start3A_151 = arith.constant 0 : i32
    %dma_start3A_152 = arith.constant 0 : i32
    %dma_start3A_153 = tpu.memref_slice %arg13[%dma_start3A_151, %dma_start3A_152] : memref<64x128xf32, #tpu.memory_space<vmem>> -> memref<32x128xf32, #tpu.memory_space<vmem>>
    %dma_start3A_154 = arith.constant 0 : i32
    %dma_start3A_155 = arith.constant 0 : i32
    %dma_start3A_156 = tpu.memref_slice %arg2[%dma_start3A_154, %dma_start3A_155] : memref<10000x128xf32, #tpu.memory_space<hbm>> -> memref<10000x128xf32, #tpu.memory_space<hbm>>
    tpu.enqueue_indirect_dma source(%dma_start3A_156 : memref<10000x128xf32, #tpu.memory_space<hbm>>) target(%dma_start3A_153 : memref<32x128xf32, #tpu.memory_space<vmem>>) offsets(%arg11 : memref<32xi32, #tpu.memory_space<vmem>>) semaphore(%arg28 : memref<!tpu.dma_semaphore, #tpu.memory_space<semaphore_mem>>)
    %dma_wait3A_157 = arith.constant 0 : i32
    %dma_wait3A_158 = arith.constant 0 : i32
    %dma_wait3A_159 = tpu.memref_slice %arg13[%dma_wait3A_157, %dma_wait3A_158] : memref<64x128xf32, #tpu.memory_space<vmem>> -> memref<32x128xf32, #tpu.memory_space<vmem>>
    %dma_wait3A_160 = arith.constant 0 : i32
    %dma_wait3A_161 = arith.constant 0 : i32
    %dma_wait3A_162 = tpu.memref_slice %arg2[%dma_wait3A_160, %dma_wait3A_161] : memref<10000x128xf32, #tpu.memory_space<hbm>> -> memref<10000x128xf32, #tpu.memory_space<hbm>>
    tpu.wait_indirect_dma semaphore(%arg28 : memref<!tpu.dma_semaphore, #tpu.memory_space<semaphore_mem>>) src(%dma_wait3A_162 : memref<10000x128xf32, #tpu.memory_space<hbm>>) dst(%dma_wait3A_159 : memref<32x128xf32, #tpu.memory_space<vmem>>)
    %scan3A_163 = arith.constant 0 : i32
    %scan3A_164 = arith.constant 0 : i32
    %scan3A_165 = arith.constant 32 : i32
    %scan3A_166 = arith.addi %scan3A_164, %scan3A_165 : i32
    %scan3A_167 = arith.constant 1 : i32
    %scan3A_168 = scf.for %scan3A_175 = %scan3A_164 to %scan3A_166 step %scan3A_167 iter_args(%scan3A_176 = %scan3A_163) -> (i32)  : i32 {
      %get3A = arith.index_cast %scan3A_175 : i32 to index
      %get3A_177 = arith.constant 0 : index
      %get3A_178 = tpu.vector_load %arg13[%get3A, %get3A_177] {strides = array<i32>} : memref<64x128xf32, #tpu.memory_space<vmem>>, vector<1x16xf32>,
      %get3A_179 = vector.shape_cast %get3A_178 : vector<1x16xf32> to vector<16xf32>
      %get3A_180 = arith.index_cast %scan3A_175 : i32 to index
      %get3A_181 = arith.constant 0 : index
      %get3A_182 = tpu.vector_load %arg15[%get3A_180, %get3A_181] {strides = array<i32>} : memref<64x128xf32, #tpu.memory_space<vmem>>, vector<1x16xf32>,
      %get3A_183 = vector.shape_cast %get3A_182 : vector<1x16xf32> to vector<16xf32>
      %mul3A_184 = arith.mulf %get3A_179, %get3A_183 : vector<16xf32>
      %swap3A = arith.index_cast %scan3A_175 : i32 to index
      %swap3A_185 = arith.constant 0 : index
      %swap3A_186 = tpu.vector_load %arg17[%swap3A, %swap3A_185] {strides = array<i32>} : memref<64x128xf32, #tpu.memory_space<vmem>>, vector<1x16xf32>,
      %swap3A_187 = vector.shape_cast %swap3A_186 : vector<1x16xf32> to vector<16xf32>
      %swap3A_188 = vector.shape_cast %mul3A_184 : vector<16xf32> to vector<1x16xf32>
      tpu.vector_store %arg17[%swap3A, %swap3A_185], %swap3A_188 {strides = array<i32>} : memref<64x128xf32, #tpu.memory_space<vmem>>, vector<1x16xf32>,
      %get3A_189 = arith.index_cast %scan3A_175 : i32 to index
      %get3A_190 = arith.constant 16 : index
      %get3A_191 = tpu.vector_load %arg13[%get3A_189, %get3A_190] {strides = array<i32>} : memref<64x128xf32, #tpu.memory_space<vmem>>, vector<1x16xf32>,
      %get3A_192 = vector.shape_cast %get3A_191 : vector<1x16xf32> to vector<16xf32>
      %get3A_193 = arith.index_cast %scan3A_175 : i32 to index
      %get3A_194 = arith.constant 16 : index
      %get3A_195 = tpu.vector_load %arg15[%get3A_193, %get3A_194] {strides = array<i32>} : memref<64x128xf32, #tpu.memory_space<vmem>>, vector<1x16xf32>,
      %get3A_196 = vector.shape_cast %get3A_195 : vector<1x16xf32> to vector<16xf32>
      %mul3A_197 = arith.mulf %get3A_192, %get3A_196 : vector<16xf32>
      %swap3A_198 = arith.index_cast %scan3A_175 : i32 to index
      %swap3A_199 = arith.constant 16 : index
      %swap3A_200 = tpu.vector_load %arg17[%swap3A_198, %swap3A_199] {strides = array<i32>} : memref<64x128xf32, #tpu.memory_space<vmem>>, vector<1x16xf32>,
      %swap3A_201 = vector.shape_cast %swap3A_200 : vector<1x16xf32> to vector<16xf32>
      %swap3A_202 = vector.shape_cast %mul3A_197 : vector<16xf32> to vector<1x16xf32>
      tpu.vector_store %arg17[%swap3A_198, %swap3A_199], %swap3A_202 {strides = array<i32>} : memref<64x128xf32, #tpu.memory_space<vmem>>, vector<1x16xf32>,
      %get3A_203 = arith.index_cast %scan3A_175 : i32 to index
      %get3A_204 = arith.constant 32 : index
      %get3A_205 = tpu.vector_load %arg13[%get3A_203, %get3A_204] {strides = array<i32>} : memref<64x128xf32, #tpu.memory_space<vmem>>, vector<1x16xf32>,
      %get3A_206 = vector.shape_cast %get3A_205 : vector<1x16xf32> to vector<16xf32>
      %get3A_207 = arith.index_cast %scan3A_175 : i32 to index
      %get3A_208 = arith.constant 32 : index
      %get3A_209 = tpu.vector_load %arg15[%get3A_207, %get3A_208] {strides = array<i32>} : memref<64x128xf32, #tpu.memory_space<vmem>>, vector<1x16xf32>,
      %get3A_210 = vector.shape_cast %get3A_209 : vector<1x16xf32> to vector<16xf32>
      %mul3A_211 = arith.mulf %get3A_206, %get3A_210 : vector<16xf32>
      %swap3A_212 = arith.index_cast %scan3A_175 : i32 to index
      %swap3A_213 = arith.constant 32 : index
      %swap3A_214 = tpu.vector_load %arg17[%swap3A_212, %swap3A_213] {strides = array<i32>} : memref<64x128xf32, #tpu.memory_space<vmem>>, vector<1x16xf32>,
      %swap3A_215 = vector.shape_cast %swap3A_214 : vector<1x16xf32> to vector<16xf32>
      %swap3A_216 = vector.shape_cast %mul3A_211 : vector<16xf32> to vector<1x16xf32>
      tpu.vector_store %arg17[%swap3A_212, %swap3A_213], %swap3A_216 {strides = array<i32>} : memref<64x128xf32, #tpu.memory_space<vmem>>, vector<1x16xf32>,
      %get3A_217 = arith.index_cast %scan3A_175 : i32 to index
      %get3A_218 = arith.constant 48 : index
      %get3A_219 = tpu.vector_load %arg13[%get3A_217, %get3A_218] {strides = array<i32>} : memref<64x128xf32, #tpu.memory_space<vmem>>, vector<1x16xf32>,
      %get3A_220 = vector.shape_cast %get3A_219 : vector<1x16xf32> to vector<16xf32>
      %get3A_221 = arith.index_cast %scan3A_175 : i32 to index
      %get3A_222 = arith.constant 48 : index
      %get3A_223 = tpu.vector_load %arg15[%get3A_221, %get3A_222] {strides = array<i32>} : memref<64x128xf32, #tpu.memory_space<vmem>>, vector<1x16xf32>,
      %get3A_224 = vector.shape_cast %get3A_223 : vector<1x16xf32> to vector<16xf32>
      %mul3A_225 = arith.mulf %get3A_220, %get3A_224 : vector<16xf32>
      %swap3A_226 = arith.index_cast %scan3A_175 : i32 to index
      %swap3A_227 = arith.constant 48 : index
      %swap3A_228 = tpu.vector_load %arg17[%swap3A_226, %swap3A_227] {strides = array<i32>} : memref<64x128xf32, #tpu.memory_space<vmem>>, vector<1x16xf32>,
      %swap3A_229 = vector.shape_cast %swap3A_228 : vector<1x16xf32> to vector<16xf32>
      %swap3A_230 = vector.shape_cast %mul3A_225 : vector<16xf32> to vector<1x16xf32>
      tpu.vector_store %arg17[%swap3A_226, %swap3A_227], %swap3A_230 {strides = array<i32>} : memref<64x128xf32, #tpu.memory_space<vmem>>, vector<1x16xf32>,
      %get3A_231 = arith.index_cast %scan3A_175 : i32 to index
      %get3A_232 = arith.constant 64 : index
      %get3A_233 = tpu.vector_load %arg15[%get3A_231, %get3A_232] {strides = array<i32>} : memref<64x128xf32, #tpu.memory_space<vmem>>, vector<1x16xf32>,
      %get3A_234 = vector.shape_cast %get3A_233 : vector<1x16xf32> to vector<16xf32>
      %mul3A_235 = arith.mulf %get3A_179, %get3A_234 : vector<16xf32>
      %swap3A_236 = arith.index_cast %scan3A_175 : i32 to index
      %swap3A_237 = arith.constant 64 : index
      %swap3A_238 = tpu.vector_load %arg17[%swap3A_236, %swap3A_237] {strides = array<i32>} : memref<64x128xf32, #tpu.memory_space<vmem>>, vector<1x16xf32>,
      %swap3A_239 = vector.shape_cast %swap3A_238 : vector<1x16xf32> to vector<16xf32>
      %swap3A_240 = vector.shape_cast %mul3A_235 : vector<16xf32> to vector<1x16xf32>
      tpu.vector_store %arg17[%swap3A_236, %swap3A_237], %swap3A_240 {strides = array<i32>} : memref<64x128xf32, #tpu.memory_space<vmem>>, vector<1x16xf32>,
      %get3A_241 = arith.index_cast %scan3A_175 : i32 to index
      %get3A_242 = arith.constant 80 : index
      %get3A_243 = tpu.vector_load %arg15[%get3A_241, %get3A_242] {strides = array<i32>} : memref<64x128xf32, #tpu.memory_space<vmem>>, vector<1x16xf32>,
      %get3A_244 = vector.shape_cast %get3A_243 : vector<1x16xf32> to vector<16xf32>
      %mul3A_245 = arith.mulf %get3A_179, %get3A_244 : vector<16xf32>
      %swap3A_246 = arith.index_cast %scan3A_175 : i32 to index
      %swap3A_247 = arith.constant 80 : index
      %swap3A_248 = tpu.vector_load %arg17[%swap3A_246, %swap3A_247] {strides = array<i32>} : memref<64x128xf32, #tpu.memory_space<vmem>>, vector<1x16xf32>,
      %swap3A_249 = vector.shape_cast %swap3A_248 : vector<1x16xf32> to vector<16xf32>
      %swap3A_250 = vector.shape_cast %mul3A_245 : vector<16xf32> to vector<1x16xf32>
      tpu.vector_store %arg17[%swap3A_246, %swap3A_247], %swap3A_250 {strides = array<i32>} : memref<64x128xf32, #tpu.memory_space<vmem>>, vector<1x16xf32>,
      %get3A_251 = arith.index_cast %scan3A_175 : i32 to index
      %get3A_252 = arith.constant 96 : index
      %get3A_253 = tpu.vector_load %arg15[%get3A_251, %get3A_252] {strides = array<i32>} : memref<64x128xf32, #tpu.memory_space<vmem>>, vector<1x16xf32>,
      %get3A_254 = vector.shape_cast %get3A_253 : vector<1x16xf32> to vector<16xf32>
      %mul3A_255 = arith.mulf %get3A_179, %get3A_254 : vector<16xf32>
      %swap3A_256 = arith.index_cast %scan3A_175 : i32 to index
      %swap3A_257 = arith.constant 96 : index
      %swap3A_258 = tpu.vector_load %arg17[%swap3A_256, %swap3A_257] {strides = array<i32>} : memref<64x128xf32, #tpu.memory_space<vmem>>, vector<1x16xf32>,
      %swap3A_259 = vector.shape_cast %swap3A_258 : vector<1x16xf32> to vector<16xf32>
      %swap3A_260 = vector.shape_cast %mul3A_255 : vector<16xf32> to vector<1x16xf32>
      tpu.vector_store %arg17[%swap3A_256, %swap3A_257], %swap3A_260 {strides = array<i32>} : memref<64x128xf32, #tpu.memory_space<vmem>>, vector<1x16xf32>,
      %scan3A_261 = arith.constant 0 : i32
      scf.yield %scan3A_261 : i32
    }
    %scan3A_169 = arith.constant 32 : i32
    "tpu.region"() ({
      %run_scoped3A = tpu.sem_alloc : memref<!tpu.dma_semaphore, #tpu.memory_space<semaphore_mem>>
      %dma_start3A_175 = arith.constant 0 : i32
      %dma_start3A_176 = arith.constant 0 : i32
      %dma_start3A_177 = tpu.memref_slice %arg17[%dma_start3A_175, %dma_start3A_176] : memref<64x128xf32, #tpu.memory_space<vmem>> -> memref<32x128xf32, #tpu.memory_space<vmem>>
      %dma_start3A_178 = arith.constant 0 : i32
      %dma_start3A_179 = arith.constant 0 : i32
      %dma_start3A_180 = tpu.memref_slice %arg19[%dma_start3A_178, %dma_start3A_179] : memref<10112x128xf32, #tpu.memory_space<vmem_shared>> -> memref<10112x128xf32, #tpu.memory_space<vmem_shared>>
      tpu.enqueue_indirect_dma source(%dma_start3A_177 : memref<32x128xf32, #tpu.memory_space<vmem>>) target(%dma_start3A_180 : memref<10112x128xf32, #tpu.memory_space<vmem_shared>>) offsets(%arg12 : memref<32xi32, #tpu.memory_space<vmem>>) semaphore(%run_scoped3A : memref<!tpu.dma_semaphore, #tpu.memory_space<semaphore_mem>>) {add = true}
      %dma_wait3A_181 = arith.constant 0 : i32
      %dma_wait3A_182 = arith.constant 0 : i32
      %dma_wait3A_183 = tpu.memref_slice %arg17[%dma_wait3A_181, %dma_wait3A_182] : memref<64x128xf32, #tpu.memory_space<vmem>> -> memref<32x128xf32, #tpu.memory_space<vmem>>
      %dma_wait3A_184 = arith.constant 0 : i32
      %dma_wait3A_185 = arith.constant 0 : i32
      %dma_wait3A_186 = tpu.memref_slice %arg19[%dma_wait3A_184, %dma_wait3A_185] : memref<10112x128xf32, #tpu.memory_space<vmem_shared>> -> memref<10112x128xf32, #tpu.memory_space<vmem_shared>>
      tpu.wait_indirect_dma semaphore(%run_scoped3A : memref<!tpu.dma_semaphore, #tpu.memory_space<semaphore_mem>>) src(%dma_wait3A_183 : memref<32x128xf32, #tpu.memory_space<vmem>>) dst(%dma_wait3A_186 : memref<10112x128xf32, #tpu.memory_space<vmem_shared>>)
      tpu.yield
    }) : () -> ()
    %barrier3A_170 = arith.constant 0 : index
    tpu.barrier barrier_id(%barrier3A_170)
    %mul3A_171 = arith.constant 632 : i32
    %mul3A_172 = arith.muli %arg1, %mul3A_171 : i32
    %mul3A_173 = arith.constant 632 : i32
    %mul3A_174 = arith.muli %arg1, %mul3A_173 : i32
    "tpu.region"() ({
      %run_scoped3A = tpu.sem_alloc : memref<!tpu.dma_semaphore, #tpu.memory_space<semaphore_mem>>
      %dma_start3A_175 = arith.constant 0 : i32
      %dma_start3A_176 = tpu.memref_slice %arg6[%arg0, %mul3A_174, %dma_start3A_175] : memref<2x10112x128xf32, #tpu.memory_space<hbm>> -> memref<1x632x128xf32, #tpu.memory_space<hbm>>
      %dma_start3A_177 = tpu.memref_squeeze %dma_start3A_176 : memref<1x632x128xf32, #tpu.memory_space<hbm>> -> memref<632x128xf32, #tpu.memory_space<hbm>>
      %dma_start3A_178 = arith.constant 0 : i32
      %dma_start3A_179 = tpu.memref_slice %arg19[%mul3A_172, %dma_start3A_178] : memref<10112x128xf32, #tpu.memory_space<vmem_shared>> -> memref<632x128xf32, #tpu.memory_space<vmem_shared>>
      tpu.enqueue_dma source(%dma_start3A_179 : memref<632x128xf32, #tpu.memory_space<vmem_shared>>) target(%dma_start3A_177 : memref<632x128xf32, #tpu.memory_space<hbm>>) target_semaphore(%run_scoped3A : memref<!tpu.dma_semaphore, #tpu.memory_space<semaphore_mem>>)
      %dma_wait3A_180 = arith.constant 0 : i32
      %dma_wait3A_181 = tpu.memref_slice %arg6[%arg0, %mul3A_174, %dma_wait3A_180] : memref<2x10112x128xf32, #tpu.memory_space<hbm>> -> memref<1x632x128xf32, #tpu.memory_space<hbm>>
      %dma_wait3A_182 = tpu.memref_squeeze %dma_wait3A_181 : memref<1x632x128xf32, #tpu.memory_space<hbm>> -> memref<632x128xf32, #tpu.memory_space<hbm>>
      %dma_wait3A_183 = arith.constant 0 : i32
      %dma_wait3A_184 = tpu.memref_slice %arg19[%mul3A_172, %dma_wait3A_183] : memref<10112x128xf32, #tpu.memory_space<vmem_shared>> -> memref<632x128xf32, #tpu.memory_space<vmem_shared>>
      tpu.wait_dma2 semaphore(%run_scoped3A : memref<!tpu.dma_semaphore, #tpu.memory_space<semaphore_mem>>) src(%dma_wait3A_184 : memref<632x128xf32, #tpu.memory_space<vmem_shared>>) dst(%dma_wait3A_182 : memref<632x128xf32, #tpu.memory_space<hbm>>)
      tpu.yield
    }) : () -> ()
    return
  }
}

#map = affine_map<(d0, d1) -> (0, 0)>
#map1 = affine_map<(d0, d1) -> (0)>
#map2 = affine_map<(d0, d1) -> (0, 0, 0)>
module attributes {stable_mosaic.version = 14 : i64} {
  func.func @body(%arg0: i32, %arg1: i32, %arg2: memref<10000x128xf32, #tpu.memory_space<hbm>>, %arg3: memref<160000xi32, #tpu.memory_space<hbm>>, %arg4: memref<160000xi32, #tpu.memory_space<hbm>>, %arg5: memref<83200x128xf32, #tpu.memory_space<hbm>>, %arg6: memref<2x10112x128xf32, #tpu.memory_space<hbm>>, %arg7: memref<64xi32, #tpu.memory_space<vmem>>, %arg8: memref<64xi32, #tpu.memory_space<vmem>>, %arg9: memref<64xi32, #tpu.memory_space<vmem>>, %arg10: memref<64xi32, #tpu.memory_space<vmem>>, %arg11: memref<40xi32, #tpu.memory_space<vmem>>, %arg12: memref<40xi32, #tpu.memory_space<vmem>>, %arg13: memref<64x128xf32, #tpu.memory_space<vmem>>, %arg14: memref<64x128xf32, #tpu.memory_space<vmem>>, %arg15: memref<64x128xf32, #tpu.memory_space<vmem>>, %arg16: memref<64x128xf32, #tpu.memory_space<vmem>>, %arg17: memref<64x128xf32, #tpu.memory_space<vmem>>, %arg18: memref<64x128xf32, #tpu.memory_space<vmem>>, %arg19: memref<10112x128xf32, #tpu.memory_space<vmem_shared>>, %arg20: memref<!tpu.dma_semaphore, #tpu.memory_space<semaphore_mem>>, %arg21: memref<!tpu.dma_semaphore, #tpu.memory_space<semaphore_mem>>, %arg22: memref<!tpu.dma_semaphore, #tpu.memory_space<semaphore_mem>>, %arg23: memref<!tpu.dma_semaphore, #tpu.memory_space<semaphore_mem>>, %arg24: memref<!tpu.dma_semaphore, #tpu.memory_space<semaphore_mem>>, %arg25: memref<!tpu.dma_semaphore, #tpu.memory_space<semaphore_mem>>, %arg26: memref<!tpu.dma_semaphore, #tpu.memory_space<semaphore_mem>>, %arg27: memref<!tpu.dma_semaphore, #tpu.memory_space<semaphore_mem>>, %arg28: memref<!tpu.dma_semaphore, #tpu.memory_space<semaphore_mem>>) attributes {dimension_semantics = [#tpu.dimension_semantics<core_parallel>, #tpu.dimension_semantics<subcore_parallel>], iteration_bounds = array<i64: 2, 16>, scalar_prefetch = 0 : i64, scratch_operands = 22 : i64, tpu.core_type = #tpu.core_type<sc_vector_subcore>, window_params = [{transform_indices = #map}, {transform_indices = #map1}, {transform_indices = #map1}, {transform_indices = #map}, {transform_indices = #map2}]} {
    %broadcast_in_dim3A = arith.constant 0.000000e+00 : f32
    %broadcast_in_dim3A_0 = vector.broadcast %broadcast_in_dim3A : f32 to vector<16xf32>
    %scan3A = arith.constant 0 : i32
    %scan3A_1 = arith.constant 0 : i32
    %scan3A_2 = arith.constant 512 : i32
    %scan3A_3 = arith.addi %scan3A_1, %scan3A_2 : i32
    %scan3A_4 = arith.constant 1 : i32
    %scan3A_5 = scf.for %scan3A_147 = %scan3A_1 to %scan3A_3 step %scan3A_4 iter_args(%scan3A_148 = %scan3A) -> (i32)  : i32 {
      %jit3A_149 = arith.constant 8 : i32
      %div3A = arith.divsi %scan3A_147, %jit3A_149 : i32
      %sign3A = arith.constant 0 : i32
      %sign3A_150 = arith.cmpi sgt, %scan3A_147, %sign3A : i32
      %sign3A_151 = arith.extui %sign3A_150 : i1 to i32
      %sign3A_152 = arith.constant 0 : i32
      %sign3A_153 = arith.cmpi slt, %scan3A_147, %sign3A_152 : i32
      %sign3A_154 = arith.extui %sign3A_153 : i1 to i32
      %sign3A_155 = arith.subi %sign3A_151, %sign3A_154 : i32
      %sign3A_156 = arith.constant 0 : i32
      %sign3A_157 = arith.cmpi sgt, %jit3A_149, %sign3A_156 : i32
      %sign3A_158 = arith.extui %sign3A_157 : i1 to i32
      %sign3A_159 = arith.constant 0 : i32
      %sign3A_160 = arith.cmpi slt, %jit3A_149, %sign3A_159 : i32
      %sign3A_161 = arith.extui %sign3A_160 : i1 to i32
      %sign3A_162 = arith.subi %sign3A_158, %sign3A_161 : i32
      %ne3A = arith.cmpi ne, %sign3A_155, %sign3A_162 : i32
      %rem3A = arith.remsi %scan3A_147, %jit3A_149 : i32
      %ne3A_163 = arith.constant 0 : i32
      %ne3A_164 = arith.cmpi ne, %rem3A, %ne3A_163 : i32
      %and3A = arith.andi %ne3A, %ne3A_164 : i1
      %sub3A = arith.constant 1 : i32
      %sub3A_165 = arith.subi %div3A, %sub3A : i32
      %select_n3A_166 = arith.select %and3A, %sub3A_165, %div3A : i32
      %jit3A_167 = arith.constant 8 : i32
      %eq3A_168 = arith.constant 0 : i32
      %eq3A_169 = arith.cmpi eq, %jit3A_167, %eq3A_168 : i32
      %jit3A_170 = arith.constant 1 : i32
      %select_n3A_171 = arith.select %eq3A_169, %jit3A_170, %jit3A_167 : i32
      %rem3A_172 = arith.remsi %scan3A_147, %select_n3A_171 : i32
      %ne3A_173 = arith.constant 0 : i32
      %ne3A_174 = arith.cmpi ne, %rem3A_172, %ne3A_173 : i32
      %lt3A = arith.constant 0 : i32
      %lt3A_175 = arith.cmpi slt, %rem3A_172, %lt3A : i32
      %lt3A_176 = arith.constant 0 : i32
      %lt3A_177 = arith.cmpi slt, %select_n3A_171, %lt3A_176 : i32
      %ne3A_178 = arith.xori %lt3A_175, %lt3A_177 : i1
      %and3A_179 = arith.andi %ne3A_178, %ne3A_174 : i1
      %add3A_180 = arith.addi %rem3A_172, %select_n3A_171 : i32
      %select_n3A_181 = arith.select %and3A_179, %add3A_180, %rem3A_172 : i32
      %mul3A_182 = arith.constant 16 : i32
      %mul3A_183 = arith.muli %select_n3A_181, %mul3A_182 : i32
      %swap3A = arith.index_cast %select_n3A_166 : i32 to index
      %swap3A_184 = arith.index_cast %mul3A_183 : i32 to index
      %swap3A_185 = tpu.vector_load %arg17[%swap3A, %swap3A_184] {strides = array<i32>} : memref<64x128xf32, #tpu.memory_space<vmem>>, vector<1x16xf32>,
      %swap3A_186 = vector.shape_cast %swap3A_185 : vector<1x16xf32> to vector<16xf32>
      %swap3A_187 = vector.shape_cast %broadcast_in_dim3A_0 : vector<16xf32> to vector<1x16xf32>
      tpu.vector_store %arg17[%swap3A, %swap3A_184], %swap3A_187 {strides = array<i32>} : memref<64x128xf32, #tpu.memory_space<vmem>>, vector<1x16xf32>,
      %scan3A_188 = arith.constant 0 : i32
      scf.yield %scan3A_188 : i32
    }
    %scan3A_6 = arith.constant 512 : i32
    %scan3A_7 = arith.constant 0 : i32
    %scan3A_8 = arith.constant 0 : i32
    %scan3A_9 = arith.constant 512 : i32
    %scan3A_10 = arith.addi %scan3A_8, %scan3A_9 : i32
    %scan3A_11 = arith.constant 1 : i32
    %scan3A_12 = scf.for %scan3A_147 = %scan3A_8 to %scan3A_10 step %scan3A_11 iter_args(%scan3A_148 = %scan3A_7) -> (i32)  : i32 {
      %jit3A_149 = arith.constant 8 : i32
      %div3A = arith.divsi %scan3A_147, %jit3A_149 : i32
      %sign3A = arith.constant 0 : i32
      %sign3A_150 = arith.cmpi sgt, %scan3A_147, %sign3A : i32
      %sign3A_151 = arith.extui %sign3A_150 : i1 to i32
      %sign3A_152 = arith.constant 0 : i32
      %sign3A_153 = arith.cmpi slt, %scan3A_147, %sign3A_152 : i32
      %sign3A_154 = arith.extui %sign3A_153 : i1 to i32
      %sign3A_155 = arith.subi %sign3A_151, %sign3A_154 : i32
      %sign3A_156 = arith.constant 0 : i32
      %sign3A_157 = arith.cmpi sgt, %jit3A_149, %sign3A_156 : i32
      %sign3A_158 = arith.extui %sign3A_157 : i1 to i32
      %sign3A_159 = arith.constant 0 : i32
      %sign3A_160 = arith.cmpi slt, %jit3A_149, %sign3A_159 : i32
      %sign3A_161 = arith.extui %sign3A_160 : i1 to i32
      %sign3A_162 = arith.subi %sign3A_158, %sign3A_161 : i32
      %ne3A = arith.cmpi ne, %sign3A_155, %sign3A_162 : i32
      %rem3A = arith.remsi %scan3A_147, %jit3A_149 : i32
      %ne3A_163 = arith.constant 0 : i32
      %ne3A_164 = arith.cmpi ne, %rem3A, %ne3A_163 : i32
      %and3A = arith.andi %ne3A, %ne3A_164 : i1
      %sub3A = arith.constant 1 : i32
      %sub3A_165 = arith.subi %div3A, %sub3A : i32
      %select_n3A_166 = arith.select %and3A, %sub3A_165, %div3A : i32
      %jit3A_167 = arith.constant 8 : i32
      %eq3A_168 = arith.constant 0 : i32
      %eq3A_169 = arith.cmpi eq, %jit3A_167, %eq3A_168 : i32
      %jit3A_170 = arith.constant 1 : i32
      %select_n3A_171 = arith.select %eq3A_169, %jit3A_170, %jit3A_167 : i32
      %rem3A_172 = arith.remsi %scan3A_147, %select_n3A_171 : i32
      %ne3A_173 = arith.constant 0 : i32
      %ne3A_174 = arith.cmpi ne, %rem3A_172, %ne3A_173 : i32
      %lt3A = arith.constant 0 : i32
      %lt3A_175 = arith.cmpi slt, %rem3A_172, %lt3A : i32
      %lt3A_176 = arith.constant 0 : i32
      %lt3A_177 = arith.cmpi slt, %select_n3A_171, %lt3A_176 : i32
      %ne3A_178 = arith.xori %lt3A_175, %lt3A_177 : i1
      %and3A_179 = arith.andi %ne3A_178, %ne3A_174 : i1
      %add3A_180 = arith.addi %rem3A_172, %select_n3A_171 : i32
      %select_n3A_181 = arith.select %and3A_179, %add3A_180, %rem3A_172 : i32
      %mul3A_182 = arith.constant 16 : i32
      %mul3A_183 = arith.muli %select_n3A_181, %mul3A_182 : i32
      %swap3A = arith.index_cast %select_n3A_166 : i32 to index
      %swap3A_184 = arith.index_cast %mul3A_183 : i32 to index
      %swap3A_185 = tpu.vector_load %arg18[%swap3A, %swap3A_184] {strides = array<i32>} : memref<64x128xf32, #tpu.memory_space<vmem>>, vector<1x16xf32>,
      %swap3A_186 = vector.shape_cast %swap3A_185 : vector<1x16xf32> to vector<16xf32>
      %swap3A_187 = vector.shape_cast %broadcast_in_dim3A_0 : vector<16xf32> to vector<1x16xf32>
      tpu.vector_store %arg18[%swap3A, %swap3A_184], %swap3A_187 {strides = array<i32>} : memref<64x128xf32, #tpu.memory_space<vmem>>, vector<1x16xf32>,
      %scan3A_188 = arith.constant 0 : i32
      scf.yield %scan3A_188 : i32
    }
    %scan3A_13 = arith.constant 512 : i32
    %mul3A = arith.constant 632 : i32
    %mul3A_14 = arith.muli %arg1, %mul3A : i32
    %add3A = arith.constant 0 : i32
    %add3A_15 = arith.addi %mul3A_14, %add3A : i32
    "tpu.region"() ({
      %run_scoped3A = tpu.sem_alloc : memref<!tpu.dma_semaphore, #tpu.memory_space<semaphore_mem>>
      %dma_start3A_147 = arith.constant 0 : i32
      %dma_start3A_148 = tpu.memref_slice %arg19[%add3A_15, %dma_start3A_147] : memref<10112x128xf32, #tpu.memory_space<vmem_shared>> -> memref<64x128xf32, #tpu.memory_space<vmem_shared>>
      %dma_start3A_149 = arith.constant 0 : i32
      %dma_start3A_150 = tpu.memref_slice %arg19[%add3A_15, %dma_start3A_149] : memref<10112x128xf32, #tpu.memory_space<vmem_shared>> -> memref<64x128xf32, #tpu.memory_space<vmem_shared>>
      tpu.enqueue_dma source(%arg17 : memref<64x128xf32, #tpu.memory_space<vmem>>) target(%dma_start3A_150 : memref<64x128xf32, #tpu.memory_space<vmem_shared>>) target_semaphore(%run_scoped3A : memref<!tpu.dma_semaphore, #tpu.memory_space<semaphore_mem>>)
      %dma_wait3A_151 = arith.constant 0 : i32
      %dma_wait3A_152 = tpu.memref_slice %arg19[%add3A_15, %dma_wait3A_151] : memref<10112x128xf32, #tpu.memory_space<vmem_shared>> -> memref<64x128xf32, #tpu.memory_space<vmem_shared>>
      %dma_wait3A_153 = arith.constant 0 : i32
      %dma_wait3A_154 = tpu.memref_slice %arg19[%add3A_15, %dma_wait3A_153] : memref<10112x128xf32, #tpu.memory_space<vmem_shared>> -> memref<64x128xf32, #tpu.memory_space<vmem_shared>>
      tpu.wait_dma2 semaphore(%run_scoped3A : memref<!tpu.dma_semaphore, #tpu.memory_space<semaphore_mem>>) src(%arg17 : memref<64x128xf32, #tpu.memory_space<vmem>>) dst(%dma_wait3A_154 : memref<64x128xf32, #tpu.memory_space<vmem_shared>>)
      tpu.yield
    }) : () -> ()
    %mul3A_16 = arith.constant 632 : i32
    %mul3A_17 = arith.muli %arg1, %mul3A_16 : i32
    %add3A_18 = arith.constant 64 : i32
    %add3A_19 = arith.addi %mul3A_17, %add3A_18 : i32
    "tpu.region"() ({
      %run_scoped3A = tpu.sem_alloc : memref<!tpu.dma_semaphore, #tpu.memory_space<semaphore_mem>>
      %dma_start3A_147 = arith.constant 0 : i32
      %dma_start3A_148 = tpu.memref_slice %arg19[%add3A_19, %dma_start3A_147] : memref<10112x128xf32, #tpu.memory_space<vmem_shared>> -> memref<64x128xf32, #tpu.memory_space<vmem_shared>>
      %dma_start3A_149 = arith.constant 0 : i32
      %dma_start3A_150 = tpu.memref_slice %arg19[%add3A_19, %dma_start3A_149] : memref<10112x128xf32, #tpu.memory_space<vmem_shared>> -> memref<64x128xf32, #tpu.memory_space<vmem_shared>>
      tpu.enqueue_dma source(%arg17 : memref<64x128xf32, #tpu.memory_space<vmem>>) target(%dma_start3A_150 : memref<64x128xf32, #tpu.memory_space<vmem_shared>>) target_semaphore(%run_scoped3A : memref<!tpu.dma_semaphore, #tpu.memory_space<semaphore_mem>>)
      %dma_wait3A_151 = arith.constant 0 : i32
      %dma_wait3A_152 = tpu.memref_slice %arg19[%add3A_19, %dma_wait3A_151] : memref<10112x128xf32, #tpu.memory_space<vmem_shared>> -> memref<64x128xf32, #tpu.memory_space<vmem_shared>>
      %dma_wait3A_153 = arith.constant 0 : i32
      %dma_wait3A_154 = tpu.memref_slice %arg19[%add3A_19, %dma_wait3A_153] : memref<10112x128xf32, #tpu.memory_space<vmem_shared>> -> memref<64x128xf32, #tpu.memory_space<vmem_shared>>
      tpu.wait_dma2 semaphore(%run_scoped3A : memref<!tpu.dma_semaphore, #tpu.memory_space<semaphore_mem>>) src(%arg17 : memref<64x128xf32, #tpu.memory_space<vmem>>) dst(%dma_wait3A_154 : memref<64x128xf32, #tpu.memory_space<vmem_shared>>)
      tpu.yield
    }) : () -> ()
    %mul3A_20 = arith.constant 632 : i32
    %mul3A_21 = arith.muli %arg1, %mul3A_20 : i32
    %add3A_22 = arith.constant 128 : i32
    %add3A_23 = arith.addi %mul3A_21, %add3A_22 : i32
    "tpu.region"() ({
      %run_scoped3A = tpu.sem_alloc : memref<!tpu.dma_semaphore, #tpu.memory_space<semaphore_mem>>
      %dma_start3A_147 = arith.constant 0 : i32
      %dma_start3A_148 = tpu.memref_slice %arg19[%add3A_23, %dma_start3A_147] : memref<10112x128xf32, #tpu.memory_space<vmem_shared>> -> memref<64x128xf32, #tpu.memory_space<vmem_shared>>
      %dma_start3A_149 = arith.constant 0 : i32
      %dma_start3A_150 = tpu.memref_slice %arg19[%add3A_23, %dma_start3A_149] : memref<10112x128xf32, #tpu.memory_space<vmem_shared>> -> memref<64x128xf32, #tpu.memory_space<vmem_shared>>
      tpu.enqueue_dma source(%arg17 : memref<64x128xf32, #tpu.memory_space<vmem>>) target(%dma_start3A_150 : memref<64x128xf32, #tpu.memory_space<vmem_shared>>) target_semaphore(%run_scoped3A : memref<!tpu.dma_semaphore, #tpu.memory_space<semaphore_mem>>)
      %dma_wait3A_151 = arith.constant 0 : i32
      %dma_wait3A_152 = tpu.memref_slice %arg19[%add3A_23, %dma_wait3A_151] : memref<10112x128xf32, #tpu.memory_space<vmem_shared>> -> memref<64x128xf32, #tpu.memory_space<vmem_shared>>
      %dma_wait3A_153 = arith.constant 0 : i32
      %dma_wait3A_154 = tpu.memref_slice %arg19[%add3A_23, %dma_wait3A_153] : memref<10112x128xf32, #tpu.memory_space<vmem_shared>> -> memref<64x128xf32, #tpu.memory_space<vmem_shared>>
      tpu.wait_dma2 semaphore(%run_scoped3A : memref<!tpu.dma_semaphore, #tpu.memory_space<semaphore_mem>>) src(%arg17 : memref<64x128xf32, #tpu.memory_space<vmem>>) dst(%dma_wait3A_154 : memref<64x128xf32, #tpu.memory_space<vmem_shared>>)
      tpu.yield
    }) : () -> ()
    %mul3A_24 = arith.constant 632 : i32
    %mul3A_25 = arith.muli %arg1, %mul3A_24 : i32
    %add3A_26 = arith.constant 192 : i32
    %add3A_27 = arith.addi %mul3A_25, %add3A_26 : i32
    "tpu.region"() ({
      %run_scoped3A = tpu.sem_alloc : memref<!tpu.dma_semaphore, #tpu.memory_space<semaphore_mem>>
      %dma_start3A_147 = arith.constant 0 : i32
      %dma_start3A_148 = tpu.memref_slice %arg19[%add3A_27, %dma_start3A_147] : memref<10112x128xf32, #tpu.memory_space<vmem_shared>> -> memref<64x128xf32, #tpu.memory_space<vmem_shared>>
      %dma_start3A_149 = arith.constant 0 : i32
      %dma_start3A_150 = tpu.memref_slice %arg19[%add3A_27, %dma_start3A_149] : memref<10112x128xf32, #tpu.memory_space<vmem_shared>> -> memref<64x128xf32, #tpu.memory_space<vmem_shared>>
      tpu.enqueue_dma source(%arg17 : memref<64x128xf32, #tpu.memory_space<vmem>>) target(%dma_start3A_150 : memref<64x128xf32, #tpu.memory_space<vmem_shared>>) target_semaphore(%run_scoped3A : memref<!tpu.dma_semaphore, #tpu.memory_space<semaphore_mem>>)
      %dma_wait3A_151 = arith.constant 0 : i32
      %dma_wait3A_152 = tpu.memref_slice %arg19[%add3A_27, %dma_wait3A_151] : memref<10112x128xf32, #tpu.memory_space<vmem_shared>> -> memref<64x128xf32, #tpu.memory_space<vmem_shared>>
      %dma_wait3A_153 = arith.constant 0 : i32
      %dma_wait3A_154 = tpu.memref_slice %arg19[%add3A_27, %dma_wait3A_153] : memref<10112x128xf32, #tpu.memory_space<vmem_shared>> -> memref<64x128xf32, #tpu.memory_space<vmem_shared>>
      tpu.wait_dma2 semaphore(%run_scoped3A : memref<!tpu.dma_semaphore, #tpu.memory_space<semaphore_mem>>) src(%arg17 : memref<64x128xf32, #tpu.memory_space<vmem>>) dst(%dma_wait3A_154 : memref<64x128xf32, #tpu.memory_space<vmem_shared>>)
      tpu.yield
    }) : () -> ()
    %mul3A_28 = arith.constant 632 : i32
    %mul3A_29 = arith.muli %arg1, %mul3A_28 : i32
    %add3A_30 = arith.constant 256 : i32
    %add3A_31 = arith.addi %mul3A_29, %add3A_30 : i32
    "tpu.region"() ({
      %run_scoped3A = tpu.sem_alloc : memref<!tpu.dma_semaphore, #tpu.memory_space<semaphore_mem>>
      %dma_start3A_147 = arith.constant 0 : i32
      %dma_start3A_148 = tpu.memref_slice %arg19[%add3A_31, %dma_start3A_147] : memref<10112x128xf32, #tpu.memory_space<vmem_shared>> -> memref<64x128xf32, #tpu.memory_space<vmem_shared>>
      %dma_start3A_149 = arith.constant 0 : i32
      %dma_start3A_150 = tpu.memref_slice %arg19[%add3A_31, %dma_start3A_149] : memref<10112x128xf32, #tpu.memory_space<vmem_shared>> -> memref<64x128xf32, #tpu.memory_space<vmem_shared>>
      tpu.enqueue_dma source(%arg17 : memref<64x128xf32, #tpu.memory_space<vmem>>) target(%dma_start3A_150 : memref<64x128xf32, #tpu.memory_space<vmem_shared>>) target_semaphore(%run_scoped3A : memref<!tpu.dma_semaphore, #tpu.memory_space<semaphore_mem>>)
      %dma_wait3A_151 = arith.constant 0 : i32
      %dma_wait3A_152 = tpu.memref_slice %arg19[%add3A_31, %dma_wait3A_151] : memref<10112x128xf32, #tpu.memory_space<vmem_shared>> -> memref<64x128xf32, #tpu.memory_space<vmem_shared>>
      %dma_wait3A_153 = arith.constant 0 : i32
      %dma_wait3A_154 = tpu.memref_slice %arg19[%add3A_31, %dma_wait3A_153] : memref<10112x128xf32, #tpu.memory_space<vmem_shared>> -> memref<64x128xf32, #tpu.memory_space<vmem_shared>>
      tpu.wait_dma2 semaphore(%run_scoped3A : memref<!tpu.dma_semaphore, #tpu.memory_space<semaphore_mem>>) src(%arg17 : memref<64x128xf32, #tpu.memory_space<vmem>>) dst(%dma_wait3A_154 : memref<64x128xf32, #tpu.memory_space<vmem_shared>>)
      tpu.yield
    }) : () -> ()
    %mul3A_32 = arith.constant 632 : i32
    %mul3A_33 = arith.muli %arg1, %mul3A_32 : i32
    %add3A_34 = arith.constant 320 : i32
    %add3A_35 = arith.addi %mul3A_33, %add3A_34 : i32
    "tpu.region"() ({
      %run_scoped3A = tpu.sem_alloc : memref<!tpu.dma_semaphore, #tpu.memory_space<semaphore_mem>>
      %dma_start3A_147 = arith.constant 0 : i32
      %dma_start3A_148 = tpu.memref_slice %arg19[%add3A_35, %dma_start3A_147] : memref<10112x128xf32, #tpu.memory_space<vmem_shared>> -> memref<64x128xf32, #tpu.memory_space<vmem_shared>>
      %dma_start3A_149 = arith.constant 0 : i32
      %dma_start3A_150 = tpu.memref_slice %arg19[%add3A_35, %dma_start3A_149] : memref<10112x128xf32, #tpu.memory_space<vmem_shared>> -> memref<64x128xf32, #tpu.memory_space<vmem_shared>>
      tpu.enqueue_dma source(%arg17 : memref<64x128xf32, #tpu.memory_space<vmem>>) target(%dma_start3A_150 : memref<64x128xf32, #tpu.memory_space<vmem_shared>>) target_semaphore(%run_scoped3A : memref<!tpu.dma_semaphore, #tpu.memory_space<semaphore_mem>>)
      %dma_wait3A_151 = arith.constant 0 : i32
      %dma_wait3A_152 = tpu.memref_slice %arg19[%add3A_35, %dma_wait3A_151] : memref<10112x128xf32, #tpu.memory_space<vmem_shared>> -> memref<64x128xf32, #tpu.memory_space<vmem_shared>>
      %dma_wait3A_153 = arith.constant 0 : i32
      %dma_wait3A_154 = tpu.memref_slice %arg19[%add3A_35, %dma_wait3A_153] : memref<10112x128xf32, #tpu.memory_space<vmem_shared>> -> memref<64x128xf32, #tpu.memory_space<vmem_shared>>
      tpu.wait_dma2 semaphore(%run_scoped3A : memref<!tpu.dma_semaphore, #tpu.memory_space<semaphore_mem>>) src(%arg17 : memref<64x128xf32, #tpu.memory_space<vmem>>) dst(%dma_wait3A_154 : memref<64x128xf32, #tpu.memory_space<vmem_shared>>)
      tpu.yield
    }) : () -> ()
    %mul3A_36 = arith.constant 632 : i32
    %mul3A_37 = arith.muli %arg1, %mul3A_36 : i32
    %add3A_38 = arith.constant 384 : i32
    %add3A_39 = arith.addi %mul3A_37, %add3A_38 : i32
    "tpu.region"() ({
      %run_scoped3A = tpu.sem_alloc : memref<!tpu.dma_semaphore, #tpu.memory_space<semaphore_mem>>
      %dma_start3A_147 = arith.constant 0 : i32
      %dma_start3A_148 = tpu.memref_slice %arg19[%add3A_39, %dma_start3A_147] : memref<10112x128xf32, #tpu.memory_space<vmem_shared>> -> memref<64x128xf32, #tpu.memory_space<vmem_shared>>
      %dma_start3A_149 = arith.constant 0 : i32
      %dma_start3A_150 = tpu.memref_slice %arg19[%add3A_39, %dma_start3A_149] : memref<10112x128xf32, #tpu.memory_space<vmem_shared>> -> memref<64x128xf32, #tpu.memory_space<vmem_shared>>
      tpu.enqueue_dma source(%arg17 : memref<64x128xf32, #tpu.memory_space<vmem>>) target(%dma_start3A_150 : memref<64x128xf32, #tpu.memory_space<vmem_shared>>) target_semaphore(%run_scoped3A : memref<!tpu.dma_semaphore, #tpu.memory_space<semaphore_mem>>)
      %dma_wait3A_151 = arith.constant 0 : i32
      %dma_wait3A_152 = tpu.memref_slice %arg19[%add3A_39, %dma_wait3A_151] : memref<10112x128xf32, #tpu.memory_space<vmem_shared>> -> memref<64x128xf32, #tpu.memory_space<vmem_shared>>
      %dma_wait3A_153 = arith.constant 0 : i32
      %dma_wait3A_154 = tpu.memref_slice %arg19[%add3A_39, %dma_wait3A_153] : memref<10112x128xf32, #tpu.memory_space<vmem_shared>> -> memref<64x128xf32, #tpu.memory_space<vmem_shared>>
      tpu.wait_dma2 semaphore(%run_scoped3A : memref<!tpu.dma_semaphore, #tpu.memory_space<semaphore_mem>>) src(%arg17 : memref<64x128xf32, #tpu.memory_space<vmem>>) dst(%dma_wait3A_154 : memref<64x128xf32, #tpu.memory_space<vmem_shared>>)
      tpu.yield
    }) : () -> ()
    %mul3A_40 = arith.constant 632 : i32
    %mul3A_41 = arith.muli %arg1, %mul3A_40 : i32
    %add3A_42 = arith.constant 448 : i32
    %add3A_43 = arith.addi %mul3A_41, %add3A_42 : i32
    "tpu.region"() ({
      %run_scoped3A = tpu.sem_alloc : memref<!tpu.dma_semaphore, #tpu.memory_space<semaphore_mem>>
      %dma_start3A_147 = arith.constant 0 : i32
      %dma_start3A_148 = tpu.memref_slice %arg19[%add3A_43, %dma_start3A_147] : memref<10112x128xf32, #tpu.memory_space<vmem_shared>> -> memref<64x128xf32, #tpu.memory_space<vmem_shared>>
      %dma_start3A_149 = arith.constant 0 : i32
      %dma_start3A_150 = tpu.memref_slice %arg19[%add3A_43, %dma_start3A_149] : memref<10112x128xf32, #tpu.memory_space<vmem_shared>> -> memref<64x128xf32, #tpu.memory_space<vmem_shared>>
      tpu.enqueue_dma source(%arg17 : memref<64x128xf32, #tpu.memory_space<vmem>>) target(%dma_start3A_150 : memref<64x128xf32, #tpu.memory_space<vmem_shared>>) target_semaphore(%run_scoped3A : memref<!tpu.dma_semaphore, #tpu.memory_space<semaphore_mem>>)
      %dma_wait3A_151 = arith.constant 0 : i32
      %dma_wait3A_152 = tpu.memref_slice %arg19[%add3A_43, %dma_wait3A_151] : memref<10112x128xf32, #tpu.memory_space<vmem_shared>> -> memref<64x128xf32, #tpu.memory_space<vmem_shared>>
      %dma_wait3A_153 = arith.constant 0 : i32
      %dma_wait3A_154 = tpu.memref_slice %arg19[%add3A_43, %dma_wait3A_153] : memref<10112x128xf32, #tpu.memory_space<vmem_shared>> -> memref<64x128xf32, #tpu.memory_space<vmem_shared>>
      tpu.wait_dma2 semaphore(%run_scoped3A : memref<!tpu.dma_semaphore, #tpu.memory_space<semaphore_mem>>) src(%arg17 : memref<64x128xf32, #tpu.memory_space<vmem>>) dst(%dma_wait3A_154 : memref<64x128xf32, #tpu.memory_space<vmem_shared>>)
      tpu.yield
    }) : () -> ()
    %mul3A_44 = arith.constant 632 : i32
    %mul3A_45 = arith.muli %arg1, %mul3A_44 : i32
    %add3A_46 = arith.constant 512 : i32
    %add3A_47 = arith.addi %mul3A_45, %add3A_46 : i32
    "tpu.region"() ({
      %run_scoped3A = tpu.sem_alloc : memref<!tpu.dma_semaphore, #tpu.memory_space<semaphore_mem>>
      %dma_start3A_147 = arith.constant 0 : i32
      %dma_start3A_148 = tpu.memref_slice %arg19[%add3A_47, %dma_start3A_147] : memref<10112x128xf32, #tpu.memory_space<vmem_shared>> -> memref<64x128xf32, #tpu.memory_space<vmem_shared>>
      %dma_start3A_149 = arith.constant 0 : i32
      %dma_start3A_150 = tpu.memref_slice %arg19[%add3A_47, %dma_start3A_149] : memref<10112x128xf32, #tpu.memory_space<vmem_shared>> -> memref<64x128xf32, #tpu.memory_space<vmem_shared>>
      tpu.enqueue_dma source(%arg17 : memref<64x128xf32, #tpu.memory_space<vmem>>) target(%dma_start3A_150 : memref<64x128xf32, #tpu.memory_space<vmem_shared>>) target_semaphore(%run_scoped3A : memref<!tpu.dma_semaphore, #tpu.memory_space<semaphore_mem>>)
      %dma_wait3A_151 = arith.constant 0 : i32
      %dma_wait3A_152 = tpu.memref_slice %arg19[%add3A_47, %dma_wait3A_151] : memref<10112x128xf32, #tpu.memory_space<vmem_shared>> -> memref<64x128xf32, #tpu.memory_space<vmem_shared>>
      %dma_wait3A_153 = arith.constant 0 : i32
      %dma_wait3A_154 = tpu.memref_slice %arg19[%add3A_47, %dma_wait3A_153] : memref<10112x128xf32, #tpu.memory_space<vmem_shared>> -> memref<64x128xf32, #tpu.memory_space<vmem_shared>>
      tpu.wait_dma2 semaphore(%run_scoped3A : memref<!tpu.dma_semaphore, #tpu.memory_space<semaphore_mem>>) src(%arg17 : memref<64x128xf32, #tpu.memory_space<vmem>>) dst(%dma_wait3A_154 : memref<64x128xf32, #tpu.memory_space<vmem_shared>>)
      tpu.yield
    }) : () -> ()
    %mul3A_48 = arith.constant 632 : i32
    %mul3A_49 = arith.muli %arg1, %mul3A_48 : i32
    %add3A_50 = arith.constant 576 : i32
    %add3A_51 = arith.addi %mul3A_49, %add3A_50 : i32
    "tpu.region"() ({
      %run_scoped3A = tpu.sem_alloc : memref<!tpu.dma_semaphore, #tpu.memory_space<semaphore_mem>>
      %dma_start3A_147 = arith.constant 0 : i32
      %dma_start3A_148 = arith.constant 0 : i32
      %dma_start3A_149 = tpu.memref_slice %arg17[%dma_start3A_147, %dma_start3A_148] : memref<64x128xf32, #tpu.memory_space<vmem>> -> memref<56x128xf32, #tpu.memory_space<vmem>>
      %dma_start3A_150 = arith.constant 0 : i32
      %dma_start3A_151 = tpu.memref_slice %arg19[%add3A_51, %dma_start3A_150] : memref<10112x128xf32, #tpu.memory_space<vmem_shared>> -> memref<56x128xf32, #tpu.memory_space<vmem_shared>>
      %dma_start3A_152 = arith.constant 0 : i32
      %dma_start3A_153 = tpu.memref_slice %arg19[%add3A_51, %dma_start3A_152] : memref<10112x128xf32, #tpu.memory_space<vmem_shared>> -> memref<56x128xf32, #tpu.memory_space<vmem_shared>>
      %dma_start3A_154 = arith.constant 0 : i32
      %dma_start3A_155 = arith.constant 0 : i32
      %dma_start3A_156 = tpu.memref_slice %arg17[%dma_start3A_154, %dma_start3A_155] : memref<64x128xf32, #tpu.memory_space<vmem>> -> memref<56x128xf32, #tpu.memory_space<vmem>>
      tpu.enqueue_dma source(%dma_start3A_156 : memref<56x128xf32, #tpu.memory_space<vmem>>) target(%dma_start3A_153 : memref<56x128xf32, #tpu.memory_space<vmem_shared>>) target_semaphore(%run_scoped3A : memref<!tpu.dma_semaphore, #tpu.memory_space<semaphore_mem>>)
      %dma_wait3A_157 = arith.constant 0 : i32
      %dma_wait3A_158 = arith.constant 0 : i32
      %dma_wait3A_159 = tpu.memref_slice %arg17[%dma_wait3A_157, %dma_wait3A_158] : memref<64x128xf32, #tpu.memory_space<vmem>> -> memref<56x128xf32, #tpu.memory_space<vmem>>
      %dma_wait3A_160 = arith.constant 0 : i32
      %dma_wait3A_161 = tpu.memref_slice %arg19[%add3A_51, %dma_wait3A_160] : memref<10112x128xf32, #tpu.memory_space<vmem_shared>> -> memref<56x128xf32, #tpu.memory_space<vmem_shared>>
      %dma_wait3A_162 = arith.constant 0 : i32
      %dma_wait3A_163 = tpu.memref_slice %arg19[%add3A_51, %dma_wait3A_162] : memref<10112x128xf32, #tpu.memory_space<vmem_shared>> -> memref<56x128xf32, #tpu.memory_space<vmem_shared>>
      %dma_wait3A_164 = arith.constant 0 : i32
      %dma_wait3A_165 = arith.constant 0 : i32
      %dma_wait3A_166 = tpu.memref_slice %arg17[%dma_wait3A_164, %dma_wait3A_165] : memref<64x128xf32, #tpu.memory_space<vmem>> -> memref<56x128xf32, #tpu.memory_space<vmem>>
      tpu.wait_dma2 semaphore(%run_scoped3A : memref<!tpu.dma_semaphore, #tpu.memory_space<semaphore_mem>>) src(%dma_wait3A_166 : memref<56x128xf32, #tpu.memory_space<vmem>>) dst(%dma_wait3A_163 : memref<56x128xf32, #tpu.memory_space<vmem_shared>>)
      tpu.yield
    }) : () -> ()
    %iota3A = tpu.iota {dimensions = array<i32: 0>} : vector<16xi32>
    %eq3A = arith.constant 0 : i32
    %eq3A_52 = vector.broadcast %eq3A : i32 to vector<16xi32>
    %eq3A_53 = arith.cmpi eq, %iota3A, %eq3A_52 : vector<16xi32>
    %jit3A = arith.constant 1.000000e+00 : f32
    %jit3A_54 = arith.constant 0.000000e+00 : f32
    %broadcast_in_dim3A_55 = vector.broadcast %jit3A : f32 to vector<16xf32>
    %broadcast_in_dim3A_56 = vector.broadcast %jit3A_54 : f32 to vector<16xf32>
    %select_n3A = arith.select %eq3A_53, %broadcast_in_dim3A_55, %broadcast_in_dim3A_56 : vector<16xi1>, vector<16xf32>
    %scan3A_57 = arith.constant 0 : i32
    %scan3A_58 = arith.constant 0 : i32
    %scan3A_59 = arith.constant 64 : i32
    %scan3A_60 = arith.addi %scan3A_58, %scan3A_59 : i32
    %scan3A_61 = arith.constant 1 : i32
    %scan3A_62 = scf.for %scan3A_147 = %scan3A_58 to %scan3A_60 step %scan3A_61 iter_args(%scan3A_148 = %scan3A_57) -> (i32)  : i32 {
      %swap3A = arith.index_cast %scan3A_147 : i32 to index
      %swap3A_149 = arith.constant 112 : index
      %swap3A_150 = tpu.vector_load %arg17[%swap3A, %swap3A_149] {strides = array<i32>} : memref<64x128xf32, #tpu.memory_space<vmem>>, vector<1x16xf32>,
      %swap3A_151 = vector.shape_cast %swap3A_150 : vector<1x16xf32> to vector<16xf32>
      %swap3A_152 = vector.shape_cast %select_n3A : vector<16xf32> to vector<1x16xf32>
      tpu.vector_store %arg17[%swap3A, %swap3A_149], %swap3A_152 {strides = array<i32>} : memref<64x128xf32, #tpu.memory_space<vmem>>, vector<1x16xf32>,
      %scan3A_153 = arith.constant 0 : i32
      scf.yield %scan3A_153 : i32
    }
    %scan3A_63 = arith.constant 64 : i32
    %scan3A_64 = arith.constant 0 : i32
    %scan3A_65 = arith.constant 0 : i32
    %scan3A_66 = arith.constant 64 : i32
    %scan3A_67 = arith.addi %scan3A_65, %scan3A_66 : i32
    %scan3A_68 = arith.constant 1 : i32
    %scan3A_69 = scf.for %scan3A_147 = %scan3A_65 to %scan3A_67 step %scan3A_68 iter_args(%scan3A_148 = %scan3A_64) -> (i32)  : i32 {
      %swap3A = arith.index_cast %scan3A_147 : i32 to index
      %swap3A_149 = arith.constant 112 : index
      %swap3A_150 = tpu.vector_load %arg18[%swap3A, %swap3A_149] {strides = array<i32>} : memref<64x128xf32, #tpu.memory_space<vmem>>, vector<1x16xf32>,
      %swap3A_151 = vector.shape_cast %swap3A_150 : vector<1x16xf32> to vector<16xf32>
      %swap3A_152 = vector.shape_cast %select_n3A : vector<16xf32> to vector<1x16xf32>
      tpu.vector_store %arg18[%swap3A, %swap3A_149], %swap3A_152 {strides = array<i32>} : memref<64x128xf32, #tpu.memory_space<vmem>>, vector<1x16xf32>,
      %scan3A_153 = arith.constant 0 : i32
      scf.yield %scan3A_153 : i32
    }
    %scan3A_70 = arith.constant 64 : i32
    %barrier3A = arith.constant 0 : index
    tpu.barrier barrier_id(%barrier3A)
    %mul3A_71 = arith.constant 16 : i32
    %mul3A_72 = arith.muli %arg0, %mul3A_71 : i32
    %add3A_73 = arith.addi %mul3A_72, %arg1 : i32
    %mul3A_74 = arith.constant 2600 : i32
    %mul3A_75 = arith.muli %add3A_73, %mul3A_74 : i32
    %add3A_76 = arith.constant 76800 : i32
    %add3A_77 = arith.addi %add3A_76, %mul3A_75 : i32
    %add3A_78 = arith.constant 0 : i32
    %add3A_79 = arith.addi %add3A_77, %add3A_78 : i32
    %dma_start3A = tpu.memref_slice %arg3[%add3A_79] : memref<160000xi32, #tpu.memory_space<hbm>> -> memref<64xi32, #tpu.memory_space<hbm>>
    %dma_start3A_80 = tpu.memref_slice %arg3[%add3A_79] : memref<160000xi32, #tpu.memory_space<hbm>> -> memref<64xi32, #tpu.memory_space<hbm>>
    tpu.enqueue_dma source(%dma_start3A_80 : memref<64xi32, #tpu.memory_space<hbm>>) target(%arg7 : memref<64xi32, #tpu.memory_space<vmem>>) target_semaphore(%arg20 : memref<!tpu.dma_semaphore, #tpu.memory_space<semaphore_mem>>)
    %add3A_81 = arith.constant 0 : i32
    %add3A_82 = arith.addi %mul3A_75, %add3A_81 : i32
    %dma_start3A_83 = arith.constant 0 : i32
    %dma_start3A_84 = tpu.memref_slice %arg5[%add3A_82, %dma_start3A_83] : memref<83200x128xf32, #tpu.memory_space<hbm>> -> memref<64x128xf32, #tpu.memory_space<hbm>>
    %dma_start3A_85 = arith.constant 0 : i32
    %dma_start3A_86 = tpu.memref_slice %arg5[%add3A_82, %dma_start3A_85] : memref<83200x128xf32, #tpu.memory_space<hbm>> -> memref<64x128xf32, #tpu.memory_space<hbm>>
    tpu.enqueue_dma source(%dma_start3A_86 : memref<64x128xf32, #tpu.memory_space<hbm>>) target(%arg15 : memref<64x128xf32, #tpu.memory_space<vmem>>) target_semaphore(%arg22 : memref<!tpu.dma_semaphore, #tpu.memory_space<semaphore_mem>>)
    %add3A_87 = arith.constant 64 : i32
    %add3A_88 = arith.addi %add3A_77, %add3A_87 : i32
    %dma_start3A_89 = tpu.memref_slice %arg3[%add3A_88] : memref<160000xi32, #tpu.memory_space<hbm>> -> memref<64xi32, #tpu.memory_space<hbm>>
    %dma_start3A_90 = tpu.memref_slice %arg3[%add3A_88] : memref<160000xi32, #tpu.memory_space<hbm>> -> memref<64xi32, #tpu.memory_space<hbm>>
    tpu.enqueue_dma source(%dma_start3A_90 : memref<64xi32, #tpu.memory_space<hbm>>) target(%arg8 : memref<64xi32, #tpu.memory_space<vmem>>) target_semaphore(%arg21 : memref<!tpu.dma_semaphore, #tpu.memory_space<semaphore_mem>>)
    %add3A_91 = arith.constant 64 : i32
    %add3A_92 = arith.addi %mul3A_75, %add3A_91 : i32
    %dma_start3A_93 = arith.constant 0 : i32
    %dma_start3A_94 = tpu.memref_slice %arg5[%add3A_92, %dma_start3A_93] : memref<83200x128xf32, #tpu.memory_space<hbm>> -> memref<64x128xf32, #tpu.memory_space<hbm>>
    %dma_start3A_95 = arith.constant 0 : i32
    %dma_start3A_96 = tpu.memref_slice %arg5[%add3A_92, %dma_start3A_95] : memref<83200x128xf32, #tpu.memory_space<hbm>> -> memref<64x128xf32, #tpu.memory_space<hbm>>
    tpu.enqueue_dma source(%dma_start3A_96 : memref<64x128xf32, #tpu.memory_space<hbm>>) target(%arg16 : memref<64x128xf32, #tpu.memory_space<vmem>>) target_semaphore(%arg23 : memref<!tpu.dma_semaphore, #tpu.memory_space<semaphore_mem>>)
    %dma_wait3A = tpu.memref_slice %arg3[%add3A_77] : memref<160000xi32, #tpu.memory_space<hbm>> -> memref<64xi32, #tpu.memory_space<hbm>>
    %dma_wait3A_97 = tpu.memref_slice %arg3[%add3A_77] : memref<160000xi32, #tpu.memory_space<hbm>> -> memref<64xi32, #tpu.memory_space<hbm>>
    tpu.wait_dma2 semaphore(%arg20 : memref<!tpu.dma_semaphore, #tpu.memory_space<semaphore_mem>>) src(%dma_wait3A_97 : memref<64xi32, #tpu.memory_space<hbm>>) dst(%arg7 : memref<64xi32, #tpu.memory_space<vmem>>)
    %dma_start3A_98 = arith.constant 0 : i32
    %dma_start3A_99 = arith.constant 0 : i32
    %dma_start3A_100 = tpu.memref_slice %arg2[%dma_start3A_98, %dma_start3A_99] : memref<10000x128xf32, #tpu.memory_space<hbm>> -> memref<10000x128xf32, #tpu.memory_space<hbm>>
    tpu.enqueue_indirect_dma source(%dma_start3A_100 : memref<10000x128xf32, #tpu.memory_space<hbm>>) target(%arg13 : memref<64x128xf32, #tpu.memory_space<vmem>>) offsets(%arg7 : memref<64xi32, #tpu.memory_space<vmem>>) semaphore(%arg24 : memref<!tpu.dma_semaphore, #tpu.memory_space<semaphore_mem>>)
    %dma_wait3A_101 = tpu.memref_slice %arg3[%add3A_77] : memref<160000xi32, #tpu.memory_space<hbm>> -> memref<64xi32, #tpu.memory_space<hbm>>
    %dma_wait3A_102 = tpu.memref_slice %arg3[%add3A_77] : memref<160000xi32, #tpu.memory_space<hbm>> -> memref<64xi32, #tpu.memory_space<hbm>>
    tpu.wait_dma2 semaphore(%arg21 : memref<!tpu.dma_semaphore, #tpu.memory_space<semaphore_mem>>) src(%dma_wait3A_102 : memref<64xi32, #tpu.memory_space<hbm>>) dst(%arg8 : memref<64xi32, #tpu.memory_space<vmem>>)
    %dma_start3A_103 = arith.constant 0 : i32
    %dma_start3A_104 = arith.constant 0 : i32
    %dma_start3A_105 = tpu.memref_slice %arg2[%dma_start3A_103, %dma_start3A_104] : memref<10000x128xf32, #tpu.memory_space<hbm>> -> memref<10000x128xf32, #tpu.memory_space<hbm>>
    tpu.enqueue_indirect_dma source(%dma_start3A_105 : memref<10000x128xf32, #tpu.memory_space<hbm>>) target(%arg14 : memref<64x128xf32, #tpu.memory_space<vmem>>) offsets(%arg8 : memref<64xi32, #tpu.memory_space<vmem>>) semaphore(%arg25 : memref<!tpu.dma_semaphore, #tpu.memory_space<semaphore_mem>>)
    %scan3A_106 = arith.constant 0 : i32
    %scan3A_107 = arith.constant 0 : i32
    %scan3A_108 = arith.constant 20 : i32
    %scan3A_109 = arith.addi %scan3A_107, %scan3A_108 : i32
    %scan3A_110 = arith.constant 1 : i32
    %scan3A_111 = scf.for %scan3A_147 = %scan3A_107 to %scan3A_109 step %scan3A_110 iter_args(%scan3A_148 = %scan3A_106) -> (i32)  : i32 {
      %mul3A_149 = arith.constant 2 : i32
      %mul3A_150 = arith.muli %mul3A_149, %scan3A_147 : i32
      %lt3A = arith.constant 19 : i32
      %lt3A_151 = arith.cmpi slt, %scan3A_147, %lt3A : i32
      %dma_wait3A_152 = arith.constant 0 : i32
      %dma_wait3A_153 = arith.constant 0 : i32
      %dma_wait3A_154 = tpu.memref_slice %arg2[%dma_wait3A_152, %dma_wait3A_153] : memref<10000x128xf32, #tpu.memory_space<hbm>> -> memref<10000x128xf32, #tpu.memory_space<hbm>>
      tpu.wait_indirect_dma semaphore(%arg24 : memref<!tpu.dma_semaphore, #tpu.memory_space<semaphore_mem>>) src(%dma_wait3A_154 : memref<10000x128xf32, #tpu.memory_space<hbm>>) dst(%arg13 : memref<64x128xf32, #tpu.memory_space<vmem>>)
      %dma_wait3A_155 = arith.constant 0 : i32
      %dma_wait3A_156 = arith.constant 0 : i32
      %dma_wait3A_157 = tpu.memref_slice %arg5[%dma_wait3A_155, %dma_wait3A_156] : memref<83200x128xf32, #tpu.memory_space<hbm>> -> memref<64x128xf32, #tpu.memory_space<hbm>>
      %dma_wait3A_158 = arith.constant 0 : i32
      %dma_wait3A_159 = arith.constant 0 : i32
      %dma_wait3A_160 = tpu.memref_slice %arg5[%dma_wait3A_158, %dma_wait3A_159] : memref<83200x128xf32, #tpu.memory_space<hbm>> -> memref<64x128xf32, #tpu.memory_space<hbm>>
      tpu.wait_dma2 semaphore(%arg22 : memref<!tpu.dma_semaphore, #tpu.memory_space<semaphore_mem>>) src(%dma_wait3A_160 : memref<64x128xf32, #tpu.memory_space<hbm>>) dst(%arg15 : memref<64x128xf32, #tpu.memory_space<vmem>>)
      %gt3A = arith.constant 0 : i32
      %gt3A_161 = arith.cmpi sgt, %scan3A_147, %gt3A : i32
      %convert_element_type3A = arith.extui %gt3A_161 : i1 to i32
      %cond3A = arith.constant 0 : i32
      %cond3A_162 = arith.cmpi ne, %convert_element_type3A, %cond3A : i32
      scf.if %cond3A_162 {
        %dma_wait3A_230 = arith.constant 0 : i32
        %dma_wait3A_231 = arith.constant 0 : i32
        %dma_wait3A_232 = tpu.memref_slice %arg19[%dma_wait3A_230, %dma_wait3A_231] : memref<10112x128xf32, #tpu.memory_space<vmem_shared>> -> memref<10112x128xf32, #tpu.memory_space<vmem_shared>>
        tpu.wait_indirect_dma semaphore(%arg26 : memref<!tpu.dma_semaphore, #tpu.memory_space<semaphore_mem>>) src(%arg17 : memref<64x128xf32, #tpu.memory_space<vmem>>) dst(%dma_wait3A_232 : memref<10112x128xf32, #tpu.memory_space<vmem_shared>>)
      } else {
      }
      %mul3A_163 = arith.constant 64 : i32
      %mul3A_164 = arith.muli %mul3A_150, %mul3A_163 : i32
      %add3A_165 = arith.addi %add3A_77, %mul3A_164 : i32
      %dma_start3A_166 = tpu.memref_slice %arg4[%add3A_165] : memref<160000xi32, #tpu.memory_space<hbm>> -> memref<64xi32, #tpu.memory_space<hbm>>
      %dma_start3A_167 = tpu.memref_slice %arg4[%add3A_165] : memref<160000xi32, #tpu.memory_space<hbm>> -> memref<64xi32, #tpu.memory_space<hbm>>
      tpu.enqueue_dma source(%dma_start3A_167 : memref<64xi32, #tpu.memory_space<hbm>>) target(%arg9 : memref<64xi32, #tpu.memory_space<vmem>>) target_semaphore(%arg28 : memref<!tpu.dma_semaphore, #tpu.memory_space<semaphore_mem>>)
      %convert_element_type3A_168 = arith.extui %lt3A_151 : i1 to i32
      %cond3A_169 = arith.constant 0 : i32
      %cond3A_170 = arith.cmpi ne, %convert_element_type3A_168, %cond3A_169 : i32
      scf.if %cond3A_170 {
        %add3A_230 = arith.constant 2 : i32
        %add3A_231 = arith.addi %mul3A_150, %add3A_230 : i32
        %mul3A_232 = arith.constant 64 : i32
        %mul3A_233 = arith.muli %add3A_231, %mul3A_232 : i32
        %add3A_234 = arith.addi %add3A_77, %mul3A_233 : i32
        %dma_start3A_235 = tpu.memref_slice %arg3[%add3A_234] : memref<160000xi32, #tpu.memory_space<hbm>> -> memref<64xi32, #tpu.memory_space<hbm>>
        %dma_start3A_236 = tpu.memref_slice %arg3[%add3A_234] : memref<160000xi32, #tpu.memory_space<hbm>> -> memref<64xi32, #tpu.memory_space<hbm>>
        tpu.enqueue_dma source(%dma_start3A_236 : memref<64xi32, #tpu.memory_space<hbm>>) target(%arg7 : memref<64xi32, #tpu.memory_space<vmem>>) target_semaphore(%arg20 : memref<!tpu.dma_semaphore, #tpu.memory_space<semaphore_mem>>)
      } else {
      }
      %scan3A_171 = arith.constant 0 : i32
      %scan3A_172 = arith.constant 0 : i32
      %scan3A_173 = arith.constant 64 : i32
      %scan3A_174 = arith.addi %scan3A_172, %scan3A_173 : i32
      %scan3A_175 = arith.constant 1 : i32
      %scan3A_176 = scf.for %scan3A_230 = %scan3A_172 to %scan3A_174 step %scan3A_175 iter_args(%scan3A_231 = %scan3A_171) -> (i32)  : i32 {
        %get3A = arith.index_cast %scan3A_230 : i32 to index
        %get3A_232 = arith.constant 0 : index
        %get3A_233 = tpu.vector_load %arg13[%get3A, %get3A_232] {strides = array<i32>} : memref<64x128xf32, #tpu.memory_space<vmem>>, vector<1x16xf32>,
        %get3A_234 = vector.shape_cast %get3A_233 : vector<1x16xf32> to vector<16xf32>
        %get3A_235 = arith.index_cast %scan3A_230 : i32 to index
        %get3A_236 = arith.constant 0 : index
        %get3A_237 = tpu.vector_load %arg15[%get3A_235, %get3A_236] {strides = array<i32>} : memref<64x128xf32, #tpu.memory_space<vmem>>, vector<1x16xf32>,
        %get3A_238 = vector.shape_cast %get3A_237 : vector<1x16xf32> to vector<16xf32>
        %mul3A_239 = arith.mulf %get3A_234, %get3A_238 : vector<16xf32>
        %swap3A = arith.index_cast %scan3A_230 : i32 to index
        %swap3A_240 = arith.constant 0 : index
        %swap3A_241 = tpu.vector_load %arg17[%swap3A, %swap3A_240] {strides = array<i32>} : memref<64x128xf32, #tpu.memory_space<vmem>>, vector<1x16xf32>,
        %swap3A_242 = vector.shape_cast %swap3A_241 : vector<1x16xf32> to vector<16xf32>
        %swap3A_243 = vector.shape_cast %mul3A_239 : vector<16xf32> to vector<1x16xf32>
        tpu.vector_store %arg17[%swap3A, %swap3A_240], %swap3A_243 {strides = array<i32>} : memref<64x128xf32, #tpu.memory_space<vmem>>, vector<1x16xf32>,
        %get3A_244 = arith.index_cast %scan3A_230 : i32 to index
        %get3A_245 = arith.constant 16 : index
        %get3A_246 = tpu.vector_load %arg13[%get3A_244, %get3A_245] {strides = array<i32>} : memref<64x128xf32, #tpu.memory_space<vmem>>, vector<1x16xf32>,
        %get3A_247 = vector.shape_cast %get3A_246 : vector<1x16xf32> to vector<16xf32>
        %get3A_248 = arith.index_cast %scan3A_230 : i32 to index
        %get3A_249 = arith.constant 16 : index
        %get3A_250 = tpu.vector_load %arg15[%get3A_248, %get3A_249] {strides = array<i32>} : memref<64x128xf32, #tpu.memory_space<vmem>>, vector<1x16xf32>,
        %get3A_251 = vector.shape_cast %get3A_250 : vector<1x16xf32> to vector<16xf32>
        %mul3A_252 = arith.mulf %get3A_247, %get3A_251 : vector<16xf32>
        %swap3A_253 = arith.index_cast %scan3A_230 : i32 to index
        %swap3A_254 = arith.constant 16 : index
        %swap3A_255 = tpu.vector_load %arg17[%swap3A_253, %swap3A_254] {strides = array<i32>} : memref<64x128xf32, #tpu.memory_space<vmem>>, vector<1x16xf32>,
        %swap3A_256 = vector.shape_cast %swap3A_255 : vector<1x16xf32> to vector<16xf32>
        %swap3A_257 = vector.shape_cast %mul3A_252 : vector<16xf32> to vector<1x16xf32>
        tpu.vector_store %arg17[%swap3A_253, %swap3A_254], %swap3A_257 {strides = array<i32>} : memref<64x128xf32, #tpu.memory_space<vmem>>, vector<1x16xf32>,
        %get3A_258 = arith.index_cast %scan3A_230 : i32 to index
        %get3A_259 = arith.constant 32 : index
        %get3A_260 = tpu.vector_load %arg13[%get3A_258, %get3A_259] {strides = array<i32>} : memref<64x128xf32, #tpu.memory_space<vmem>>, vector<1x16xf32>,
        %get3A_261 = vector.shape_cast %get3A_260 : vector<1x16xf32> to vector<16xf32>
        %get3A_262 = arith.index_cast %scan3A_230 : i32 to index
        %get3A_263 = arith.constant 32 : index
        %get3A_264 = tpu.vector_load %arg15[%get3A_262, %get3A_263] {strides = array<i32>} : memref<64x128xf32, #tpu.memory_space<vmem>>, vector<1x16xf32>,
        %get3A_265 = vector.shape_cast %get3A_264 : vector<1x16xf32> to vector<16xf32>
        %mul3A_266 = arith.mulf %get3A_261, %get3A_265 : vector<16xf32>
        %swap3A_267 = arith.index_cast %scan3A_230 : i32 to index
        %swap3A_268 = arith.constant 32 : index
        %swap3A_269 = tpu.vector_load %arg17[%swap3A_267, %swap3A_268] {strides = array<i32>} : memref<64x128xf32, #tpu.memory_space<vmem>>, vector<1x16xf32>,
        %swap3A_270 = vector.shape_cast %swap3A_269 : vector<1x16xf32> to vector<16xf32>
        %swap3A_271 = vector.shape_cast %mul3A_266 : vector<16xf32> to vector<1x16xf32>
        tpu.vector_store %arg17[%swap3A_267, %swap3A_268], %swap3A_271 {strides = array<i32>} : memref<64x128xf32, #tpu.memory_space<vmem>>, vector<1x16xf32>,
        %get3A_272 = arith.index_cast %scan3A_230 : i32 to index
        %get3A_273 = arith.constant 48 : index
        %get3A_274 = tpu.vector_load %arg13[%get3A_272, %get3A_273] {strides = array<i32>} : memref<64x128xf32, #tpu.memory_space<vmem>>, vector<1x16xf32>,
        %get3A_275 = vector.shape_cast %get3A_274 : vector<1x16xf32> to vector<16xf32>
        %get3A_276 = arith.index_cast %scan3A_230 : i32 to index
        %get3A_277 = arith.constant 48 : index
        %get3A_278 = tpu.vector_load %arg15[%get3A_276, %get3A_277] {strides = array<i32>} : memref<64x128xf32, #tpu.memory_space<vmem>>, vector<1x16xf32>,
        %get3A_279 = vector.shape_cast %get3A_278 : vector<1x16xf32> to vector<16xf32>
        %mul3A_280 = arith.mulf %get3A_275, %get3A_279 : vector<16xf32>
        %swap3A_281 = arith.index_cast %scan3A_230 : i32 to index
        %swap3A_282 = arith.constant 48 : index
        %swap3A_283 = tpu.vector_load %arg17[%swap3A_281, %swap3A_282] {strides = array<i32>} : memref<64x128xf32, #tpu.memory_space<vmem>>, vector<1x16xf32>,
        %swap3A_284 = vector.shape_cast %swap3A_283 : vector<1x16xf32> to vector<16xf32>
        %swap3A_285 = vector.shape_cast %mul3A_280 : vector<16xf32> to vector<1x16xf32>
        tpu.vector_store %arg17[%swap3A_281, %swap3A_282], %swap3A_285 {strides = array<i32>} : memref<64x128xf32, #tpu.memory_space<vmem>>, vector<1x16xf32>,
        %get3A_286 = arith.index_cast %scan3A_230 : i32 to index
        %get3A_287 = arith.constant 64 : index
        %get3A_288 = tpu.vector_load %arg15[%get3A_286, %get3A_287] {strides = array<i32>} : memref<64x128xf32, #tpu.memory_space<vmem>>, vector<1x16xf32>,
        %get3A_289 = vector.shape_cast %get3A_288 : vector<1x16xf32> to vector<16xf32>
        %mul3A_290 = arith.mulf %get3A_234, %get3A_289 : vector<16xf32>
        %swap3A_291 = arith.index_cast %scan3A_230 : i32 to index
        %swap3A_292 = arith.constant 64 : index
        %swap3A_293 = tpu.vector_load %arg17[%swap3A_291, %swap3A_292] {strides = array<i32>} : memref<64x128xf32, #tpu.memory_space<vmem>>, vector<1x16xf32>,
        %swap3A_294 = vector.shape_cast %swap3A_293 : vector<1x16xf32> to vector<16xf32>
        %swap3A_295 = vector.shape_cast %mul3A_290 : vector<16xf32> to vector<1x16xf32>
        tpu.vector_store %arg17[%swap3A_291, %swap3A_292], %swap3A_295 {strides = array<i32>} : memref<64x128xf32, #tpu.memory_space<vmem>>, vector<1x16xf32>,
        %get3A_296 = arith.index_cast %scan3A_230 : i32 to index
        %get3A_297 = arith.constant 80 : index
        %get3A_298 = tpu.vector_load %arg15[%get3A_296, %get3A_297] {strides = array<i32>} : memref<64x128xf32, #tpu.memory_space<vmem>>, vector<1x16xf32>,
        %get3A_299 = vector.shape_cast %get3A_298 : vector<1x16xf32> to vector<16xf32>
        %mul3A_300 = arith.mulf %get3A_234, %get3A_299 : vector<16xf32>
        %swap3A_301 = arith.index_cast %scan3A_230 : i32 to index
        %swap3A_302 = arith.constant 80 : index
        %swap3A_303 = tpu.vector_load %arg17[%swap3A_301, %swap3A_302] {strides = array<i32>} : memref<64x128xf32, #tpu.memory_space<vmem>>, vector<1x16xf32>,
        %swap3A_304 = vector.shape_cast %swap3A_303 : vector<1x16xf32> to vector<16xf32>
        %swap3A_305 = vector.shape_cast %mul3A_300 : vector<16xf32> to vector<1x16xf32>
        tpu.vector_store %arg17[%swap3A_301, %swap3A_302], %swap3A_305 {strides = array<i32>} : memref<64x128xf32, #tpu.memory_space<vmem>>, vector<1x16xf32>,
        %get3A_306 = arith.index_cast %scan3A_230 : i32 to index
        %get3A_307 = arith.constant 96 : index
        %get3A_308 = tpu.vector_load %arg15[%get3A_306, %get3A_307] {strides = array<i32>} : memref<64x128xf32, #tpu.memory_space<vmem>>, vector<1x16xf32>,
        %get3A_309 = vector.shape_cast %get3A_308 : vector<1x16xf32> to vector<16xf32>
        %mul3A_310 = arith.mulf %get3A_234, %get3A_309 : vector<16xf32>
        %swap3A_311 = arith.index_cast %scan3A_230 : i32 to index
        %swap3A_312 = arith.constant 96 : index
        %swap3A_313 = tpu.vector_load %arg17[%swap3A_311, %swap3A_312] {strides = array<i32>} : memref<64x128xf32, #tpu.memory_space<vmem>>, vector<1x16xf32>,
        %swap3A_314 = vector.shape_cast %swap3A_313 : vector<1x16xf32> to vector<16xf32>
        %swap3A_315 = vector.shape_cast %mul3A_310 : vector<16xf32> to vector<1x16xf32>
        tpu.vector_store %arg17[%swap3A_311, %swap3A_312], %swap3A_315 {strides = array<i32>} : memref<64x128xf32, #tpu.memory_space<vmem>>, vector<1x16xf32>,
        %scan3A_316 = arith.constant 0 : i32
        scf.yield %scan3A_316 : i32
      }
      %scan3A_177 = arith.constant 64 : i32
      %dma_wait3A_178 = tpu.memref_slice %arg4[%add3A_165] : memref<160000xi32, #tpu.memory_space<hbm>> -> memref<64xi32, #tpu.memory_space<hbm>>
      %dma_wait3A_179 = tpu.memref_slice %arg4[%add3A_165] : memref<160000xi32, #tpu.memory_space<hbm>> -> memref<64xi32, #tpu.memory_space<hbm>>
      tpu.wait_dma2 semaphore(%arg28 : memref<!tpu.dma_semaphore, #tpu.memory_space<semaphore_mem>>) src(%dma_wait3A_179 : memref<64xi32, #tpu.memory_space<hbm>>) dst(%arg9 : memref<64xi32, #tpu.memory_space<vmem>>)
      %dma_start3A_180 = arith.constant 0 : i32
      %dma_start3A_181 = arith.constant 0 : i32
      %dma_start3A_182 = tpu.memref_slice %arg19[%dma_start3A_180, %dma_start3A_181] : memref<10112x128xf32, #tpu.memory_space<vmem_shared>> -> memref<10112x128xf32, #tpu.memory_space<vmem_shared>>
      tpu.enqueue_indirect_dma source(%arg17 : memref<64x128xf32, #tpu.memory_space<vmem>>) target(%dma_start3A_182 : memref<10112x128xf32, #tpu.memory_space<vmem_shared>>) offsets(%arg9 : memref<64xi32, #tpu.memory_space<vmem>>) semaphore(%arg26 : memref<!tpu.dma_semaphore, #tpu.memory_space<semaphore_mem>>) {add = true}
      %convert_element_type3A_183 = arith.extui %lt3A_151 : i1 to i32
      %cond3A_184 = arith.constant 0 : i32
      %cond3A_185 = arith.cmpi ne, %convert_element_type3A_183, %cond3A_184 : i32
      scf.if %cond3A_185 {
        %add3A_230 = arith.constant 2 : i32
        %add3A_231 = arith.addi %mul3A_150, %add3A_230 : i32
        %mul3A_232 = arith.constant 64 : i32
        %mul3A_233 = arith.muli %add3A_231, %mul3A_232 : i32
        %add3A_234 = arith.addi %mul3A_75, %mul3A_233 : i32
        %add3A_235 = arith.constant 2 : i32
        %add3A_236 = arith.addi %mul3A_150, %add3A_235 : i32
        %mul3A_237 = arith.constant 64 : i32
        %mul3A_238 = arith.muli %add3A_236, %mul3A_237 : i32
        %add3A_239 = arith.addi %add3A_77, %mul3A_238 : i32
        %dma_start3A_240 = arith.constant 0 : i32
        %dma_start3A_241 = tpu.memref_slice %arg5[%add3A_234, %dma_start3A_240] : memref<83200x128xf32, #tpu.memory_space<hbm>> -> memref<64x128xf32, #tpu.memory_space<hbm>>
        %dma_start3A_242 = arith.constant 0 : i32
        %dma_start3A_243 = tpu.memref_slice %arg5[%add3A_234, %dma_start3A_242] : memref<83200x128xf32, #tpu.memory_space<hbm>> -> memref<64x128xf32, #tpu.memory_space<hbm>>
        tpu.enqueue_dma source(%dma_start3A_243 : memref<64x128xf32, #tpu.memory_space<hbm>>) target(%arg15 : memref<64x128xf32, #tpu.memory_space<vmem>>) target_semaphore(%arg22 : memref<!tpu.dma_semaphore, #tpu.memory_space<semaphore_mem>>)
        %dma_wait3A_244 = tpu.memref_slice %arg3[%add3A_239] : memref<160000xi32, #tpu.memory_space<hbm>> -> memref<64xi32, #tpu.memory_space<hbm>>
        %dma_wait3A_245 = tpu.memref_slice %arg3[%add3A_239] : memref<160000xi32, #tpu.memory_space<hbm>> -> memref<64xi32, #tpu.memory_space<hbm>>
        tpu.wait_dma2 semaphore(%arg20 : memref<!tpu.dma_semaphore, #tpu.memory_space<semaphore_mem>>) src(%dma_wait3A_245 : memref<64xi32, #tpu.memory_space<hbm>>) dst(%arg7 : memref<64xi32, #tpu.memory_space<vmem>>)
        %dma_start3A_246 = arith.constant 0 : i32
        %dma_start3A_247 = arith.constant 0 : i32
        %dma_start3A_248 = tpu.memref_slice %arg2[%dma_start3A_246, %dma_start3A_247] : memref<10000x128xf32, #tpu.memory_space<hbm>> -> memref<10000x128xf32, #tpu.memory_space<hbm>>
        tpu.enqueue_indirect_dma source(%dma_start3A_248 : memref<10000x128xf32, #tpu.memory_space<hbm>>) target(%arg13 : memref<64x128xf32, #tpu.memory_space<vmem>>) offsets(%arg7 : memref<64xi32, #tpu.memory_space<vmem>>) semaphore(%arg24 : memref<!tpu.dma_semaphore, #tpu.memory_space<semaphore_mem>>)
      } else {
      }
      %mul3A_186 = arith.constant 2 : i32
      %mul3A_187 = arith.muli %mul3A_186, %scan3A_147 : i32
      %add3A_188 = arith.constant 1 : i32
      %add3A_189 = arith.addi %mul3A_187, %add3A_188 : i32
      %lt3A_190 = arith.constant 19 : i32
      %lt3A_191 = arith.cmpi slt, %scan3A_147, %lt3A_190 : i32
      %dma_wait3A_192 = arith.constant 0 : i32
      %dma_wait3A_193 = arith.constant 0 : i32
      %dma_wait3A_194 = tpu.memref_slice %arg2[%dma_wait3A_192, %dma_wait3A_193] : memref<10000x128xf32, #tpu.memory_space<hbm>> -> memref<10000x128xf32, #tpu.memory_space<hbm>>
      tpu.wait_indirect_dma semaphore(%arg25 : memref<!tpu.dma_semaphore, #tpu.memory_space<semaphore_mem>>) src(%dma_wait3A_194 : memref<10000x128xf32, #tpu.memory_space<hbm>>) dst(%arg14 : memref<64x128xf32, #tpu.memory_space<vmem>>)
      %dma_wait3A_195 = arith.constant 0 : i32
      %dma_wait3A_196 = arith.constant 0 : i32
      %dma_wait3A_197 = tpu.memref_slice %arg5[%dma_wait3A_195, %dma_wait3A_196] : memref<83200x128xf32, #tpu.memory_space<hbm>> -> memref<64x128xf32, #tpu.memory_space<hbm>>
      %dma_wait3A_198 = arith.constant 0 : i32
      %dma_wait3A_199 = arith.constant 0 : i32
      %dma_wait3A_200 = tpu.memref_slice %arg5[%dma_wait3A_198, %dma_wait3A_199] : memref<83200x128xf32, #tpu.memory_space<hbm>> -> memref<64x128xf32, #tpu.memory_space<hbm>>
      tpu.wait_dma2 semaphore(%arg23 : memref<!tpu.dma_semaphore, #tpu.memory_space<semaphore_mem>>) src(%dma_wait3A_200 : memref<64x128xf32, #tpu.memory_space<hbm>>) dst(%arg16 : memref<64x128xf32, #tpu.memory_space<vmem>>)
      %gt3A_201 = arith.constant 0 : i32
      %gt3A_202 = arith.cmpi sgt, %scan3A_147, %gt3A_201 : i32
      %convert_element_type3A_203 = arith.extui %gt3A_202 : i1 to i32
      %cond3A_204 = arith.constant 0 : i32
      %cond3A_205 = arith.cmpi ne, %convert_element_type3A_203, %cond3A_204 : i32
      scf.if %cond3A_205 {
        %dma_wait3A_230 = arith.constant 0 : i32
        %dma_wait3A_231 = arith.constant 0 : i32
        %dma_wait3A_232 = tpu.memref_slice %arg19[%dma_wait3A_230, %dma_wait3A_231] : memref<10112x128xf32, #tpu.memory_space<vmem_shared>> -> memref<10112x128xf32, #tpu.memory_space<vmem_shared>>
        tpu.wait_indirect_dma semaphore(%arg27 : memref<!tpu.dma_semaphore, #tpu.memory_space<semaphore_mem>>) src(%arg18 : memref<64x128xf32, #tpu.memory_space<vmem>>) dst(%dma_wait3A_232 : memref<10112x128xf32, #tpu.memory_space<vmem_shared>>)
      } else {
      }
      %mul3A_206 = arith.constant 64 : i32
      %mul3A_207 = arith.muli %add3A_189, %mul3A_206 : i32
      %add3A_208 = arith.addi %add3A_77, %mul3A_207 : i32
      %dma_start3A_209 = tpu.memref_slice %arg4[%add3A_208] : memref<160000xi32, #tpu.memory_space<hbm>> -> memref<64xi32, #tpu.memory_space<hbm>>
      %dma_start3A_210 = tpu.memref_slice %arg4[%add3A_208] : memref<160000xi32, #tpu.memory_space<hbm>> -> memref<64xi32, #tpu.memory_space<hbm>>
      tpu.enqueue_dma source(%dma_start3A_210 : memref<64xi32, #tpu.memory_space<hbm>>) target(%arg10 : memref<64xi32, #tpu.memory_space<vmem>>) target_semaphore(%arg28 : memref<!tpu.dma_semaphore, #tpu.memory_space<semaphore_mem>>)
      %convert_element_type3A_211 = arith.extui %lt3A_191 : i1 to i32
      %cond3A_212 = arith.constant 0 : i32
      %cond3A_213 = arith.cmpi ne, %convert_element_type3A_211, %cond3A_212 : i32
      scf.if %cond3A_213 {
        %add3A_230 = arith.constant 2 : i32
        %add3A_231 = arith.addi %add3A_189, %add3A_230 : i32
        %mul3A_232 = arith.constant 64 : i32
        %mul3A_233 = arith.muli %add3A_231, %mul3A_232 : i32
        %add3A_234 = arith.addi %add3A_77, %mul3A_233 : i32
        %dma_start3A_235 = tpu.memref_slice %arg3[%add3A_234] : memref<160000xi32, #tpu.memory_space<hbm>> -> memref<64xi32, #tpu.memory_space<hbm>>
        %dma_start3A_236 = tpu.memref_slice %arg3[%add3A_234] : memref<160000xi32, #tpu.memory_space<hbm>> -> memref<64xi32, #tpu.memory_space<hbm>>
        tpu.enqueue_dma source(%dma_start3A_236 : memref<64xi32, #tpu.memory_space<hbm>>) target(%arg8 : memref<64xi32, #tpu.memory_space<vmem>>) target_semaphore(%arg21 : memref<!tpu.dma_semaphore, #tpu.memory_space<semaphore_mem>>)
      } else {
      }
      %scan3A_214 = arith.constant 0 : i32
      %scan3A_215 = arith.constant 0 : i32
      %scan3A_216 = arith.constant 64 : i32
      %scan3A_217 = arith.addi %scan3A_215, %scan3A_216 : i32
      %scan3A_218 = arith.constant 1 : i32
      %scan3A_219 = scf.for %scan3A_230 = %scan3A_215 to %scan3A_217 step %scan3A_218 iter_args(%scan3A_231 = %scan3A_214) -> (i32)  : i32 {
        %get3A = arith.index_cast %scan3A_230 : i32 to index
        %get3A_232 = arith.constant 0 : index
        %get3A_233 = tpu.vector_load %arg14[%get3A, %get3A_232] {strides = array<i32>} : memref<64x128xf32, #tpu.memory_space<vmem>>, vector<1x16xf32>,
        %get3A_234 = vector.shape_cast %get3A_233 : vector<1x16xf32> to vector<16xf32>
        %get3A_235 = arith.index_cast %scan3A_230 : i32 to index
        %get3A_236 = arith.constant 0 : index
        %get3A_237 = tpu.vector_load %arg16[%get3A_235, %get3A_236] {strides = array<i32>} : memref<64x128xf32, #tpu.memory_space<vmem>>, vector<1x16xf32>,
        %get3A_238 = vector.shape_cast %get3A_237 : vector<1x16xf32> to vector<16xf32>
        %mul3A_239 = arith.mulf %get3A_234, %get3A_238 : vector<16xf32>
        %swap3A = arith.index_cast %scan3A_230 : i32 to index
        %swap3A_240 = arith.constant 0 : index
        %swap3A_241 = tpu.vector_load %arg18[%swap3A, %swap3A_240] {strides = array<i32>} : memref<64x128xf32, #tpu.memory_space<vmem>>, vector<1x16xf32>,
        %swap3A_242 = vector.shape_cast %swap3A_241 : vector<1x16xf32> to vector<16xf32>
        %swap3A_243 = vector.shape_cast %mul3A_239 : vector<16xf32> to vector<1x16xf32>
        tpu.vector_store %arg18[%swap3A, %swap3A_240], %swap3A_243 {strides = array<i32>} : memref<64x128xf32, #tpu.memory_space<vmem>>, vector<1x16xf32>,
        %get3A_244 = arith.index_cast %scan3A_230 : i32 to index
        %get3A_245 = arith.constant 16 : index
        %get3A_246 = tpu.vector_load %arg14[%get3A_244, %get3A_245] {strides = array<i32>} : memref<64x128xf32, #tpu.memory_space<vmem>>, vector<1x16xf32>,
        %get3A_247 = vector.shape_cast %get3A_246 : vector<1x16xf32> to vector<16xf32>
        %get3A_248 = arith.index_cast %scan3A_230 : i32 to index
        %get3A_249 = arith.constant 16 : index
        %get3A_250 = tpu.vector_load %arg16[%get3A_248, %get3A_249] {strides = array<i32>} : memref<64x128xf32, #tpu.memory_space<vmem>>, vector<1x16xf32>,
        %get3A_251 = vector.shape_cast %get3A_250 : vector<1x16xf32> to vector<16xf32>
        %mul3A_252 = arith.mulf %get3A_247, %get3A_251 : vector<16xf32>
        %swap3A_253 = arith.index_cast %scan3A_230 : i32 to index
        %swap3A_254 = arith.constant 16 : index
        %swap3A_255 = tpu.vector_load %arg18[%swap3A_253, %swap3A_254] {strides = array<i32>} : memref<64x128xf32, #tpu.memory_space<vmem>>, vector<1x16xf32>,
        %swap3A_256 = vector.shape_cast %swap3A_255 : vector<1x16xf32> to vector<16xf32>
        %swap3A_257 = vector.shape_cast %mul3A_252 : vector<16xf32> to vector<1x16xf32>
        tpu.vector_store %arg18[%swap3A_253, %swap3A_254], %swap3A_257 {strides = array<i32>} : memref<64x128xf32, #tpu.memory_space<vmem>>, vector<1x16xf32>,
        %get3A_258 = arith.index_cast %scan3A_230 : i32 to index
        %get3A_259 = arith.constant 32 : index
        %get3A_260 = tpu.vector_load %arg14[%get3A_258, %get3A_259] {strides = array<i32>} : memref<64x128xf32, #tpu.memory_space<vmem>>, vector<1x16xf32>,
        %get3A_261 = vector.shape_cast %get3A_260 : vector<1x16xf32> to vector<16xf32>
        %get3A_262 = arith.index_cast %scan3A_230 : i32 to index
        %get3A_263 = arith.constant 32 : index
        %get3A_264 = tpu.vector_load %arg16[%get3A_262, %get3A_263] {strides = array<i32>} : memref<64x128xf32, #tpu.memory_space<vmem>>, vector<1x16xf32>,
        %get3A_265 = vector.shape_cast %get3A_264 : vector<1x16xf32> to vector<16xf32>
        %mul3A_266 = arith.mulf %get3A_261, %get3A_265 : vector<16xf32>
        %swap3A_267 = arith.index_cast %scan3A_230 : i32 to index
        %swap3A_268 = arith.constant 32 : index
        %swap3A_269 = tpu.vector_load %arg18[%swap3A_267, %swap3A_268] {strides = array<i32>} : memref<64x128xf32, #tpu.memory_space<vmem>>, vector<1x16xf32>,
        %swap3A_270 = vector.shape_cast %swap3A_269 : vector<1x16xf32> to vector<16xf32>
        %swap3A_271 = vector.shape_cast %mul3A_266 : vector<16xf32> to vector<1x16xf32>
        tpu.vector_store %arg18[%swap3A_267, %swap3A_268], %swap3A_271 {strides = array<i32>} : memref<64x128xf32, #tpu.memory_space<vmem>>, vector<1x16xf32>,
        %get3A_272 = arith.index_cast %scan3A_230 : i32 to index
        %get3A_273 = arith.constant 48 : index
        %get3A_274 = tpu.vector_load %arg14[%get3A_272, %get3A_273] {strides = array<i32>} : memref<64x128xf32, #tpu.memory_space<vmem>>, vector<1x16xf32>,
        %get3A_275 = vector.shape_cast %get3A_274 : vector<1x16xf32> to vector<16xf32>
        %get3A_276 = arith.index_cast %scan3A_230 : i32 to index
        %get3A_277 = arith.constant 48 : index
        %get3A_278 = tpu.vector_load %arg16[%get3A_276, %get3A_277] {strides = array<i32>} : memref<64x128xf32, #tpu.memory_space<vmem>>, vector<1x16xf32>,
        %get3A_279 = vector.shape_cast %get3A_278 : vector<1x16xf32> to vector<16xf32>
        %mul3A_280 = arith.mulf %get3A_275, %get3A_279 : vector<16xf32>
        %swap3A_281 = arith.index_cast %scan3A_230 : i32 to index
        %swap3A_282 = arith.constant 48 : index
        %swap3A_283 = tpu.vector_load %arg18[%swap3A_281, %swap3A_282] {strides = array<i32>} : memref<64x128xf32, #tpu.memory_space<vmem>>, vector<1x16xf32>,
        %swap3A_284 = vector.shape_cast %swap3A_283 : vector<1x16xf32> to vector<16xf32>
        %swap3A_285 = vector.shape_cast %mul3A_280 : vector<16xf32> to vector<1x16xf32>
        tpu.vector_store %arg18[%swap3A_281, %swap3A_282], %swap3A_285 {strides = array<i32>} : memref<64x128xf32, #tpu.memory_space<vmem>>, vector<1x16xf32>,
        %get3A_286 = arith.index_cast %scan3A_230 : i32 to index
        %get3A_287 = arith.constant 64 : index
        %get3A_288 = tpu.vector_load %arg16[%get3A_286, %get3A_287] {strides = array<i32>} : memref<64x128xf32, #tpu.memory_space<vmem>>, vector<1x16xf32>,
        %get3A_289 = vector.shape_cast %get3A_288 : vector<1x16xf32> to vector<16xf32>
        %mul3A_290 = arith.mulf %get3A_234, %get3A_289 : vector<16xf32>
        %swap3A_291 = arith.index_cast %scan3A_230 : i32 to index
        %swap3A_292 = arith.constant 64 : index
        %swap3A_293 = tpu.vector_load %arg18[%swap3A_291, %swap3A_292] {strides = array<i32>} : memref<64x128xf32, #tpu.memory_space<vmem>>, vector<1x16xf32>,
        %swap3A_294 = vector.shape_cast %swap3A_293 : vector<1x16xf32> to vector<16xf32>
        %swap3A_295 = vector.shape_cast %mul3A_290 : vector<16xf32> to vector<1x16xf32>
        tpu.vector_store %arg18[%swap3A_291, %swap3A_292], %swap3A_295 {strides = array<i32>} : memref<64x128xf32, #tpu.memory_space<vmem>>, vector<1x16xf32>,
        %get3A_296 = arith.index_cast %scan3A_230 : i32 to index
        %get3A_297 = arith.constant 80 : index
        %get3A_298 = tpu.vector_load %arg16[%get3A_296, %get3A_297] {strides = array<i32>} : memref<64x128xf32, #tpu.memory_space<vmem>>, vector<1x16xf32>,
        %get3A_299 = vector.shape_cast %get3A_298 : vector<1x16xf32> to vector<16xf32>
        %mul3A_300 = arith.mulf %get3A_234, %get3A_299 : vector<16xf32>
        %swap3A_301 = arith.index_cast %scan3A_230 : i32 to index
        %swap3A_302 = arith.constant 80 : index
        %swap3A_303 = tpu.vector_load %arg18[%swap3A_301, %swap3A_302] {strides = array<i32>} : memref<64x128xf32, #tpu.memory_space<vmem>>, vector<1x16xf32>,
        %swap3A_304 = vector.shape_cast %swap3A_303 : vector<1x16xf32> to vector<16xf32>
        %swap3A_305 = vector.shape_cast %mul3A_300 : vector<16xf32> to vector<1x16xf32>
        tpu.vector_store %arg18[%swap3A_301, %swap3A_302], %swap3A_305 {strides = array<i32>} : memref<64x128xf32, #tpu.memory_space<vmem>>, vector<1x16xf32>,
        %get3A_306 = arith.index_cast %scan3A_230 : i32 to index
        %get3A_307 = arith.constant 96 : index
        %get3A_308 = tpu.vector_load %arg16[%get3A_306, %get3A_307] {strides = array<i32>} : memref<64x128xf32, #tpu.memory_space<vmem>>, vector<1x16xf32>,
        %get3A_309 = vector.shape_cast %get3A_308 : vector<1x16xf32> to vector<16xf32>
        %mul3A_310 = arith.mulf %get3A_234, %get3A_309 : vector<16xf32>
        %swap3A_311 = arith.index_cast %scan3A_230 : i32 to index
        %swap3A_312 = arith.constant 96 : index
        %swap3A_313 = tpu.vector_load %arg18[%swap3A_311, %swap3A_312] {strides = array<i32>} : memref<64x128xf32, #tpu.memory_space<vmem>>, vector<1x16xf32>,
        %swap3A_314 = vector.shape_cast %swap3A_313 : vector<1x16xf32> to vector<16xf32>
        %swap3A_315 = vector.shape_cast %mul3A_310 : vector<16xf32> to vector<1x16xf32>
        tpu.vector_store %arg18[%swap3A_311, %swap3A_312], %swap3A_315 {strides = array<i32>} : memref<64x128xf32, #tpu.memory_space<vmem>>, vector<1x16xf32>,
        %scan3A_316 = arith.constant 0 : i32
        scf.yield %scan3A_316 : i32
      }
      %scan3A_220 = arith.constant 64 : i32
      %dma_wait3A_221 = tpu.memref_slice %arg4[%add3A_208] : memref<160000xi32, #tpu.memory_space<hbm>> -> memref<64xi32, #tpu.memory_space<hbm>>
      %dma_wait3A_222 = tpu.memref_slice %arg4[%add3A_208] : memref<160000xi32, #tpu.memory_space<hbm>> -> memref<64xi32, #tpu.memory_space<hbm>>
      tpu.wait_dma2 semaphore(%arg28 : memref<!tpu.dma_semaphore, #tpu.memory_space<semaphore_mem>>) src(%dma_wait3A_222 : memref<64xi32, #tpu.memory_space<hbm>>) dst(%arg10 : memref<64xi32, #tpu.memory_space<vmem>>)
      %dma_start3A_223 = arith.constant 0 : i32
      %dma_start3A_224 = arith.constant 0 : i32
      %dma_start3A_225 = tpu.memref_slice %arg19[%dma_start3A_223, %dma_start3A_224] : memref<10112x128xf32, #tpu.memory_space<vmem_shared>> -> memref<10112x128xf32, #tpu.memory_space<vmem_shared>>
      tpu.enqueue_indirect_dma source(%arg18 : memref<64x128xf32, #tpu.memory_space<vmem>>) target(%dma_start3A_225 : memref<10112x128xf32, #tpu.memory_space<vmem_shared>>) offsets(%arg10 : memref<64xi32, #tpu.memory_space<vmem>>) semaphore(%arg27 : memref<!tpu.dma_semaphore, #tpu.memory_space<semaphore_mem>>) {add = true}
      %convert_element_type3A_226 = arith.extui %lt3A_191 : i1 to i32
      %cond3A_227 = arith.constant 0 : i32
      %cond3A_228 = arith.cmpi ne, %convert_element_type3A_226, %cond3A_227 : i32
      scf.if %cond3A_228 {
        %add3A_230 = arith.constant 2 : i32
        %add3A_231 = arith.addi %add3A_189, %add3A_230 : i32
        %mul3A_232 = arith.constant 64 : i32
        %mul3A_233 = arith.muli %add3A_231, %mul3A_232 : i32
        %add3A_234 = arith.addi %mul3A_75, %mul3A_233 : i32
        %add3A_235 = arith.constant 2 : i32
        %add3A_236 = arith.addi %add3A_189, %add3A_235 : i32
        %mul3A_237 = arith.constant 64 : i32
        %mul3A_238 = arith.muli %add3A_236, %mul3A_237 : i32
        %add3A_239 = arith.addi %add3A_77, %mul3A_238 : i32
        %dma_start3A_240 = arith.constant 0 : i32
        %dma_start3A_241 = tpu.memref_slice %arg5[%add3A_234, %dma_start3A_240] : memref<83200x128xf32, #tpu.memory_space<hbm>> -> memref<64x128xf32, #tpu.memory_space<hbm>>
        %dma_start3A_242 = arith.constant 0 : i32
        %dma_start3A_243 = tpu.memref_slice %arg5[%add3A_234, %dma_start3A_242] : memref<83200x128xf32, #tpu.memory_space<hbm>> -> memref<64x128xf32, #tpu.memory_space<hbm>>
        tpu.enqueue_dma source(%dma_start3A_243 : memref<64x128xf32, #tpu.memory_space<hbm>>) target(%arg16 : memref<64x128xf32, #tpu.memory_space<vmem>>) target_semaphore(%arg23 : memref<!tpu.dma_semaphore, #tpu.memory_space<semaphore_mem>>)
        %dma_wait3A_244 = tpu.memref_slice %arg3[%add3A_239] : memref<160000xi32, #tpu.memory_space<hbm>> -> memref<64xi32, #tpu.memory_space<hbm>>
        %dma_wait3A_245 = tpu.memref_slice %arg3[%add3A_239] : memref<160000xi32, #tpu.memory_space<hbm>> -> memref<64xi32, #tpu.memory_space<hbm>>
        tpu.wait_dma2 semaphore(%arg21 : memref<!tpu.dma_semaphore, #tpu.memory_space<semaphore_mem>>) src(%dma_wait3A_245 : memref<64xi32, #tpu.memory_space<hbm>>) dst(%arg8 : memref<64xi32, #tpu.memory_space<vmem>>)
        %dma_start3A_246 = arith.constant 0 : i32
        %dma_start3A_247 = arith.constant 0 : i32
        %dma_start3A_248 = tpu.memref_slice %arg2[%dma_start3A_246, %dma_start3A_247] : memref<10000x128xf32, #tpu.memory_space<hbm>> -> memref<10000x128xf32, #tpu.memory_space<hbm>>
        tpu.enqueue_indirect_dma source(%dma_start3A_248 : memref<10000x128xf32, #tpu.memory_space<hbm>>) target(%arg14 : memref<64x128xf32, #tpu.memory_space<vmem>>) offsets(%arg8 : memref<64xi32, #tpu.memory_space<vmem>>) semaphore(%arg25 : memref<!tpu.dma_semaphore, #tpu.memory_space<semaphore_mem>>)
      } else {
      }
      %scan3A_229 = arith.constant 0 : i32
      scf.yield %scan3A_229 : i32
    }
    %scan3A_112 = arith.constant 20 : i32
    %dma_wait3A_113 = arith.constant 0 : i32
    %dma_wait3A_114 = arith.constant 0 : i32
    %dma_wait3A_115 = tpu.memref_slice %arg19[%dma_wait3A_113, %dma_wait3A_114] : memref<10112x128xf32, #tpu.memory_space<vmem_shared>> -> memref<10112x128xf32, #tpu.memory_space<vmem_shared>>
    tpu.wait_indirect_dma semaphore(%arg26 : memref<!tpu.dma_semaphore, #tpu.memory_space<semaphore_mem>>) src(%arg17 : memref<64x128xf32, #tpu.memory_space<vmem>>) dst(%dma_wait3A_115 : memref<10112x128xf32, #tpu.memory_space<vmem_shared>>)
    %dma_wait3A_116 = arith.constant 0 : i32
    %dma_wait3A_117 = arith.constant 0 : i32
    %dma_wait3A_118 = tpu.memref_slice %arg19[%dma_wait3A_116, %dma_wait3A_117] : memref<10112x128xf32, #tpu.memory_space<vmem_shared>> -> memref<10112x128xf32, #tpu.memory_space<vmem_shared>>
    tpu.wait_indirect_dma semaphore(%arg27 : memref<!tpu.dma_semaphore, #tpu.memory_space<semaphore_mem>>) src(%arg18 : memref<64x128xf32, #tpu.memory_space<vmem>>) dst(%dma_wait3A_118 : memref<10112x128xf32, #tpu.memory_space<vmem_shared>>)
    %add3A_119 = arith.constant 2560 : i32
    %add3A_120 = arith.addi %mul3A_75, %add3A_119 : i32
    %add3A_121 = arith.constant 2560 : i32
    %add3A_122 = arith.addi %add3A_77, %add3A_121 : i32
    "tpu.region"() ({
      %run_scoped3A = tpu.sem_alloc : memref<!tpu.dma_semaphore, #tpu.memory_space<semaphore_mem>>
      %dma_start3A_147 = tpu.memref_slice %arg3[%add3A_122] : memref<160000xi32, #tpu.memory_space<hbm>> -> memref<40xi32, #tpu.memory_space<hbm>>
      %dma_start3A_148 = tpu.memref_slice %arg3[%add3A_122] : memref<160000xi32, #tpu.memory_space<hbm>> -> memref<40xi32, #tpu.memory_space<hbm>>
      tpu.enqueue_dma source(%dma_start3A_148 : memref<40xi32, #tpu.memory_space<hbm>>) target(%arg11 : memref<40xi32, #tpu.memory_space<vmem>>) target_semaphore(%run_scoped3A : memref<!tpu.dma_semaphore, #tpu.memory_space<semaphore_mem>>)
      %dma_wait3A_149 = tpu.memref_slice %arg3[%add3A_122] : memref<160000xi32, #tpu.memory_space<hbm>> -> memref<40xi32, #tpu.memory_space<hbm>>
      %dma_wait3A_150 = tpu.memref_slice %arg3[%add3A_122] : memref<160000xi32, #tpu.memory_space<hbm>> -> memref<40xi32, #tpu.memory_space<hbm>>
      tpu.wait_dma2 semaphore(%run_scoped3A : memref<!tpu.dma_semaphore, #tpu.memory_space<semaphore_mem>>) src(%dma_wait3A_150 : memref<40xi32, #tpu.memory_space<hbm>>) dst(%arg11 : memref<40xi32, #tpu.memory_space<vmem>>)
      tpu.yield
    }) : () -> ()
    "tpu.region"() ({
      %run_scoped3A = tpu.sem_alloc : memref<!tpu.dma_semaphore, #tpu.memory_space<semaphore_mem>>
      %dma_start3A_147 = tpu.memref_slice %arg4[%add3A_122] : memref<160000xi32, #tpu.memory_space<hbm>> -> memref<40xi32, #tpu.memory_space<hbm>>
      %dma_start3A_148 = tpu.memref_slice %arg4[%add3A_122] : memref<160000xi32, #tpu.memory_space<hbm>> -> memref<40xi32, #tpu.memory_space<hbm>>
      tpu.enqueue_dma source(%dma_start3A_148 : memref<40xi32, #tpu.memory_space<hbm>>) target(%arg12 : memref<40xi32, #tpu.memory_space<vmem>>) target_semaphore(%run_scoped3A : memref<!tpu.dma_semaphore, #tpu.memory_space<semaphore_mem>>)
      %dma_wait3A_149 = tpu.memref_slice %arg4[%add3A_122] : memref<160000xi32, #tpu.memory_space<hbm>> -> memref<40xi32, #tpu.memory_space<hbm>>
      %dma_wait3A_150 = tpu.memref_slice %arg4[%add3A_122] : memref<160000xi32, #tpu.memory_space<hbm>> -> memref<40xi32, #tpu.memory_space<hbm>>
      tpu.wait_dma2 semaphore(%run_scoped3A : memref<!tpu.dma_semaphore, #tpu.memory_space<semaphore_mem>>) src(%dma_wait3A_150 : memref<40xi32, #tpu.memory_space<hbm>>) dst(%arg12 : memref<40xi32, #tpu.memory_space<vmem>>)
      tpu.yield
    }) : () -> ()
    "tpu.region"() ({
      %run_scoped3A = tpu.sem_alloc : memref<!tpu.dma_semaphore, #tpu.memory_space<semaphore_mem>>
      %dma_start3A_147 = arith.constant 0 : i32
      %dma_start3A_148 = arith.constant 0 : i32
      %dma_start3A_149 = tpu.memref_slice %arg15[%dma_start3A_147, %dma_start3A_148] : memref<64x128xf32, #tpu.memory_space<vmem>> -> memref<40x128xf32, #tpu.memory_space<vmem>>
      %dma_start3A_150 = arith.constant 0 : i32
      %dma_start3A_151 = tpu.memref_slice %arg5[%add3A_120, %dma_start3A_150] : memref<83200x128xf32, #tpu.memory_space<hbm>> -> memref<40x128xf32, #tpu.memory_space<hbm>>
      %dma_start3A_152 = arith.constant 0 : i32
      %dma_start3A_153 = arith.constant 0 : i32
      %dma_start3A_154 = tpu.memref_slice %arg15[%dma_start3A_152, %dma_start3A_153] : memref<64x128xf32, #tpu.memory_space<vmem>> -> memref<40x128xf32, #tpu.memory_space<vmem>>
      %dma_start3A_155 = arith.constant 0 : i32
      %dma_start3A_156 = tpu.memref_slice %arg5[%add3A_120, %dma_start3A_155] : memref<83200x128xf32, #tpu.memory_space<hbm>> -> memref<40x128xf32, #tpu.memory_space<hbm>>
      tpu.enqueue_dma source(%dma_start3A_156 : memref<40x128xf32, #tpu.memory_space<hbm>>) target(%dma_start3A_154 : memref<40x128xf32, #tpu.memory_space<vmem>>) target_semaphore(%run_scoped3A : memref<!tpu.dma_semaphore, #tpu.memory_space<semaphore_mem>>)
      %dma_wait3A_157 = arith.constant 0 : i32
      %dma_wait3A_158 = arith.constant 0 : i32
      %dma_wait3A_159 = tpu.memref_slice %arg15[%dma_wait3A_157, %dma_wait3A_158] : memref<64x128xf32, #tpu.memory_space<vmem>> -> memref<40x128xf32, #tpu.memory_space<vmem>>
      %dma_wait3A_160 = arith.constant 0 : i32
      %dma_wait3A_161 = tpu.memref_slice %arg5[%add3A_120, %dma_wait3A_160] : memref<83200x128xf32, #tpu.memory_space<hbm>> -> memref<40x128xf32, #tpu.memory_space<hbm>>
      %dma_wait3A_162 = arith.constant 0 : i32
      %dma_wait3A_163 = arith.constant 0 : i32
      %dma_wait3A_164 = tpu.memref_slice %arg15[%dma_wait3A_162, %dma_wait3A_163] : memref<64x128xf32, #tpu.memory_space<vmem>> -> memref<40x128xf32, #tpu.memory_space<vmem>>
      %dma_wait3A_165 = arith.constant 0 : i32
      %dma_wait3A_166 = tpu.memref_slice %arg5[%add3A_120, %dma_wait3A_165] : memref<83200x128xf32, #tpu.memory_space<hbm>> -> memref<40x128xf32, #tpu.memory_space<hbm>>
      tpu.wait_dma2 semaphore(%run_scoped3A : memref<!tpu.dma_semaphore, #tpu.memory_space<semaphore_mem>>) src(%dma_wait3A_166 : memref<40x128xf32, #tpu.memory_space<hbm>>) dst(%dma_wait3A_164 : memref<40x128xf32, #tpu.memory_space<vmem>>)
      tpu.yield
    }) : () -> ()
    %dma_start3A_123 = arith.constant 0 : i32
    %dma_start3A_124 = arith.constant 0 : i32
    %dma_start3A_125 = tpu.memref_slice %arg13[%dma_start3A_123, %dma_start3A_124] : memref<64x128xf32, #tpu.memory_space<vmem>> -> memref<40x128xf32, #tpu.memory_space<vmem>>
    %dma_start3A_126 = arith.constant 0 : i32
    %dma_start3A_127 = arith.constant 0 : i32
    %dma_start3A_128 = tpu.memref_slice %arg2[%dma_start3A_126, %dma_start3A_127] : memref<10000x128xf32, #tpu.memory_space<hbm>> -> memref<10000x128xf32, #tpu.memory_space<hbm>>
    tpu.enqueue_indirect_dma source(%dma_start3A_128 : memref<10000x128xf32, #tpu.memory_space<hbm>>) target(%dma_start3A_125 : memref<40x128xf32, #tpu.memory_space<vmem>>) offsets(%arg11 : memref<40xi32, #tpu.memory_space<vmem>>) semaphore(%arg28 : memref<!tpu.dma_semaphore, #tpu.memory_space<semaphore_mem>>)
    %dma_wait3A_129 = arith.constant 0 : i32
    %dma_wait3A_130 = arith.constant 0 : i32
    %dma_wait3A_131 = tpu.memref_slice %arg13[%dma_wait3A_129, %dma_wait3A_130] : memref<64x128xf32, #tpu.memory_space<vmem>> -> memref<40x128xf32, #tpu.memory_space<vmem>>
    %dma_wait3A_132 = arith.constant 0 : i32
    %dma_wait3A_133 = arith.constant 0 : i32
    %dma_wait3A_134 = tpu.memref_slice %arg2[%dma_wait3A_132, %dma_wait3A_133] : memref<10000x128xf32, #tpu.memory_space<hbm>> -> memref<10000x128xf32, #tpu.memory_space<hbm>>
    tpu.wait_indirect_dma semaphore(%arg28 : memref<!tpu.dma_semaphore, #tpu.memory_space<semaphore_mem>>) src(%dma_wait3A_134 : memref<10000x128xf32, #tpu.memory_space<hbm>>) dst(%dma_wait3A_131 : memref<40x128xf32, #tpu.memory_space<vmem>>)
    %scan3A_135 = arith.constant 0 : i32
    %scan3A_136 = arith.constant 0 : i32
    %scan3A_137 = arith.constant 40 : i32
    %scan3A_138 = arith.addi %scan3A_136, %scan3A_137 : i32
    %scan3A_139 = arith.constant 1 : i32
    %scan3A_140 = scf.for %scan3A_147 = %scan3A_136 to %scan3A_138 step %scan3A_139 iter_args(%scan3A_148 = %scan3A_135) -> (i32)  : i32 {
      %get3A = arith.index_cast %scan3A_147 : i32 to index
      %get3A_149 = arith.constant 0 : index
      %get3A_150 = tpu.vector_load %arg13[%get3A, %get3A_149] {strides = array<i32>} : memref<64x128xf32, #tpu.memory_space<vmem>>, vector<1x16xf32>,
      %get3A_151 = vector.shape_cast %get3A_150 : vector<1x16xf32> to vector<16xf32>
      %get3A_152 = arith.index_cast %scan3A_147 : i32 to index
      %get3A_153 = arith.constant 0 : index
      %get3A_154 = tpu.vector_load %arg15[%get3A_152, %get3A_153] {strides = array<i32>} : memref<64x128xf32, #tpu.memory_space<vmem>>, vector<1x16xf32>,
      %get3A_155 = vector.shape_cast %get3A_154 : vector<1x16xf32> to vector<16xf32>
      %mul3A_156 = arith.mulf %get3A_151, %get3A_155 : vector<16xf32>
      %swap3A = arith.index_cast %scan3A_147 : i32 to index
      %swap3A_157 = arith.constant 0 : index
      %swap3A_158 = tpu.vector_load %arg17[%swap3A, %swap3A_157] {strides = array<i32>} : memref<64x128xf32, #tpu.memory_space<vmem>>, vector<1x16xf32>,
      %swap3A_159 = vector.shape_cast %swap3A_158 : vector<1x16xf32> to vector<16xf32>
      %swap3A_160 = vector.shape_cast %mul3A_156 : vector<16xf32> to vector<1x16xf32>
      tpu.vector_store %arg17[%swap3A, %swap3A_157], %swap3A_160 {strides = array<i32>} : memref<64x128xf32, #tpu.memory_space<vmem>>, vector<1x16xf32>,
      %get3A_161 = arith.index_cast %scan3A_147 : i32 to index
      %get3A_162 = arith.constant 16 : index
      %get3A_163 = tpu.vector_load %arg13[%get3A_161, %get3A_162] {strides = array<i32>} : memref<64x128xf32, #tpu.memory_space<vmem>>, vector<1x16xf32>,
      %get3A_164 = vector.shape_cast %get3A_163 : vector<1x16xf32> to vector<16xf32>
      %get3A_165 = arith.index_cast %scan3A_147 : i32 to index
      %get3A_166 = arith.constant 16 : index
      %get3A_167 = tpu.vector_load %arg15[%get3A_165, %get3A_166] {strides = array<i32>} : memref<64x128xf32, #tpu.memory_space<vmem>>, vector<1x16xf32>,
      %get3A_168 = vector.shape_cast %get3A_167 : vector<1x16xf32> to vector<16xf32>
      %mul3A_169 = arith.mulf %get3A_164, %get3A_168 : vector<16xf32>
      %swap3A_170 = arith.index_cast %scan3A_147 : i32 to index
      %swap3A_171 = arith.constant 16 : index
      %swap3A_172 = tpu.vector_load %arg17[%swap3A_170, %swap3A_171] {strides = array<i32>} : memref<64x128xf32, #tpu.memory_space<vmem>>, vector<1x16xf32>,
      %swap3A_173 = vector.shape_cast %swap3A_172 : vector<1x16xf32> to vector<16xf32>
      %swap3A_174 = vector.shape_cast %mul3A_169 : vector<16xf32> to vector<1x16xf32>
      tpu.vector_store %arg17[%swap3A_170, %swap3A_171], %swap3A_174 {strides = array<i32>} : memref<64x128xf32, #tpu.memory_space<vmem>>, vector<1x16xf32>,
      %get3A_175 = arith.index_cast %scan3A_147 : i32 to index
      %get3A_176 = arith.constant 32 : index
      %get3A_177 = tpu.vector_load %arg13[%get3A_175, %get3A_176] {strides = array<i32>} : memref<64x128xf32, #tpu.memory_space<vmem>>, vector<1x16xf32>,
      %get3A_178 = vector.shape_cast %get3A_177 : vector<1x16xf32> to vector<16xf32>
      %get3A_179 = arith.index_cast %scan3A_147 : i32 to index
      %get3A_180 = arith.constant 32 : index
      %get3A_181 = tpu.vector_load %arg15[%get3A_179, %get3A_180] {strides = array<i32>} : memref<64x128xf32, #tpu.memory_space<vmem>>, vector<1x16xf32>,
      %get3A_182 = vector.shape_cast %get3A_181 : vector<1x16xf32> to vector<16xf32>
      %mul3A_183 = arith.mulf %get3A_178, %get3A_182 : vector<16xf32>
      %swap3A_184 = arith.index_cast %scan3A_147 : i32 to index
      %swap3A_185 = arith.constant 32 : index
      %swap3A_186 = tpu.vector_load %arg17[%swap3A_184, %swap3A_185] {strides = array<i32>} : memref<64x128xf32, #tpu.memory_space<vmem>>, vector<1x16xf32>,
      %swap3A_187 = vector.shape_cast %swap3A_186 : vector<1x16xf32> to vector<16xf32>
      %swap3A_188 = vector.shape_cast %mul3A_183 : vector<16xf32> to vector<1x16xf32>
      tpu.vector_store %arg17[%swap3A_184, %swap3A_185], %swap3A_188 {strides = array<i32>} : memref<64x128xf32, #tpu.memory_space<vmem>>, vector<1x16xf32>,
      %get3A_189 = arith.index_cast %scan3A_147 : i32 to index
      %get3A_190 = arith.constant 48 : index
      %get3A_191 = tpu.vector_load %arg13[%get3A_189, %get3A_190] {strides = array<i32>} : memref<64x128xf32, #tpu.memory_space<vmem>>, vector<1x16xf32>,
      %get3A_192 = vector.shape_cast %get3A_191 : vector<1x16xf32> to vector<16xf32>
      %get3A_193 = arith.index_cast %scan3A_147 : i32 to index
      %get3A_194 = arith.constant 48 : index
      %get3A_195 = tpu.vector_load %arg15[%get3A_193, %get3A_194] {strides = array<i32>} : memref<64x128xf32, #tpu.memory_space<vmem>>, vector<1x16xf32>,
      %get3A_196 = vector.shape_cast %get3A_195 : vector<1x16xf32> to vector<16xf32>
      %mul3A_197 = arith.mulf %get3A_192, %get3A_196 : vector<16xf32>
      %swap3A_198 = arith.index_cast %scan3A_147 : i32 to index
      %swap3A_199 = arith.constant 48 : index
      %swap3A_200 = tpu.vector_load %arg17[%swap3A_198, %swap3A_199] {strides = array<i32>} : memref<64x128xf32, #tpu.memory_space<vmem>>, vector<1x16xf32>,
      %swap3A_201 = vector.shape_cast %swap3A_200 : vector<1x16xf32> to vector<16xf32>
      %swap3A_202 = vector.shape_cast %mul3A_197 : vector<16xf32> to vector<1x16xf32>
      tpu.vector_store %arg17[%swap3A_198, %swap3A_199], %swap3A_202 {strides = array<i32>} : memref<64x128xf32, #tpu.memory_space<vmem>>, vector<1x16xf32>,
      %get3A_203 = arith.index_cast %scan3A_147 : i32 to index
      %get3A_204 = arith.constant 64 : index
      %get3A_205 = tpu.vector_load %arg15[%get3A_203, %get3A_204] {strides = array<i32>} : memref<64x128xf32, #tpu.memory_space<vmem>>, vector<1x16xf32>,
      %get3A_206 = vector.shape_cast %get3A_205 : vector<1x16xf32> to vector<16xf32>
      %mul3A_207 = arith.mulf %get3A_151, %get3A_206 : vector<16xf32>
      %swap3A_208 = arith.index_cast %scan3A_147 : i32 to index
      %swap3A_209 = arith.constant 64 : index
      %swap3A_210 = tpu.vector_load %arg17[%swap3A_208, %swap3A_209] {strides = array<i32>} : memref<64x128xf32, #tpu.memory_space<vmem>>, vector<1x16xf32>,
      %swap3A_211 = vector.shape_cast %swap3A_210 : vector<1x16xf32> to vector<16xf32>
      %swap3A_212 = vector.shape_cast %mul3A_207 : vector<16xf32> to vector<1x16xf32>
      tpu.vector_store %arg17[%swap3A_208, %swap3A_209], %swap3A_212 {strides = array<i32>} : memref<64x128xf32, #tpu.memory_space<vmem>>, vector<1x16xf32>,
      %get3A_213 = arith.index_cast %scan3A_147 : i32 to index
      %get3A_214 = arith.constant 80 : index
      %get3A_215 = tpu.vector_load %arg15[%get3A_213, %get3A_214] {strides = array<i32>} : memref<64x128xf32, #tpu.memory_space<vmem>>, vector<1x16xf32>,
      %get3A_216 = vector.shape_cast %get3A_215 : vector<1x16xf32> to vector<16xf32>
      %mul3A_217 = arith.mulf %get3A_151, %get3A_216 : vector<16xf32>
      %swap3A_218 = arith.index_cast %scan3A_147 : i32 to index
      %swap3A_219 = arith.constant 80 : index
      %swap3A_220 = tpu.vector_load %arg17[%swap3A_218, %swap3A_219] {strides = array<i32>} : memref<64x128xf32, #tpu.memory_space<vmem>>, vector<1x16xf32>,
      %swap3A_221 = vector.shape_cast %swap3A_220 : vector<1x16xf32> to vector<16xf32>
      %swap3A_222 = vector.shape_cast %mul3A_217 : vector<16xf32> to vector<1x16xf32>
      tpu.vector_store %arg17[%swap3A_218, %swap3A_219], %swap3A_222 {strides = array<i32>} : memref<64x128xf32, #tpu.memory_space<vmem>>, vector<1x16xf32>,
      %get3A_223 = arith.index_cast %scan3A_147 : i32 to index
      %get3A_224 = arith.constant 96 : index
      %get3A_225 = tpu.vector_load %arg15[%get3A_223, %get3A_224] {strides = array<i32>} : memref<64x128xf32, #tpu.memory_space<vmem>>, vector<1x16xf32>,
      %get3A_226 = vector.shape_cast %get3A_225 : vector<1x16xf32> to vector<16xf32>
      %mul3A_227 = arith.mulf %get3A_151, %get3A_226 : vector<16xf32>
      %swap3A_228 = arith.index_cast %scan3A_147 : i32 to index
      %swap3A_229 = arith.constant 96 : index
      %swap3A_230 = tpu.vector_load %arg17[%swap3A_228, %swap3A_229] {strides = array<i32>} : memref<64x128xf32, #tpu.memory_space<vmem>>, vector<1x16xf32>,
      %swap3A_231 = vector.shape_cast %swap3A_230 : vector<1x16xf32> to vector<16xf32>
      %swap3A_232 = vector.shape_cast %mul3A_227 : vector<16xf32> to vector<1x16xf32>
      tpu.vector_store %arg17[%swap3A_228, %swap3A_229], %swap3A_232 {strides = array<i32>} : memref<64x128xf32, #tpu.memory_space<vmem>>, vector<1x16xf32>,
      %scan3A_233 = arith.constant 0 : i32
      scf.yield %scan3A_233 : i32
    }
    %scan3A_141 = arith.constant 40 : i32
    "tpu.region"() ({
      %run_scoped3A = tpu.sem_alloc : memref<!tpu.dma_semaphore, #tpu.memory_space<semaphore_mem>>
      %dma_start3A_147 = arith.constant 0 : i32
      %dma_start3A_148 = arith.constant 0 : i32
      %dma_start3A_149 = tpu.memref_slice %arg17[%dma_start3A_147, %dma_start3A_148] : memref<64x128xf32, #tpu.memory_space<vmem>> -> memref<40x128xf32, #tpu.memory_space<vmem>>
      %dma_start3A_150 = arith.constant 0 : i32
      %dma_start3A_151 = arith.constant 0 : i32
      %dma_start3A_152 = tpu.memref_slice %arg19[%dma_start3A_150, %dma_start3A_151] : memref<10112x128xf32, #tpu.memory_space<vmem_shared>> -> memref<10112x128xf32, #tpu.memory_space<vmem_shared>>
      tpu.enqueue_indirect_dma source(%dma_start3A_149 : memref<40x128xf32, #tpu.memory_space<vmem>>) target(%dma_start3A_152 : memref<10112x128xf32, #tpu.memory_space<vmem_shared>>) offsets(%arg12 : memref<40xi32, #tpu.memory_space<vmem>>) semaphore(%run_scoped3A : memref<!tpu.dma_semaphore, #tpu.memory_space<semaphore_mem>>) {add = true}
      %dma_wait3A_153 = arith.constant 0 : i32
      %dma_wait3A_154 = arith.constant 0 : i32
      %dma_wait3A_155 = tpu.memref_slice %arg17[%dma_wait3A_153, %dma_wait3A_154] : memref<64x128xf32, #tpu.memory_space<vmem>> -> memref<40x128xf32, #tpu.memory_space<vmem>>
      %dma_wait3A_156 = arith.constant 0 : i32
      %dma_wait3A_157 = arith.constant 0 : i32
      %dma_wait3A_158 = tpu.memref_slice %arg19[%dma_wait3A_156, %dma_wait3A_157] : memref<10112x128xf32, #tpu.memory_space<vmem_shared>> -> memref<10112x128xf32, #tpu.memory_space<vmem_shared>>
      tpu.wait_indirect_dma semaphore(%run_scoped3A : memref<!tpu.dma_semaphore, #tpu.memory_space<semaphore_mem>>) src(%dma_wait3A_155 : memref<40x128xf32, #tpu.memory_space<vmem>>) dst(%dma_wait3A_158 : memref<10112x128xf32, #tpu.memory_space<vmem_shared>>)
      tpu.yield
    }) : () -> ()
    %barrier3A_142 = arith.constant 0 : index
    tpu.barrier barrier_id(%barrier3A_142)
    %mul3A_143 = arith.constant 632 : i32
    %mul3A_144 = arith.muli %arg1, %mul3A_143 : i32
    %mul3A_145 = arith.constant 632 : i32
    %mul3A_146 = arith.muli %arg1, %mul3A_145 : i32
    "tpu.region"() ({
      %run_scoped3A = tpu.sem_alloc : memref<!tpu.dma_semaphore, #tpu.memory_space<semaphore_mem>>
      %dma_start3A_147 = arith.constant 0 : i32
      %dma_start3A_148 = tpu.memref_slice %arg6[%arg0, %mul3A_146, %dma_start3A_147] : memref<2x10112x128xf32, #tpu.memory_space<hbm>> -> memref<1x632x128xf32, #tpu.memory_space<hbm>>
      %dma_start3A_149 = tpu.memref_squeeze %dma_start3A_148 : memref<1x632x128xf32, #tpu.memory_space<hbm>> -> memref<632x128xf32, #tpu.memory_space<hbm>>
      %dma_start3A_150 = arith.constant 0 : i32
      %dma_start3A_151 = tpu.memref_slice %arg19[%mul3A_144, %dma_start3A_150] : memref<10112x128xf32, #tpu.memory_space<vmem_shared>> -> memref<632x128xf32, #tpu.memory_space<vmem_shared>>
      tpu.enqueue_dma source(%dma_start3A_151 : memref<632x128xf32, #tpu.memory_space<vmem_shared>>) target(%dma_start3A_149 : memref<632x128xf32, #tpu.memory_space<hbm>>) target_semaphore(%run_scoped3A : memref<!tpu.dma_semaphore, #tpu.memory_space<semaphore_mem>>)
      %dma_wait3A_152 = arith.constant 0 : i32
      %dma_wait3A_153 = tpu.memref_slice %arg6[%arg0, %mul3A_146, %dma_wait3A_152] : memref<2x10112x128xf32, #tpu.memory_space<hbm>> -> memref<1x632x128xf32, #tpu.memory_space<hbm>>
      %dma_wait3A_154 = tpu.memref_squeeze %dma_wait3A_153 : memref<1x632x128xf32, #tpu.memory_space<hbm>> -> memref<632x128xf32, #tpu.memory_space<hbm>>
      %dma_wait3A_155 = arith.constant 0 : i32
      %dma_wait3A_156 = tpu.memref_slice %arg19[%mul3A_144, %dma_wait3A_155] : memref<10112x128xf32, #tpu.memory_space<vmem_shared>> -> memref<632x128xf32, #tpu.memory_space<vmem_shared>>
      tpu.wait_dma2 semaphore(%run_scoped3A : memref<!tpu.dma_semaphore, #tpu.memory_space<semaphore_mem>>) src(%dma_wait3A_156 : memref<632x128xf32, #tpu.memory_space<vmem_shared>>) dst(%dma_wait3A_154 : memref<632x128xf32, #tpu.memory_space<hbm>>)
      tpu.yield
    }) : () -> ()
    return
  }
}

module attributes {stable_mosaic.version = 14 : i64} {
  func.func @_mlp_body(%arg0: i32, %arg1: memref<192x3200xf32, #tpu.memory_space<vmem>>, %arg2: memref<4x3200xf32, #tpu.memory_space<vmem>>, %arg3: memref<192x192xf32, #tpu.memory_space<vmem>>, %arg4: memref<192x1xf32, #tpu.memory_space<vmem>>, %arg5: memref<192x80xf32, #tpu.memory_space<vmem>>, %arg6: memref<80x1xf32, #tpu.memory_space<vmem>>, %arg7: memref<3200x128xf32, #tpu.memory_space<vmem>>) attributes {dimension_semantics = [#tpu.dimension_semantics<arbitrary>], iteration_bounds = array<i64: 26>, scalar_prefetch = 0 : i64, scratch_operands = 0 : i64, tpu.core_type = #tpu.core_type<tc>, window_params = [{transform_indices = @transform_0, window_bounds = array<i64: 192, 3200>}, {transform_indices = @transform_1, window_bounds = array<i64: 4, 3200>}, {pipeline_mode = #tpu.pipeline_mode<synchronous>, transform_indices = @transform_2, window_bounds = array<i64: 192, 192>}, {pipeline_mode = #tpu.pipeline_mode<synchronous>, transform_indices = @transform_3, window_bounds = array<i64: 192, 1>}, {pipeline_mode = #tpu.pipeline_mode<synchronous>, transform_indices = @transform_4, window_bounds = array<i64: 192, 80>}, {pipeline_mode = #tpu.pipeline_mode<synchronous>, transform_indices = @transform_5, window_bounds = array<i64: 80, 1>}, {transform_indices = @transform_6, window_bounds = array<i64: 3200, 128>}]} {
    %get3A = arith.constant 0 : index
    %get3A_0 = arith.constant 0 : index
    %get3A_1 = vector.load %arg3[%get3A, %get3A_0] : memref<192x192xf32, #tpu.memory_space<vmem>>, vector<192x192xf32>
    %convert_element_type3A = arith.truncf %get3A_1 : vector<192x192xf32> to vector<192x192xbf16>
    %get3A_2 = arith.constant 0 : index
    %get3A_3 = arith.constant 0 : index
    %get3A_4 = vector.load %arg1[%get3A_2, %get3A_3] : memref<192x3200xf32, #tpu.memory_space<vmem>>, vector<192x3200xf32>
    %convert_element_type3A_5 = arith.truncf %get3A_4 : vector<192x3200xf32> to vector<192x3200xbf16>
    %dot_general3A = arith.constant dense<0.000000e+00> : vector<192x3200xf32>
    %dot_general3A_6 = tpu.matmul %convert_element_type3A, %convert_element_type3A_5, %dot_general3A {dimension_numbers = #tpu.dot_dimension_numbers<[0], [0], [1], [1], [0, 1, 1, 1], [], []>, transpose_lhs_hint = false} : vector<192x192xbf16>, vector<192x3200xbf16>, vector<192x3200xf32> -> vector<192x3200xf32>
    %get3A_7 = arith.constant 0 : index
    %get3A_8 = arith.constant 0 : index
    %get3A_9 = vector.load %arg4[%get3A_7, %get3A_8] : memref<192x1xf32, #tpu.memory_space<vmem>>, vector<192x1xf32>
    %add3A = vector.broadcast %get3A_9 : vector<192x1xf32> to vector<192x3200xf32>
    %add3A_10 = arith.addf %dot_general3A_6, %add3A : vector<192x3200xf32>
    %max3A = arith.constant 0.000000e+00 : f32
    %max3A_11 = vector.broadcast %max3A : f32 to vector<192x3200xf32>
    %max3A_12 = arith.maximumf %add3A_10, %max3A_11 : vector<192x3200xf32>
    %get3A_13 = arith.constant 0 : index
    %get3A_14 = arith.constant 0 : index
    %get3A_15 = vector.load %arg5[%get3A_13, %get3A_14] : memref<192x80xf32, #tpu.memory_space<vmem>>, vector<192x80xf32>
    %convert_element_type3A_16 = arith.truncf %get3A_15 : vector<192x80xf32> to vector<192x80xbf16>
    %convert_element_type3A_17 = arith.truncf %max3A_12 : vector<192x3200xf32> to vector<192x3200xbf16>
    %dot_general3A_18 = arith.constant dense<0.000000e+00> : vector<80x3200xf32>
    %dot_general3A_19 = tpu.matmul %convert_element_type3A_16, %convert_element_type3A_17, %dot_general3A_18 {dimension_numbers = #tpu.dot_dimension_numbers<[0], [0], [1], [1], [0, 1, 1, 1], [], []>, transpose_lhs_hint = false} : vector<192x80xbf16>, vector<192x3200xbf16>, vector<80x3200xf32> -> vector<80x3200xf32>
    %get3A_20 = arith.constant 0 : index
    %get3A_21 = arith.constant 0 : index
    %get3A_22 = vector.load %arg6[%get3A_20, %get3A_21] : memref<80x1xf32, #tpu.memory_space<vmem>>, vector<80x1xf32>
    %add3A_23 = vector.broadcast %get3A_22 : vector<80x1xf32> to vector<80x3200xf32>
    %add3A_24 = arith.addf %dot_general3A_19, %add3A_23 : vector<80x3200xf32>
    %slice3A = vector.extract_strided_slice %add3A_24 {offsets = [0, 0], sizes = [64, 3200], strides = [1, 1]} : vector<80x3200xf32> to vector<64x3200xf32>
    %slice3A_25 = vector.extract_strided_slice %add3A_24 {offsets = [64, 0], sizes = [16, 3200], strides = [1, 1]} : vector<80x3200xf32> to vector<16x3200xf32>
    %get3A_26 = arith.constant 1 : index
    %get3A_27 = arith.constant 0 : index
    %get3A_28 = vector.load %arg2[%get3A_26, %get3A_27] : memref<4x3200xf32, #tpu.memory_space<vmem>>, vector<1x3200xf32>
    %mul3A = vector.broadcast %get3A_28 : vector<1x3200xf32> to vector<16x3200xf32>
    %mul3A_29 = arith.mulf %slice3A_25, %mul3A : vector<16x3200xf32>
    %get3A_30 = arith.constant 2 : index
    %get3A_31 = arith.constant 0 : index
    %get3A_32 = vector.load %arg2[%get3A_30, %get3A_31] : memref<4x3200xf32, #tpu.memory_space<vmem>>, vector<1x3200xf32>
    %mul3A_33 = vector.broadcast %get3A_32 : vector<1x3200xf32> to vector<16x3200xf32>
    %mul3A_34 = arith.mulf %slice3A_25, %mul3A_33 : vector<16x3200xf32>
    %get3A_35 = arith.constant 3 : index
    %get3A_36 = arith.constant 0 : index
    %get3A_37 = vector.load %arg2[%get3A_35, %get3A_36] : memref<4x3200xf32, #tpu.memory_space<vmem>>, vector<1x3200xf32>
    %mul3A_38 = vector.broadcast %get3A_37 : vector<1x3200xf32> to vector<16x3200xf32>
    %mul3A_39 = arith.mulf %slice3A_25, %mul3A_38 : vector<16x3200xf32>
    %broadcast_in_dim3A = arith.constant 0.000000e+00 : f32
    %broadcast_in_dim3A_40 = vector.broadcast %broadcast_in_dim3A : f32 to vector<16x3200xf32>
    %concatenate3A = tpu.concatenate %slice3A, %mul3A_29, %mul3A_34, %mul3A_39, %broadcast_in_dim3A_40 in 0 : vector<64x3200xf32>, vector<16x3200xf32>, vector<16x3200xf32>, vector<16x3200xf32>, vector<16x3200xf32> -> vector<128x3200xf32>
    %transpose3A = tpu.transpose %concatenate3A, [1, 0] : vector<128x3200xf32> -> vector<3200x128xf32>
    %swap3A = arith.constant 0 : index
    %swap3A_41 = arith.constant 0 : index
    %swap3A_42 = vector.load %arg7[%swap3A, %swap3A_41] : memref<3200x128xf32, #tpu.memory_space<vmem>>, vector<3200x128xf32>
    tpu.vector_store %arg7[%swap3A, %swap3A_41], %transpose3A {strides = array<i32>} : memref<3200x128xf32, #tpu.memory_space<vmem>>, vector<3200x128xf32>,
    return
  }
  func.func @transform_0(%arg0: i32) -> (i32, i32) {
    %add3A = arith.constant 24 : i32
    %add3A_0 = arith.addi %arg0, %add3A : i32
    %c0_i32 = arith.constant 0 : i32
    %c0_i32_1 = arith.constant 0 : i32
    return %c0_i32, %add3A_0 : i32, i32
  }
  func.func @transform_1(%arg0: i32) -> (i32, i32) {
    %add3A = arith.constant 24 : i32
    %add3A_0 = arith.addi %arg0, %add3A : i32
    %c0_i32 = arith.constant 0 : i32
    %c0_i32_1 = arith.constant 0 : i32
    return %c0_i32, %add3A_0 : i32, i32
  }
  func.func @transform_2(%arg0: i32) -> (i32, i32) {
    %c0_i32 = arith.constant 0 : i32
    %c0_i32_0 = arith.constant 0 : i32
    %c0_i32_1 = arith.constant 0 : i32
    return %c0_i32, %c0_i32_0 : i32, i32
  }
  func.func @transform_3(%arg0: i32) -> (i32, i32) {
    %c0_i32 = arith.constant 0 : i32
    %c0_i32_0 = arith.constant 0 : i32
    %c0_i32_1 = arith.constant 0 : i32
    return %c0_i32, %c0_i32_0 : i32, i32
  }
  func.func @transform_4(%arg0: i32) -> (i32, i32) {
    %c0_i32 = arith.constant 0 : i32
    %c0_i32_0 = arith.constant 0 : i32
    %c0_i32_1 = arith.constant 0 : i32
    return %c0_i32, %c0_i32_0 : i32, i32
  }
  func.func @transform_5(%arg0: i32) -> (i32, i32) {
    %c0_i32 = arith.constant 0 : i32
    %c0_i32_0 = arith.constant 0 : i32
    %c0_i32_1 = arith.constant 0 : i32
    return %c0_i32, %c0_i32_0 : i32, i32
  }
  func.func @transform_6(%arg0: i32) -> (i32, i32) {
    %c0_i32 = arith.constant 0 : i32
    %c0_i32_0 = arith.constant 0 : i32
    return %arg0, %c0_i32 : i32, i32
  }
}

module attributes {stable_mosaic.version = 14 : i64} {
  func.func @_mlp_body(%arg0: i32, %arg1: memref<192x3200xf32, #tpu.memory_space<vmem>>, %arg2: memref<4x3200xf32, #tpu.memory_space<vmem>>, %arg3: memref<192x192xf32, #tpu.memory_space<vmem>>, %arg4: memref<192x1xf32, #tpu.memory_space<vmem>>, %arg5: memref<192x80xf32, #tpu.memory_space<vmem>>, %arg6: memref<80x1xf32, #tpu.memory_space<vmem>>, %arg7: memref<3200x128xf32, #tpu.memory_space<vmem>>) attributes {dimension_semantics = [#tpu.dimension_semantics<arbitrary>], iteration_bounds = array<i64: 24>, scalar_prefetch = 0 : i64, scratch_operands = 0 : i64, tpu.core_type = #tpu.core_type<tc>, window_params = [{transform_indices = @transform_0, window_bounds = array<i64: 192, 3200>}, {transform_indices = @transform_1, window_bounds = array<i64: 4, 3200>}, {pipeline_mode = #tpu.pipeline_mode<synchronous>, transform_indices = @transform_2, window_bounds = array<i64: 192, 192>}, {pipeline_mode = #tpu.pipeline_mode<synchronous>, transform_indices = @transform_3, window_bounds = array<i64: 192, 1>}, {pipeline_mode = #tpu.pipeline_mode<synchronous>, transform_indices = @transform_4, window_bounds = array<i64: 192, 80>}, {pipeline_mode = #tpu.pipeline_mode<synchronous>, transform_indices = @transform_5, window_bounds = array<i64: 80, 1>}, {transform_indices = @transform_6, window_bounds = array<i64: 3200, 128>}]} {
    %get3A = arith.constant 0 : index
    %get3A_0 = arith.constant 0 : index
    %get3A_1 = vector.load %arg3[%get3A, %get3A_0] : memref<192x192xf32, #tpu.memory_space<vmem>>, vector<192x192xf32>
    %convert_element_type3A = arith.truncf %get3A_1 : vector<192x192xf32> to vector<192x192xbf16>
    %get3A_2 = arith.constant 0 : index
    %get3A_3 = arith.constant 0 : index
    %get3A_4 = vector.load %arg1[%get3A_2, %get3A_3] : memref<192x3200xf32, #tpu.memory_space<vmem>>, vector<192x3200xf32>
    %convert_element_type3A_5 = arith.truncf %get3A_4 : vector<192x3200xf32> to vector<192x3200xbf16>
    %dot_general3A = arith.constant dense<0.000000e+00> : vector<192x3200xf32>
    %dot_general3A_6 = tpu.matmul %convert_element_type3A, %convert_element_type3A_5, %dot_general3A {dimension_numbers = #tpu.dot_dimension_numbers<[0], [0], [1], [1], [0, 1, 1, 1], [], []>, transpose_lhs_hint = false} : vector<192x192xbf16>, vector<192x3200xbf16>, vector<192x3200xf32> -> vector<192x3200xf32>
    %get3A_7 = arith.constant 0 : index
    %get3A_8 = arith.constant 0 : index
    %get3A_9 = vector.load %arg4[%get3A_7, %get3A_8] : memref<192x1xf32, #tpu.memory_space<vmem>>, vector<192x1xf32>
    %add3A = vector.broadcast %get3A_9 : vector<192x1xf32> to vector<192x3200xf32>
    %add3A_10 = arith.addf %dot_general3A_6, %add3A : vector<192x3200xf32>
    %max3A = arith.constant 0.000000e+00 : f32
    %max3A_11 = vector.broadcast %max3A : f32 to vector<192x3200xf32>
    %max3A_12 = arith.maximumf %add3A_10, %max3A_11 : vector<192x3200xf32>
    %get3A_13 = arith.constant 0 : index
    %get3A_14 = arith.constant 0 : index
    %get3A_15 = vector.load %arg5[%get3A_13, %get3A_14] : memref<192x80xf32, #tpu.memory_space<vmem>>, vector<192x80xf32>
    %convert_element_type3A_16 = arith.truncf %get3A_15 : vector<192x80xf32> to vector<192x80xbf16>
    %convert_element_type3A_17 = arith.truncf %max3A_12 : vector<192x3200xf32> to vector<192x3200xbf16>
    %dot_general3A_18 = arith.constant dense<0.000000e+00> : vector<80x3200xf32>
    %dot_general3A_19 = tpu.matmul %convert_element_type3A_16, %convert_element_type3A_17, %dot_general3A_18 {dimension_numbers = #tpu.dot_dimension_numbers<[0], [0], [1], [1], [0, 1, 1, 1], [], []>, transpose_lhs_hint = false} : vector<192x80xbf16>, vector<192x3200xbf16>, vector<80x3200xf32> -> vector<80x3200xf32>
    %get3A_20 = arith.constant 0 : index
    %get3A_21 = arith.constant 0 : index
    %get3A_22 = vector.load %arg6[%get3A_20, %get3A_21] : memref<80x1xf32, #tpu.memory_space<vmem>>, vector<80x1xf32>
    %add3A_23 = vector.broadcast %get3A_22 : vector<80x1xf32> to vector<80x3200xf32>
    %add3A_24 = arith.addf %dot_general3A_19, %add3A_23 : vector<80x3200xf32>
    %slice3A = vector.extract_strided_slice %add3A_24 {offsets = [0, 0], sizes = [64, 3200], strides = [1, 1]} : vector<80x3200xf32> to vector<64x3200xf32>
    %slice3A_25 = vector.extract_strided_slice %add3A_24 {offsets = [64, 0], sizes = [16, 3200], strides = [1, 1]} : vector<80x3200xf32> to vector<16x3200xf32>
    %get3A_26 = arith.constant 1 : index
    %get3A_27 = arith.constant 0 : index
    %get3A_28 = vector.load %arg2[%get3A_26, %get3A_27] : memref<4x3200xf32, #tpu.memory_space<vmem>>, vector<1x3200xf32>
    %mul3A = vector.broadcast %get3A_28 : vector<1x3200xf32> to vector<16x3200xf32>
    %mul3A_29 = arith.mulf %slice3A_25, %mul3A : vector<16x3200xf32>
    %get3A_30 = arith.constant 2 : index
    %get3A_31 = arith.constant 0 : index
    %get3A_32 = vector.load %arg2[%get3A_30, %get3A_31] : memref<4x3200xf32, #tpu.memory_space<vmem>>, vector<1x3200xf32>
    %mul3A_33 = vector.broadcast %get3A_32 : vector<1x3200xf32> to vector<16x3200xf32>
    %mul3A_34 = arith.mulf %slice3A_25, %mul3A_33 : vector<16x3200xf32>
    %get3A_35 = arith.constant 3 : index
    %get3A_36 = arith.constant 0 : index
    %get3A_37 = vector.load %arg2[%get3A_35, %get3A_36] : memref<4x3200xf32, #tpu.memory_space<vmem>>, vector<1x3200xf32>
    %mul3A_38 = vector.broadcast %get3A_37 : vector<1x3200xf32> to vector<16x3200xf32>
    %mul3A_39 = arith.mulf %slice3A_25, %mul3A_38 : vector<16x3200xf32>
    %broadcast_in_dim3A = arith.constant 0.000000e+00 : f32
    %broadcast_in_dim3A_40 = vector.broadcast %broadcast_in_dim3A : f32 to vector<16x3200xf32>
    %concatenate3A = tpu.concatenate %slice3A, %mul3A_29, %mul3A_34, %mul3A_39, %broadcast_in_dim3A_40 in 0 : vector<64x3200xf32>, vector<16x3200xf32>, vector<16x3200xf32>, vector<16x3200xf32>, vector<16x3200xf32> -> vector<128x3200xf32>
    %transpose3A = tpu.transpose %concatenate3A, [1, 0] : vector<128x3200xf32> -> vector<3200x128xf32>
    %swap3A = arith.constant 0 : index
    %swap3A_41 = arith.constant 0 : index
    %swap3A_42 = vector.load %arg7[%swap3A, %swap3A_41] : memref<3200x128xf32, #tpu.memory_space<vmem>>, vector<3200x128xf32>
    tpu.vector_store %arg7[%swap3A, %swap3A_41], %transpose3A {strides = array<i32>} : memref<3200x128xf32, #tpu.memory_space<vmem>>, vector<3200x128xf32>,
    return
  }
  func.func @transform_0(%arg0: i32) -> (i32, i32) {
    %add3A = arith.constant 0 : i32
    %add3A_0 = arith.addi %arg0, %add3A : i32
    %c0_i32 = arith.constant 0 : i32
    %c0_i32_1 = arith.constant 0 : i32
    return %c0_i32, %add3A_0 : i32, i32
  }
  func.func @transform_1(%arg0: i32) -> (i32, i32) {
    %add3A = arith.constant 0 : i32
    %add3A_0 = arith.addi %arg0, %add3A : i32
    %c0_i32 = arith.constant 0 : i32
    %c0_i32_1 = arith.constant 0 : i32
    return %c0_i32, %add3A_0 : i32, i32
  }
  func.func @transform_2(%arg0: i32) -> (i32, i32) {
    %c0_i32 = arith.constant 0 : i32
    %c0_i32_0 = arith.constant 0 : i32
    %c0_i32_1 = arith.constant 0 : i32
    return %c0_i32, %c0_i32_0 : i32, i32
  }
  func.func @transform_3(%arg0: i32) -> (i32, i32) {
    %c0_i32 = arith.constant 0 : i32
    %c0_i32_0 = arith.constant 0 : i32
    %c0_i32_1 = arith.constant 0 : i32
    return %c0_i32, %c0_i32_0 : i32, i32
  }
  func.func @transform_4(%arg0: i32) -> (i32, i32) {
    %c0_i32 = arith.constant 0 : i32
    %c0_i32_0 = arith.constant 0 : i32
    %c0_i32_1 = arith.constant 0 : i32
    return %c0_i32, %c0_i32_0 : i32, i32
  }
  func.func @transform_5(%arg0: i32) -> (i32, i32) {
    %c0_i32 = arith.constant 0 : i32
    %c0_i32_0 = arith.constant 0 : i32
    %c0_i32_1 = arith.constant 0 : i32
    return %c0_i32, %c0_i32_0 : i32, i32
  }
  func.func @transform_6(%arg0: i32) -> (i32, i32) {
    %c0_i32 = arith.constant 0 : i32
    %c0_i32_0 = arith.constant 0 : i32
    return %arg0, %c0_i32 : i32, i32
  }
}

module attributes {stable_mosaic.version = 14 : i64} {
  func.func @_combine_body(%arg0: i32, %arg1: memref<2x1000x128xf32, #tpu.memory_space<vmem>>, %arg2: memref<2x1000x128xf32, #tpu.memory_space<vmem>>, %arg3: memref<1000x112xf32, #tpu.memory_space<vmem>>) attributes {dimension_semantics = [#tpu.dimension_semantics<arbitrary>], iteration_bounds = array<i64: 10>, scalar_prefetch = 0 : i64, scratch_operands = 0 : i64, tpu.core_type = #tpu.core_type<tc>, window_params = [{transform_indices = @transform_0, window_bounds = array<i64: 2, 1000, 128>}, {transform_indices = @transform_1, window_bounds = array<i64: 2, 1000, 128>}, {transform_indices = @transform_2, window_bounds = array<i64: 1000, 112>}]} {
    %get3A = arith.constant 0 : index
    %get3A_0 = arith.constant 0 : index
    %get3A_1 = arith.constant 0 : index
    %get3A_2 = vector.load %arg1[%get3A, %get3A_0, %get3A_1] : memref<2x1000x128xf32, #tpu.memory_space<vmem>>, vector<1x1000x128xf32>
    %get3A_3 = vector.shape_cast %get3A_2 : vector<1x1000x128xf32> to vector<1000x128xf32>
    %get3A_4 = arith.constant 1 : index
    %get3A_5 = arith.constant 0 : index
    %get3A_6 = arith.constant 0 : index
    %get3A_7 = vector.load %arg1[%get3A_4, %get3A_5, %get3A_6] : memref<2x1000x128xf32, #tpu.memory_space<vmem>>, vector<1x1000x128xf32>
    %get3A_8 = vector.shape_cast %get3A_7 : vector<1x1000x128xf32> to vector<1000x128xf32>
    %add3A = arith.addf %get3A_3, %get3A_8 : vector<1000x128xf32>
    %get3A_9 = arith.constant 0 : index
    %get3A_10 = arith.constant 0 : index
    %get3A_11 = arith.constant 0 : index
    %get3A_12 = vector.load %arg2[%get3A_9, %get3A_10, %get3A_11] : memref<2x1000x128xf32, #tpu.memory_space<vmem>>, vector<1x1000x128xf32>
    %get3A_13 = vector.shape_cast %get3A_12 : vector<1x1000x128xf32> to vector<1000x128xf32>
    %add3A_14 = arith.addf %add3A, %get3A_13 : vector<1000x128xf32>
    %get3A_15 = arith.constant 1 : index
    %get3A_16 = arith.constant 0 : index
    %get3A_17 = arith.constant 0 : index
    %get3A_18 = vector.load %arg2[%get3A_15, %get3A_16, %get3A_17] : memref<2x1000x128xf32, #tpu.memory_space<vmem>>, vector<1x1000x128xf32>
    %get3A_19 = vector.shape_cast %get3A_18 : vector<1x1000x128xf32> to vector<1000x128xf32>
    %add3A_20 = arith.addf %add3A_14, %get3A_19 : vector<1000x128xf32>
    %slice3A = vector.extract_strided_slice %add3A_20 {offsets = [0, 112], sizes = [1000, 1], strides = [1, 1]} : vector<1000x128xf32> to vector<1000x1xf32>
    %max3A = arith.constant 1.000000e+00 : f32
    %max3A_21 = vector.broadcast %max3A : f32 to vector<1000x1xf32>
    %max3A_22 = arith.maximumf %slice3A, %max3A_21 : vector<1000x1xf32>
    %slice3A_23 = vector.extract_strided_slice %add3A_20 {offsets = [0, 0], sizes = [1000, 64], strides = [1, 1]} : vector<1000x128xf32> to vector<1000x64xf32>
    %div3A = vector.broadcast %max3A_22 : vector<1000x1xf32> to vector<1000x64xf32>
    %div3A_24 = arith.divf %slice3A_23, %div3A : vector<1000x64xf32>
    %slice3A_25 = vector.extract_strided_slice %add3A_20 {offsets = [0, 64], sizes = [1000, 48], strides = [1, 1]} : vector<1000x128xf32> to vector<1000x48xf32>
    %div3A_26 = vector.broadcast %max3A_22 : vector<1000x1xf32> to vector<1000x48xf32>
    %div3A_27 = arith.divf %slice3A_25, %div3A_26 : vector<1000x48xf32>
    %iota3A = tpu.iota {dimensions = array<i32: 0>} : vector<48x48xi32>
    %iota3A_28 = tpu.iota {dimensions = array<i32: 1>} : vector<48x48xi32>
    %jit3A = arith.constant 3 : i32
    %eq3A = arith.constant 0 : i32
    %eq3A_29 = arith.cmpi eq, %jit3A, %eq3A : i32
    %jit3A_30 = arith.constant 1 : i32
    %select_n3A = arith.select %eq3A_29, %jit3A_30, %jit3A : i32
    %rem3A = vector.broadcast %select_n3A : i32 to vector<48x48xi32>
    %rem3A_31 = arith.remsi %iota3A_28, %rem3A : vector<48x48xi32>
    %ne3A = arith.constant 0 : i32
    %ne3A_32 = vector.broadcast %ne3A : i32 to vector<48x48xi32>
    %ne3A_33 = arith.cmpi ne, %rem3A_31, %ne3A_32 : vector<48x48xi32>
    %lt3A = arith.constant 0 : i32
    %lt3A_34 = vector.broadcast %lt3A : i32 to vector<48x48xi32>
    %lt3A_35 = arith.cmpi slt, %rem3A_31, %lt3A_34 : vector<48x48xi32>
    %lt3A_36 = arith.constant 0 : i32
    %lt3A_37 = arith.cmpi slt, %select_n3A, %lt3A_36 : i32
    %ne3A_38 = vector.broadcast %lt3A_37 : i1 to vector<48x48xi1>
    %ne3A_39 = vector.broadcast %ne3A_38 : vector<48x48xi1> to vector<48x48xi1>
    %ne3A_40 = arith.xori %lt3A_35, %ne3A_39 : vector<48x48xi1>
    %and3A = arith.andi %ne3A_40, %ne3A_33 : vector<48x48xi1>
    %add3A_41 = vector.broadcast %select_n3A : i32 to vector<48x48xi32>
    %add3A_42 = arith.addi %rem3A_31, %add3A_41 : vector<48x48xi32>
    %select_n3A_43 = arith.select %and3A, %add3A_42, %rem3A_31 : vector<48x48xi1>, vector<48x48xi32>
    %mul3A = arith.constant 16 : i32
    %mul3A_44 = vector.broadcast %mul3A : i32 to vector<48x48xi32>
    %mul3A_45 = arith.muli %select_n3A_43, %mul3A_44 : vector<48x48xi32>
    %jit3A_46 = arith.constant 3 : i32
    %div3A_47 = vector.broadcast %jit3A_46 : i32 to vector<48x48xi32>
    %div3A_48 = arith.divsi %iota3A_28, %div3A_47 : vector<48x48xi32>
    %sign3A = arith.constant 0 : i32
    %sign3A_49 = vector.broadcast %sign3A : i32 to vector<48x48xi32>
    %sign3A_50 = arith.cmpi sgt, %iota3A_28, %sign3A_49 : vector<48x48xi32>
    %sign3A_51 = arith.extui %sign3A_50 : vector<48x48xi1> to vector<48x48xi32>
    %sign3A_52 = arith.constant 0 : i32
    %sign3A_53 = vector.broadcast %sign3A_52 : i32 to vector<48x48xi32>
    %sign3A_54 = arith.cmpi slt, %iota3A_28, %sign3A_53 : vector<48x48xi32>
    %sign3A_55 = arith.extui %sign3A_54 : vector<48x48xi1> to vector<48x48xi32>
    %sign3A_56 = arith.subi %sign3A_51, %sign3A_55 : vector<48x48xi32>
    %sign3A_57 = arith.constant 0 : i32
    %sign3A_58 = arith.cmpi sgt, %jit3A_46, %sign3A_57 : i32
    %sign3A_59 = arith.extui %sign3A_58 : i1 to i32
    %sign3A_60 = arith.constant 0 : i32
    %sign3A_61 = arith.cmpi slt, %jit3A_46, %sign3A_60 : i32
    %sign3A_62 = arith.extui %sign3A_61 : i1 to i32
    %sign3A_63 = arith.subi %sign3A_59, %sign3A_62 : i32
    %ne3A_64 = vector.broadcast %sign3A_63 : i32 to vector<48x48xi32>
    %ne3A_65 = arith.cmpi ne, %sign3A_56, %ne3A_64 : vector<48x48xi32>
    %rem3A_66 = vector.broadcast %jit3A_46 : i32 to vector<48x48xi32>
    %rem3A_67 = arith.remsi %iota3A_28, %rem3A_66 : vector<48x48xi32>
    %ne3A_68 = arith.constant 0 : i32
    %ne3A_69 = vector.broadcast %ne3A_68 : i32 to vector<48x48xi32>
    %ne3A_70 = arith.cmpi ne, %rem3A_67, %ne3A_69 : vector<48x48xi32>
    %and3A_71 = arith.andi %ne3A_65, %ne3A_70 : vector<48x48xi1>
    %sub3A = arith.constant 1 : i32
    %sub3A_72 = vector.broadcast %sub3A : i32 to vector<48x48xi32>
    %sub3A_73 = arith.subi %div3A_48, %sub3A_72 : vector<48x48xi32>
    %select_n3A_74 = arith.select %and3A_71, %sub3A_73, %div3A_48 : vector<48x48xi1>, vector<48x48xi32>
    %add3A_75 = arith.addi %mul3A_45, %select_n3A_74 : vector<48x48xi32>
    %eq3A_76 = arith.cmpi eq, %add3A_75, %iota3A : vector<48x48xi32>
    %convert_element_type3A = arith.extui %eq3A_76 : vector<48x48xi1> to vector<48x48xi32>
    %convert_element_type3A_77 = arith.sitofp %convert_element_type3A : vector<48x48xi32> to vector<48x48xf32>
    %dot_general3A = arith.constant dense<0.000000e+00> : vector<1000x48xf32>
    %dot_general3A_78 = tpu.matmul %div3A_27, %convert_element_type3A_77, %dot_general3A {dimension_numbers = #tpu.dot_dimension_numbers<[1], [0], [0], [1], [0, 0, 1, 1], [], []>, transpose_lhs_hint = false} : vector<1000x48xf32>, vector<48x48xf32>, vector<1000x48xf32> -> vector<1000x48xf32>
    %concatenate3A = tpu.concatenate %div3A_24, %dot_general3A_78 in 1 : vector<1000x64xf32>, vector<1000x48xf32> -> vector<1000x112xf32>
    %swap3A = arith.constant 0 : index
    %swap3A_79 = arith.constant 0 : index
    %swap3A_80 = vector.load %arg3[%swap3A, %swap3A_79] : memref<1000x112xf32, #tpu.memory_space<vmem>>, vector<1000x112xf32>
    tpu.vector_store %arg3[%swap3A, %swap3A_79], %concatenate3A {strides = array<i32>} : memref<1000x112xf32, #tpu.memory_space<vmem>>, vector<1000x112xf32>,
    return
  }
  func.func @transform_0(%arg0: i32) -> (i32, i32, i32) {
    %c0_i32 = arith.constant 0 : i32
    %c0_i32_0 = arith.constant 0 : i32
    %c0_i32_1 = arith.constant 0 : i32
    return %c0_i32, %arg0, %c0_i32_0 : i32, i32, i32
  }
  func.func @transform_1(%arg0: i32) -> (i32, i32, i32) {
    %c0_i32 = arith.constant 0 : i32
    %c0_i32_0 = arith.constant 0 : i32
    %c0_i32_1 = arith.constant 0 : i32
    return %c0_i32, %arg0, %c0_i32_0 : i32, i32, i32
  }
  func.func @transform_2(%arg0: i32) -> (i32, i32) {
    %c0_i32 = arith.constant 0 : i32
    %c0_i32_0 = arith.constant 0 : i32
    return %arg0, %c0_i32 : i32, i32
  }
}

</mosaic_0001>

<sc_bundles>
// kernel: kernel.10.cloned.1.call-start
scs
__scs_entry_jumppad:
0x0: {  	(pc) =	sbr.rel $0x88, $3  }
0x1: {  	(tag) =	ssettag $0x0;
	lr =	simm.s32 $0x1  }
0x2: {  	[smem:$0x3F99] =	sst lr;
	_ =	strace $0xD0000000  }
0x3: {  	_ = 	snop  }
0x4: {  	_ = 	snop  }
0x5: {  	_ = 	snop  }
0x6: {  	_ = 	snop  }
0x7: {  	_ = 	snop  }
__scs_overlays_trampoline_lowered:
0x8: {  	[smem:$0x3FA8] =	sst s0  }
0x9: {  	[smem:$0x3FA9] =	sst s1  }
0xa: {  	[smem:$0x3FAA] =	sst s2  }
0xb: {  	[smem:$0x3FAB] =	sst s3  }
0xc: {  	[smem:$0x3FAC] =	sst s4  }
0xd: {  	[smem:$0x3FAD] =	sst s5  }
0xe: {  	[smem:$0x3FAE] =	sst s6  }
0xf: {  	[smem:$0x3FAF] =	sst s7  }
0x10: {  	[smem:$0x3FB0] =	sst s8  }
0x11: {  	[smem:$0x3FB1] =	sst s9;
	s0 =	simm.s32 @!p0 $0x0  }
0x12: {  	s1 =	sld [smem:$0x3F97];
	s0 =	simm.s32 @p0 $0x1  }
0x13: {  	[smem:$0x3FB2] =	sst s0;
	s0 =	simm.s32 @!p1 $0x0  }
0x14: {  	s2 =	sld [smem:$0x3F96];
	s0 =	simm.s32 @p1 $0x1  }
0x15: {  	[smem:$0x3FB3] =	sst s0;
	s0 =	simm.s32 @!p2 $0x0  }
0x16: {  	s3 =	sld [smem:$0x3FDB];
	s0 =	simm.s32 @p2 $0x1  }
0x17: {  	s4 =	simm.s32 $0x1BF5;
	[smem:$0x3FB5] =	sst s0  }
0x18: {  	s0 =	sld [smem:$0x3F98];
	_ =	swait.ge [sflag:s4], $0x0  }
0x19: {  	s7 =	sld [smem:$0x3F99]  }
0x1a: {  	s8 =	sadd.s32 $0xFFFFE003, lr  }
0x1b: {  	s9 =	sadd.s32 $0xFFFFFEF7, lr;
	s5 =	simm.s32 $0xFFFFFFFF;
	p2 =	slt.u32 s8, $0xFFFFF086  }
0x1c: {  	p1 =	slt.u32 s9, $0xF7A;
	s5 =	simm.s32 @!p2 $0x0  }
0x1d: {  	s5 =	simm.s32 @p1 $0x1;
	p0 =	seq.s32 s7, s2  }
0x1e: {  	s7 =	smul.u32 @!p0 $0xF7A, s2;
	p2 =	seq.s32 @!p0 s5, $0x0  }
0x1f: {  	s9 =	smul.u32 $0xF7A, s1;
	s8 =	simm.s32 @!p0 $0x1BF5;
	p2 =	por !p2, p0  }
0x20: {  	[sflag:s8] =	ssyncset.s32 @!p0 $0xFFFFF086;
	s6 =	sadd.s32 @!p0 s3, s7;
	s7 =	simm.s32 @!p0 $0x108  }
0x21: {  	s3 =	sadd.s32 s3, s9;
	s6 =	sadd.s32 @!p0 $0x88, s6;
	s7 =	simm.s32 @p2 $0x1082  }
0x22: {  	[simem:s7], [sflag:s8] =	dma.local @!p0 [hbm:s6], $0xF7A  }
0x23: {  	s9 =	sor.u32 $0xD0000000, s2;
	s6 =	simm.s32 $0x108;
	_ =	swait.ge @!p0 [sflag:s8], $0x0  }
0x24: {  	s3 =	sadd.s32 $0x88, s3;
	s6 =	simm.s32 @!p1 $0x1082;
	[sflag:s4] =	ssyncset.s32 $0xFFFFF086  }
0x25: {  	[simem:s6], [sflag:s4] =	dma.local [hbm:s3], $0xF7A  }
0x26: {  	[smem:$0x3F99] =	sst s1;
	(tag) =	ssettag s2;
	_ =	strace s9  }
0x27: {  	s1 =	sld [smem:$0x3FA9]  }
0x28: {  	s2 =	sld [smem:$0x3FAA]  }
0x29: {  	s4 =	sld [smem:$0x3FAC]  }
0x2a: {  	p0 =	seq.s32 s5, $0x0;
	s5 =	sld [smem:$0x3FAD]  }
0x2b: {  	s6 =	sld [smem:$0x3FAE]  }
0x2c: {  	s7 =	sld [smem:$0x3FAF]  }
0x2d: {  	s3 =	simm.s32 $0x108;
	s8 =	sld [smem:$0x3FB0]  }
0x2e: {  	s3 =	simm.s32 @!p0 $0x1082;
	s9 =	sld [smem:$0x3FB1]  }
0x2f: {  	lr =	sadd.s32 s0, s3;
	s0 =	sld [smem:$0x3FA8]  }
0x30: {  	s3 =	sld [smem:$0x3FAB]  }
0x31: {  	[smem:$0x3FB4] =	sst s10  }
0x32: {  	s10 =	sld [smem:$0x3FB2];
	_ =	sdelay $0x3  }
0x33: {  	p0 =	seq.s32 s10, $0x1;
	s10 =	sld [smem:$0x3FB4];
	_ =	sdelay $0x3  }
0x34: {  	[smem:$0x3FB4] =	sst s10  }
0x35: {  	s10 =	sld [smem:$0x3FB3];
	_ =	sdelay $0x3  }
0x36: {  	p1 =	seq.s32 s10, $0x1;
	s10 =	sld [smem:$0x3FB4];
	_ =	sdelay $0x3  }
0x37: {  	[smem:$0x3FB4] =	sst s10  }
0x38: {  	s10 =	sld [smem:$0x3FB5]  }
0x39: {  	_ = 	snop;
	(pc) =	sbr.ind lr, $3  }
0x3a: {  	_ = 	snop  }
0x3b: {  	_ = 	snop  }
0x3c: {  	p2 =	seq.s32 s10, $0x1;
	s10 =	sld [smem:$0x3FB4]  }
0x3d: {  	_ =	shalt  }
0x3e: {  	_ =	shalt  }
0x3f: {  	_ =	shalt  }
0x40: {  	_ =	shalt  }
0x41: {  	_ =	shalt  }
0x42: {  	_ =	shalt  }
0x43: {  	_ =	shalt  }
0x44: {  	_ =	shalt  }
0x45: {  	_ =	shalt  }
0x46: {  	_ =	shalt  }
0x47: {  	_ =	shalt  }
0x48: {  	_ =	shalt  }
0x49: {  	_ =	shalt  }
0x4a: {  	_ =	shalt  }
0x4b: {  	_ =	shalt  }
0x4c: {  	_ =	shalt  }
0x4d: {  	_ =	shalt  }
0x4e: {  	_ =	shalt  }
0x4f: {  	_ =	shalt  }
0x50: {  	_ =	shalt  }
0x51: {  	_ =	shalt  }
0x52: {  	_ =	shalt  }
0x53: {  	_ =	shalt  }
0x54: {  	_ =	shalt  }
0x55: {  	_ =	shalt  }
0x56: {  	_ =	shalt  }
0x57: {  	_ =	shalt  }
0x58: {  	_ =	shalt  }
0x59: {  	_ =	shalt  }
0x5a: {  	_ =	shalt  }
0x5b: {  	_ =	shalt  }
0x5c: {  	_ =	shalt  }
0x5d: {  	_ =	shalt  }
0x5e: {  	_ =	shalt  }
0x5f: {  	_ =	shalt  }
0x60: {  	_ =	shalt  }
0x61: {  	_ =	shalt  }
0x62: {  	_ =	shalt  }
0x63: {  	_ =	shalt  }
0x64: {  	_ =	shalt  }
0x65: {  	_ =	shalt  }
0x66: {  	_ =	shalt  }
0x67: {  	_ =	shalt  }
0x68: {  	_ =	shalt  }
0x69: {  	_ =	shalt  }
0x6a: {  	_ =	shalt  }
0x6b: {  	_ =	shalt  }
0x6c: {  	_ =	shalt  }
0x6d: {  	_ =	shalt  }
0x6e: {  	_ =	shalt  }
0x6f: {  	_ =	shalt  }
0x70: {  	_ =	shalt  }
0x71: {  	_ =	shalt  }
0x72: {  	_ =	shalt  }
0x73: {  	_ =	shalt  }
0x74: {  	_ =	shalt  }
0x75: {  	_ =	shalt  }
0x76: {  	_ =	shalt  }
0x77: {  	_ =	shalt  }
0x78: {  	_ =	shalt  }
0x79: {  	_ =	shalt  }
0x7a: {  	_ =	shalt  }
0x7b: {  	_ =	shalt  }
0x7c: {  	_ =	shalt  }
0x7d: {  	_ =	shalt  }
0x7e: {  	_ =	shalt  }
0x7f: {  	_ =	shalt  }
0x80: {  	_ =	shalt  }
0x81: {  	_ =	shalt  }
0x82: {  	_ =	shalt  }
0x83: {  	_ =	shalt  }
0x84: {  	_ =	shalt  }
0x85: {  	_ =	shalt  }
0x86: {  	_ =	shalt  }
0x87: {  	_ =	shalt  }
.Lfunc_end0:
.L_simem_size_0:
called_computation.1_lowered:
.L_overlay_start_0:
0x88: {  	s2 =	sld [smem:$0x3FD9]  }
0x89: {  	s3 =	sld [smem:$0x3FFE];
	_ =	sdelay $0x1  }
0x8a: {  	s1 =	srdreg.scid  }
0x8b: {  	s0 =	sand.u32 $0x1, s1  }
0x8c: {  	s17 =	sshll.u32 s0, $0xA;
	s2 =	sadd.s32 s3, s2  }
0x8d: {  	s2 =	sadd.s32 s2, s17  }
0x8e: {  	[smem:$0x3FC0] =	sst s2  }
0x8f: {  	_ = 	snop  }
0x90: {  	s2 =	sld [smem:$0x3FD0];
	(tm) =	ssettm $0x1  }
0x91: {  	s18 =	sld [smem:$0x3FFB];
	_ =	sdelay $0x3  }
0x92: {  	_ =	strace s18  }
0x93: {  	s3 =	sld [smem:$0x3FFC];
	_ =	sdelay $0x3  }
0x94: {  	_ =	strace s3  }
0x95: {  	s3 =	sld [smem:$0x3FFD];
	_ =	sdelay $0x3  }
0x96: {  	_ =	strace s3  }
0x97: {  	_ =	strace $0x8FFFFFFF  }
0x98: {  	s19 =	sld [smem:$0x3FDB];
	_ =	sdelay $0x1  }
0x99: {  	s4 =	simm.s32 $_scs_section_size  }
0x9a: {  	s5 =	simm.s32 $_size__tile_overlayer_lowered;
	s6 =	simm.s32 $_tile_overlayer_lowered  }
0x9b: {  	s22 =	simm.s32 $0x1BFF;
	s21 =	sshll.u32 s6, $0x1;
	s3 =	sadd.s32 s4, s19  }
0x9c: {  	s7 =	simm.s32 $0x0;
	s20 =	sshll.u32 s5, $0x1;
	s5 =	sadd.s32 s21, s3  }
0x9d: {  	[timem:s7], [sflag:s22] =	dma.local [hbm:s5], s20  }
0x9e: {  	_ =	swait.ge [sflag:s22], s20  }
0x9f: {  	s4 =	ssub.s32 $0x0, s20;
	[sflag:s22] =	ssyncset.done $0x0  }
0xa0: {  	[sflag:s22] =	ssyncadd.s32 s4;
	_ =	sdelay $0x1  }
0xa1: {  	s23 =	simm.s32 $0x1B8B  }
0xa2: {  	_ =	swait.ge [sflag:s23], $0x1  }
0xa3: {  	[sflag:s23] =	ssyncset.done $0x0  }
0xa4: {  	s25 =	simm.s32 $0x1B8E;
	s24 =	sld [smem:$0x3FFE];
	[sflag:s23] =	ssyncadd.s32 $0xFFFFFFFF  }
0xa5: {  	s26 =	simm.s32 $execute0_lowered;
	[smem:$0x3FD2] =	sst s25  }
0xa6: {  	s5 =	sshll.u32 s26, $0x1;
	_ =	strace $0x80000046;
	[dreg:$0x1] =	wrdreg $0xFFFFFFFF  }
0xa7: {  	s28 =	simm.s32 $_size_execute0_lowered;
	s3 =	sadd.s32 s3, s5;
	[dreg:$0x0] =	wrdreg $0x0  }
0xa8: {  	s5 =	sshll.u32 s28, $0x1;
	[dreg:$0x2] =	wrdreg s3  }
0xa9: {  	[dreg:$0x3] =	wrdreg s5  }
0xaa: {  	[dreg:$0x4] =	wrdreg $0xC0  }
0xab: {  	_ =	task [dreg:s7], $0x5FFFF  }
0xac: {  	[dreg:$0x1] =	wrdreg $0xFFFFFFFF  }
0xad: {  	[dreg:$0x0] =	wrdreg $0x60  }
0xae: {  	[dreg:$0x2] =	wrdreg s24  }
0xaf: {  	[dreg:$0x3] =	wrdreg s2  }
0xb0: {  	[dreg:$0x4] =	wrdreg $0xC3000  }
0xb1: {  	[dreg:$0x5] =	wrdreg $0xA  }
0xb2: {  	_ =	task.clear_ibuf [dreg:s7], $0x6FFFF;
	_ =	strace $0x90000046  }
0xb3: {  	s29 =	simm.s32 $0xA;
	_ =	strace $0x80000048  }
0xb4: {  	_ =	swait.ge [sflag:s29], $0x1  }
0xb5: {  	[sflag:s29] =	ssyncadd.s32 $0xFFFFFFFF  }
0xb6: {  	_ =	strace $0x90000048  }
0xb7: {  	_ =	sfence  }
0xb8: {  	s30 =	sld [smem:$0x0];
	_ =	sdelay $0x2  }
0xb9: {  	s31 =	sshll.u32 s1, $0xD;
	s1 =	sshrl.u32 s1, $0x2  }
0xba: {  	s3 =	sand.u32 $0x4000, s31;
	s1 =	sadd.s32 s1, s30  }
0xbb: {  	s0 =	sor.u32 s3, s0;
	s1 =	sshll.u32 s1, $0x11  }
0xbc: {  	s0 =	sor.u32 s1, s0  }
0xbd: {  	s0 =	sadd.s32 $0x8F2B, s0  }
0xbe: {  	[sflag:s0] =	ssyncadd.remote.s32 $0x1  }
0xbf: {  	_ =	sfence.sel $0xFFFF  }
0xc0: {  	[dreg:$0x0] =	wrdreg $0xFFFFFFFF;
	(pc) =	sbr.abs _section_cstart, $3  }
0xc1: {  	[dreg:$0x1] =	wrdreg $0xFFFFFFFF  }
0xc2: {  	_ =	task.clear_ibuf [dreg:s7], $0x2FFFF;
	_ =	strace $0x9FFFFFFF  }
0xc3: {  	(tm) =	ssettm $0x7FFFFFFF  }
tec
execute0_lowered:
.L_overlay_start_1:
0x0: {  	(tag) =	ssettag $0x1  }
0x1: {  	s0 =	rddreg [dreg:$0x0]  }
0x2: {  	s1 =	rddreg [dreg:$0x1]  }
0x3: {  	s2 =	rddreg [dreg:$0x2];
	s3 =	srdreg.scid;
	s4 =	simm.s32 $0x0  }
0x4: {  	s11 =	stileid.u32;
	s28 =	simm.s32 $0x9;
	s29 =	simm.s32 $0x6  }
0x5: {  	s30 =	simm.s32 $0x4;
	s31 =	simm.s32 $0x180;
	s3 =	sand.u32 $0x1, s3  }
0x6: {  	[smem:$0x7FF] =	sst s4;
	s9 =	smul.u32 $0x13C00, s11;
	s5 =	sadd.s32 $0x5600, s0  }
0x7: {  	s6 =	sadd.s32 $0x600, s0;
	s7 =	sadd.s32 $0x2C800, s0;
	s10 =	smul.u32 $0x4F000, s11  }
0x8: {  	s8 =	smul.u32 $0x13C000, s3;
	s17 =	sshll.u32 s3, $0x4;
	s3 =	ssub.s32 $0x2, s3  }
0x9: {  	_ =	strace $0x80000047;
	s11 =	sor.u32 s11, s17;
	s18 =	sshrl.u32 s3, $0x1  }
0xa: {  	s19 =	sshrl.u32 s10, $0x2;
	s8 =	sadd.s32 s9, s8;
	s13 =	smul.u32 $0xA28, s11  }
0xb: {  	s3 =	ssub.s32 s3, s18;
	s22 =	sadd.s32 s19, s2;
	s20 =	smul.u32 $0x51400, s11  }
0xc: {  	s11 =	smul.u32 $0xA280, s11;
	s8 =	sshrl.u32 s8, $0x3;
	s21 =	sadd.s32 $0x2000, s22  }
0xd: {  	s23 =	sadd.s32 $0x4000, s22;
	s14 =	smax.u32 s3, $0x1;
	[dreg:$0x4] =	wrdreg s22  }
0xe: {  	s15 =	sadd.s32 $0x6000, s22;
	s16 =	sadd.s32 $0x8000, s22;
	[dreg:$0x5] =	wrdreg s21  }
0xf: {  	s0 =	sadd.s32 s8, s0;
	s9 =	sadd.s32 $0x12C00, s13;
	[dreg:$0x6] =	wrdreg s23  }
0x10: {  	s12 =	sadd.s32 $0x12C40, s13;
	s8 =	sshrl.u32 s20, $0x3;
	[dreg:$0xf] =	wrdreg s14  }
0x11: {  	s11 =	sadd.s32 s7, s11;
	s17 =	sadd.s32 $0x12C80, s13;
	[dreg:$0x10] =	wrdreg s15  }
0x12: {  	s18 =	sadd.s32 $0x80, s13;
	s19 =	sadd.s32 $0x12CC0, s13;
	[dreg:$0x11] =	wrdreg s16  }
0x13: {  	s20 =	sadd.s32 $0xC0, s13;
	s21 =	sadd.s32 $0xA000, s22;
	[dreg:$0x8] =	wrdreg s11  }
0x14: {  	s23 =	sadd.s32 $0xC000, s22;
	s14 =	simm.s32 $0x80;
	[dreg:$0x12] =	wrdreg s21  }
0x15: {  	s24 =	sshrl.u32 s9, $0x3;
	s0 =	sadd.s32 $0x171800, s0;
	[dreg:$0x13] =	wrdreg s23  }
0x16: {  	s8 =	sadd.s32 s7, s8;
	s10 =	sadd.s32 s6, s24;
	[dreg:$0xe] =	wrdreg s0  }
0x17: {  	s25 =	sshrl.u32 s12, $0x3;
	s26 =	sadd.s32 $0x400, s8;
	[dreg:$0x7] =	wrdreg s10  }
0x18: {  	s11 =	sshrl.u32 s13, $0x3;
	s8 =	sadd.s32 $0xA000, s8;
	[dreg:$0xa] =	wrdreg s26  }
0x19: {  	s21 =	simm.s32 $0x40;
	s24 =	sadd.s32 $0xE000, s22;
	[dreg:$0xd] =	wrdreg s8  }
0x1a: {  	s23 =	simm.s32 $0x2;
	s10 =	sadd.s32 s6, s25;
	[dreg:$0x14] =	wrdreg s24  }
0x1b: {  	s0 =	simm.s32 $0xA300;
	s25 =	sadd.s32 $0x10000, s22;
	[dreg:$0x9] =	wrdreg s10  }
0x1c: {  	s26 =	sadd.s32 $0x12000, s22;
	s24 =	simm.s32 $0x2300;
	[dreg:$0x15] =	wrdreg s25  }
0x1d: {  	s8 =	simm.s32 $0x0;
	s10 =	sadd.s32 $0x26C0, s11;
	[dreg:$0x16] =	wrdreg s26  }
0x1e: {  	s11 =	simm.s32 $0xA;
	s25 =	simm.s32 $0x5;
	s13 =	sadd.s32 s6, s10  }
0x1f: {  	v0 =	vimm.f32 $0.0e+00;
	vm0 =	vcmask $0x300;
	s26 =	simm.s32 $0x100;
	s10 =	sadd.s32 s1, s10;
	[dreg:$0xb] =	wrdreg s13  }
0x20: {  	v1 =	vsel vm0, $0x3F800000, v0;
	[dreg:$0xc] =	wrdreg s10;
	s10 =	simm.s32 $0x8300;
	s13 =	simm.s32 $0x3  }
.LBB2_1:
0x21: {  	[dreg:$0x17] =	wrdreg s8;
	s3 =	simm.s32 $0x0;
	s8 =	simm.s32 $0x0  }
.LBB2_2:
0x22: {  	p0 =	sne.s32 s8, $0x7FC0  }
.Ltmp0:
0x23: {  	_ = 	snop;
	(pc) =	sbr.rel @p0 .LBB2_2-.Ltmp0, $4  }
0x24: {  	s15 =	sand.u32 $0x7E00, s8  }
0x25: {  	s16 =	sand.u32 $0x70, s3;
	s15 =	sshrl.u32 s15, $0x2  }
0x26: {  	s15 =	sor.u32 s16, s15  }
0x27: {  	s3 =	sadd.s32 $0x10, s3;
	s8 =	sadd.s32 $0x40, s8;
	[tilespmem:s15+$0x8300] =	vst v0  }
0x28: {  	s3 =	simm.s32 $0x0  }
0x29: {  	s8 =	sand.u32 $0x7E00, s3  }
0x2a: {  	s15 =	sand.u32 $0x70, s3;
	s16 =	sshrl.u32 s8, $0x2  }
0x2b: {  	s8 =	simm.s32 $0x40;
	s15 =	sor.u32 s15, s16  }
.LBB2_4:
0x2c: {  	p0 =	sne.s32 s8, $0x7FC0  }
0x2d: {  	[tilespmem:s15+$0xA300] =	vst v0;
	s3 =	sadd.s32 $0x10, s3;
	s15 =	smov.u32 s8;
	s8 =	sadd.s32 $0x40, s8  }
.Ltmp1:
0x2e: {  	(pc) =	sbr.rel @p0 .LBB2_4-.Ltmp1, $4  }
0x2f: {  	_ = 	snop  }
0x30: {  	s15 =	sand.u32 $0x7E00, s15  }
0x31: {  	s16 =	sand.u32 $0x70, s3;
	s15 =	sshrl.u32 s15, $0x2  }
0x32: {  	s15 =	sor.u32 s16, s15  }
0x33: {  	[tilespmem:s15+$0xA300] =	vst v0  }
0x34: {  	[spmem:s22] =	stream.linear.scatter [tilespmem:s10], [sflag:$0xA], $0x2000, $0x38;
	[tilespmem:$0x1FF00] =	vst v63  }
0x35: {  	_ =	swait.ge [sflag:s11], $0x2000  }
0x36: {  	[sflag:s11] =	ssyncset.done $0x0  }
0x37: {  	s3 =	rddreg [dreg:$0x5];
	[sflag:s11] =	ssyncadd.s32 $0xFFFFE000  }
0x38: {  	[spmem:s3] =	stream.linear.scatter [tilespmem:s10], [sflag:$0xA], $0x2000, $0x38;
	[tilespmem:$0x1FF00] =	vst v63  }
0x39: {  	_ =	swait.ge [sflag:s11], $0x2000  }
0x3a: {  	[sflag:s11] =	ssyncset.done $0x0  }
0x3b: {  	s8 =	rddreg [dreg:$0x6];
	[sflag:s11] =	ssyncadd.s32 $0xFFFFE000  }
0x3c: {  	[spmem:s8] =	stream.linear.scatter [tilespmem:s10], [sflag:$0xA], $0x2000, $0x38;
	[tilespmem:$0x1FF00] =	vst v63  }
0x3d: {  	_ =	swait.ge [sflag:s11], $0x2000  }
0x3e: {  	[sflag:s11] =	ssyncset.done $0x0  }
0x3f: {  	s15 =	rddreg [dreg:$0x10];
	[sflag:s11] =	ssyncadd.s32 $0xFFFFE000  }
0x40: {  	[spmem:s15] =	stream.linear.scatter [tilespmem:s10], [sflag:$0xA], $0x2000, $0x38;
	[tilespmem:$0x1FF00] =	vst v63  }
0x41: {  	_ =	swait.ge [sflag:s11], $0x2000  }
0x42: {  	[sflag:s11] =	ssyncset.done $0x0  }
0x43: {  	s16 =	rddreg [dreg:$0x11];
	[sflag:s11] =	ssyncadd.s32 $0xFFFFE000  }
0x44: {  	[spmem:s16] =	stream.linear.scatter [tilespmem:s10], [sflag:$0xA], $0x2000, $0x38;
	[tilespmem:$0x1FF00] =	vst v63  }
0x45: {  	_ =	swait.ge [sflag:s11], $0x2000  }
0x46: {  	[sflag:s11] =	ssyncset.done $0x0  }
0x47: {  	s22 =	rddreg [dreg:$0x12];
	[sflag:s11] =	ssyncadd.s32 $0xFFFFE000  }
0x48: {  	[spmem:s22] =	stream.linear.scatter [tilespmem:s10], [sflag:$0xA], $0x2000, $0x38;
	[tilespmem:$0x1FF00] =	vst v63  }
0x49: {  	_ =	swait.ge [sflag:s11], $0x2000  }
0x4a: {  	[sflag:s11] =	ssyncset.done $0x0  }
0x4b: {  	s8 =	rddreg [dreg:$0x13];
	[sflag:s11] =	ssyncadd.s32 $0xFFFFE000  }
0x4c: {  	[spmem:s8] =	stream.linear.scatter [tilespmem:s10], [sflag:$0xA], $0x2000, $0x38;
	[tilespmem:$0x1FF00] =	vst v63  }
0x4d: {  	_ =	swait.ge [sflag:s11], $0x2000  }
0x4e: {  	[sflag:s11] =	ssyncset.done $0x0  }
0x4f: {  	s15 =	rddreg [dreg:$0x14];
	[sflag:s11] =	ssyncadd.s32 $0xFFFFE000  }
0x50: {  	[spmem:s15] =	stream.linear.scatter [tilespmem:s10], [sflag:$0xA], $0x2000, $0x38;
	[tilespmem:$0x1FF00] =	vst v63  }
0x51: {  	_ =	swait.ge [sflag:s11], $0x2000  }
0x52: {  	[sflag:s11] =	ssyncset.done $0x0  }
0x53: {  	s16 =	rddreg [dreg:$0x15];
	[sflag:s11] =	ssyncadd.s32 $0xFFFFE000  }
0x54: {  	[spmem:s16] =	stream.linear.scatter [tilespmem:s10], [sflag:$0xA], $0x2000, $0x38;
	[tilespmem:$0x1FF00] =	vst v63  }
0x55: {  	_ =	swait.ge [sflag:s11], $0x2000  }
0x56: {  	[sflag:s11] =	ssyncset.done $0x0  }
0x57: {  	s22 =	rddreg [dreg:$0x16];
	[sflag:s11] =	ssyncadd.s32 $0xFFFFE000  }
0x58: {  	[spmem:s22] =	stream.linear.scatter [tilespmem:s10], [sflag:$0xA], $0x1C00, $0x38;
	[tilespmem:$0x1FF00] =	vst v63  }
0x59: {  	_ =	swait.ge [sflag:s11], $0x1C00  }
0x5a: {  	[sflag:s11] =	ssyncset.done $0x0  }
0x5b: {  	s3 =	simm.s32 $0x200;
	s8 =	simm.s32 $0x0;
	[sflag:s11] =	ssyncadd.s32 $0xFFFFE400  }
.LBB2_6:
0x5c: {  	p0 =	sne.s32 s3, $0x7E00;
	[tilespmem:s8+$0x8370] =	vst v1;
	s8 =	smov.u32 s3;
	s3 =	sadd.s32 $0x200, s3  }
.Ltmp2:
0x5d: {  	(pc) =	sbr.rel @p0 .LBB2_6-.Ltmp2, $2  }
0x5e: {  	_ =	sdelay $0x2  }
0x5f: {  	s8 =	sshra.s32 s8, $0x2  }
0x60: {  	[tilespmem:s8+$0x8370] =	vst v1;
	s3 =	simm.s32 $0x200;
	s8 =	simm.s32 $0x0  }
.LBB2_8:
0x61: {  	p0 =	sne.s32 s3, $0x7E00;
	[tilespmem:s8+$0xA370] =	vst v1;
	s8 =	smov.u32 s3;
	s3 =	sadd.s32 $0x200, s3  }
.Ltmp3:
0x62: {  	(pc) =	sbr.rel @p0 .LBB2_8-.Ltmp3, $2  }
0x63: {  	_ =	sdelay $0x2  }
0x64: {  	s8 =	sshra.s32 s8, $0x2  }
0x65: {  	[tilespmem:s8+$0xA370] =	vst v1  }
0x66: {  	[bflag:$0x0] =	sbarrier.arrive $0xFFFF  }
0x67: {  	s22 =	simm.s32 $0x0;
	s3 =	rddreg [dreg:$0x7]  }
0x68: {  	[tilespmem:s22], [sflag:$0x1] =	stream.linear.gather [hbm4b:s3+s22], $0x40, $0x38;
	[tilespmem:$0x1FF00] =	vst v63  }
0x69: {  	s16 =	simm.s32 $0x4300;
	s15 =	rddreg [dreg:$0x8]  }
0x6a: {  	[tilespmem:s16], [sflag:$0x3] =	stream.linear.gather [hbm4b:s15+s22], $0x2000, $0x38;
	[tilespmem:$0x1FF00] =	vst v63  }
0x6b: {  	s8 =	rddreg [dreg:$0x9]  }
0x6c: {  	[tilespmem:s14], [sflag:$0x2] =	stream.linear.gather [hbm4b:s8+s22], $0x40, $0x38;
	[tilespmem:$0x1FF00] =	vst v63  }
0x6d: {  	s15 =	rddreg [dreg:$0xa];
	s16 =	simm.s32 $0x6300  }
0x6e: {  	[tilespmem:s16], [sflag:$0x4] =	stream.linear.gather [hbm4b:s15+s22], $0x2000, $0x38;
	[tilespmem:$0x1FF00] =	vst v63  }
0x6f: {  	s15 =	simm.s32 $0x1  }
0x70: {  	_ =	swait.ge [sflag:s15], $0x40  }
0x71: {  	[sflag:s15] =	ssyncset.done $0x0  }
0x72: {  	s16 =	simm.s32 $0x300;
	[sflag:s15] =	ssyncadd.s32 $0xFFFFFFC0  }
0x73: {  	[tilespmem:s16], [sflag:$0x5] =	stream.indirect.gather [hbm4b:s5+s21], $0x80, s22, s21, $0xb8;
	[tilespmem:$0x1FF00] =	vst v63  }
0x74: {  	_ =	swait.ge [sflag:s23], $0x40  }
0x75: {  	[sflag:s23] =	ssyncset.done $0x0  }
0x76: {  	[sflag:s23] =	ssyncadd.s32 $0xFFFFFFC0  }
0x77: {  	[tilespmem:s24], [sflag:$0x6] =	stream.indirect.gather [hbm4b:s5+s21], $0x80, s14, s21, $0xb8;
	[tilespmem:$0x1FF00] =	vst v63  }
.LBB2_10:
0x78: {  	_ =	swait.ge [sflag:s25], $0x2000  }
0x79: {  	[sflag:s25] =	ssyncset.done $0x0  }
0x7a: {  	[sflag:s25] =	ssyncadd.s32 $0xFFFFE000  }
0x7b: {  	_ =	swait.ge [sflag:s13], $0x2000  }
0x7c: {  	p1 =	seq.s32 s22, $0x0;
	[sflag:s13] =	ssyncset.done $0x0  }
0x7d: {  	s3 =	sshll.u32 s22, $0x7;
	s8 =	simm.s32 @!p1 $0x7;
	[sflag:s13] =	ssyncadd.s32 $0xFFFFE000  }
0x7e: {  	s15 =	sadd.s32 s9, s3;
	_ =	swait.ge @!p1 [sflag:s8], $0x2000  }
0x7f: {  	p0 =	seq.s32 s22, $0x13;
	s15 =	sshrl.u32 s15, $0x3;
	[sflag:s8] =	ssyncset.done @!p1 $0x0  }
0x80: {  	s16 =	sadd.s32 s1, s15;
	[sflag:s8] =	ssyncadd.s32 @!p1 $0xFFFFE000;
	s8 =	sadd.s32 @!p0 s3, s17  }
0x81: {  	[tilespmem:s26], [sflag:$0x9] =	stream.linear.gather [hbm4b:s16+s4], $0x40, $0x38;
	[tilespmem:$0x1FF00] =	vst v63  }
0x82: {  	s8 =	sshrl.u32 @!p0 s8, $0x3  }
0x83: {  	s15 =	simm.s32 @!p0 $0x0;
	s8 =	sadd.s32 @!p0 s6, s8  }
0x84: {  	[tilespmem:s15], [sflag:$0x1] =	stream.linear.gather @!p0 [hbm4b:s8+s15], $0x40, $0x38;
	[tilespmem:$0x1FF00] =	vst v63  }
0x85: {  	s8 =	simm.s32 $0x0  }
0x86: {  	v2 =	vld [tilespmem:s8+$0x300]  }
0x87: {  	v3 =	vld [tilespmem:s8+$0x4360]  }
0x88: {  	v5 =	vld [tilespmem:s8+$0x4300]  }
0x89: {  	v6 =	vld [tilespmem:s8+$0x310]  }
0x8a: {  	v8 =	vld [tilespmem:s8+$0x4310]  }
0x8b: {  	v9 =	vld [tilespmem:s8+$0x320]  }
0x8c: {  	v10 =	vld [tilespmem:s8+$0x4320]  }
0x8d: {  	v4 =	vld [tilespmem:s8+$0x330];
	v7 =	vmul.f32 v5, v2  }
0x8e: {  	v3 =	vmul.f32 v3, v2;
	v5 =	vld [tilespmem:s8+$0x4330]  }
0x8f: {  	v8 =	vmul.f32 v8, v6;
	[tilespmem:s8+$0x8300] =	vst v7;
	v7 =	vld [tilespmem:s8+$0x4340]  }
0x90: {  	s16 =	simm.s32 $0x80;
	v6 =	vld [tilespmem:s8+$0x4350];
	[tilespmem:s8+$0x8360] =	vst v3  }
0x91: {  	s15 =	simm.s32 $0x400;
	v3 =	vld [tilespmem:s16+$0x300];
	[tilespmem:s8+$0x8310] =	vst v8;
	v8 =	vmul.f32 v10, v9  }
.LBB2_11:
0x92: {  	p2 =	sne.s32 s15, $0x7E00;
	v9 =	vld [tilespmem:s16+$0x4360]  }
0x93: {  	v10 =	vld [tilespmem:s16+$0x4300];
	[tilespmem:s8+$0x8320] =	vst v8;
	v4 =	vmul.f32 v5, v4  }
0x94: {  	v8 =	vld [tilespmem:s16+$0x310];
	v5 =	vmul.f32 v7, v2  }
0x95: {  	v7 =	vld [tilespmem:s16+$0x4310];
	[tilespmem:s8+$0x8330] =	vst v4;
	v4 =	vmul.f32 v6, v2  }
0x96: {  	v11 =	vld [tilespmem:s16+$0x320];
	[tilespmem:s8+$0x8340] =	vst v5;
	v2 =	vmov v3  }
0x97: {  	v12 =	vld [tilespmem:s16+$0x4320];
	v3 =	vmul.f32 v9, v2;
	[tilespmem:s8+$0x8350] =	vst v4;
	s8 =	smov.u32 s16  }
.Ltmp4:
0x98: {  	v6 =	vmul.f32 v10, v2;
	v4 =	vld [tilespmem:s8+$0x330];
	(pc) =	sbr.rel @p2 .LBB2_11-.Ltmp4, $4  }
0x99: {  	v5 =	vld [tilespmem:s8+$0x4330];
	[tilespmem:s8+$0x8360] =	vst v3  }
0x9a: {  	[tilespmem:s8+$0x8300] =	vst v6;
	v8 =	vmul.f32 v7, v8;
	v7 =	vld [tilespmem:s8+$0x4340]  }
0x9b: {  	s16 =	sshra.s32 s15, $0x2;
	v6 =	vld [tilespmem:s8+$0x4350]  }
0x9c: {  	s15 =	sadd.s32 $0x200, s15;
	v3 =	vld [tilespmem:s16+$0x300];
	[tilespmem:s8+$0x8310] =	vst v8;
	v8 =	vmul.f32 v12, v11  }
0x9d: {  	v9 =	vld [tilespmem:s16+$0x4360]  }
0x9e: {  	v10 =	vld [tilespmem:s16+$0x4300];
	[tilespmem:s8+$0x8320] =	vst v8;
	v4 =	vmul.f32 v5, v4  }
0x9f: {  	v5 =	vld [tilespmem:s16+$0x310];
	v7 =	vmul.f32 v7, v2  }
0xa0: {  	v8 =	vld [tilespmem:s16+$0x4310];
	[tilespmem:s8+$0x8330] =	vst v4;
	v2 =	vmul.f32 v6, v2  }
0xa1: {  	v4 =	vld [tilespmem:s16+$0x320];
	[tilespmem:s8+$0x8340] =	vst v7  }
0xa2: {  	v6 =	vld [tilespmem:s16+$0x4320];
	[tilespmem:s8+$0x8350] =	vst v2  }
0xa3: {  	v2 =	vmul.f32 v9, v3;
	v7 =	vld [tilespmem:s16+$0x330]  }
0xa4: {  	v9 =	vmul.f32 v10, v3;
	v10 =	vld [tilespmem:s16+$0x4330]  }
0xa5: {  	[tilespmem:s16+$0x8360] =	vst v2;
	v2 =	vld [tilespmem:s16+$0x4340]  }
0xa6: {  	[tilespmem:s16+$0x8300] =	vst v9;
	v9 =	vld [tilespmem:s16+$0x4350]  }
0xa7: {  	v5 =	vmul.f32 v8, v5  }
0xa8: {  	v4 =	vmul.f32 v6, v4  }
0xa9: {  	[tilespmem:s16+$0x8310] =	vst v5;
	v5 =	vmul.f32 v10, v7  }
0xaa: {  	[tilespmem:s16+$0x8320] =	vst v4;
	v2 =	vmul.f32 v2, v3  }
0xab: {  	v3 =	vmul.f32 v9, v3;
	[tilespmem:s16+$0x8330] =	vst v5  }
0xac: {  	[tilespmem:s16+$0x8340] =	vst v2  }
0xad: {  	[tilespmem:s16+$0x8350] =	vst v3  }
0xae: {  	_ =	swait.ge [sflag:s28], $0x40  }
0xaf: {  	s8 =	sadd.s32 @!p0 s3, s18;
	[sflag:s28] =	ssyncset.done $0x0  }
0xb0: {  	s8 =	sshll.u32 @!p0 s8, $0x4;
	[sflag:s28] =	ssyncadd.s32 $0xFFFFFFC0  }
0xb1: {  	[spmem:s2] =	stream.indirect.scatter.add.f32 [tilespmem:s10], [sflag:$0x7], $0x80, s26, s21, $0xb8;
	[tilespmem:$0x1FF00] =	vst v63  }
0xb2: {  	s15 =	simm.s32 @!p0 $0x0;
	s8 =	sadd.s32 @!p0 s7, s8;
	s16 =	simm.s32 @!p0 $0x4300  }
0xb3: {  	[tilespmem:s16], [sflag:$0x3] =	stream.linear.gather @!p0 [hbm4b:s8+s15], $0x2000, $0x38;
	[tilespmem:$0x1FF00] =	vst v63  }
0xb4: {  	s8 =	simm.s32 @!p0 $0x1  }
0xb5: {  	_ =	swait.ge @!p0 [sflag:s8], $0x40  }
0xb6: {  	[sflag:s8] =	ssyncset.done @!p0 $0x0  }
0xb7: {  	s16 =	simm.s32 @!p0 $0x300;
	[sflag:s8] =	ssyncadd.s32 @!p0 $0xFFFFFFC0;
	s8 =	simm.s32 @!p0 $0x40  }
0xb8: {  	[tilespmem:s16], [sflag:$0x5] =	stream.indirect.gather @!p0 [hbm4b:s5+s8], $0x80, s15, s8, $0xb8;
	[tilespmem:$0x1FF00] =	vst v63  }
0xb9: {  	_ =	swait.ge [sflag:s29], $0x2000  }
0xba: {  	[sflag:s29] =	ssyncset.done $0x0  }
0xbb: {  	[sflag:s29] =	ssyncadd.s32 $0xFFFFE000  }
0xbc: {  	_ =	swait.ge [sflag:s30], $0x2000  }
0xbd: {  	[sflag:s30] =	ssyncset.done $0x0  }
0xbe: {  	s8 =	simm.s32 @!p1 $0x8;
	[sflag:s30] =	ssyncadd.s32 $0xFFFFE000  }
0xbf: {  	s16 =	sadd.s32 s3, s12;
	_ =	swait.ge @!p1 [sflag:s8], $0x2000  }
0xc0: {  	s16 =	sshrl.u32 s16, $0x3;
	[sflag:s8] =	ssyncset.done @!p1 $0x0  }
0xc1: {  	s16 =	sadd.s32 s1, s16;
	[sflag:s8] =	ssyncadd.s32 @!p1 $0xFFFFE000;
	s8 =	sadd.s32 @!p0 s3, s19  }
0xc2: {  	[tilespmem:s31], [sflag:$0x9] =	stream.linear.gather [hbm4b:s16+s4], $0x40, $0x38;
	[tilespmem:$0x1FF00] =	vst v63  }
0xc3: {  	s8 =	sshrl.u32 @!p0 s8, $0x3  }
0xc4: {  	s16 =	simm.s32 @!p0 $0x80;
	s8 =	sadd.s32 @!p0 s6, s8  }
0xc5: {  	[tilespmem:s16], [sflag:$0x2] =	stream.linear.gather @!p0 [hbm4b:s8+s15], $0x40, $0x38;
	[tilespmem:$0x1FF00] =	vst v63  }
0xc6: {  	s8 =	simm.s32 $0x0  }
0xc7: {  	v2 =	vld [tilespmem:s8+$0x2300]  }
0xc8: {  	v3 =	vld [tilespmem:s8+$0x6360]  }
0xc9: {  	v5 =	vld [tilespmem:s8+$0x6300]  }
0xca: {  	v6 =	vld [tilespmem:s8+$0x2310]  }
0xcb: {  	v8 =	vld [tilespmem:s8+$0x6310]  }
0xcc: {  	v9 =	vld [tilespmem:s8+$0x2320]  }
0xcd: {  	v10 =	vld [tilespmem:s8+$0x6320]  }
0xce: {  	v4 =	vld [tilespmem:s8+$0x2330];
	v7 =	vmul.f32 v5, v2  }
0xcf: {  	v3 =	vmul.f32 v3, v2;
	v5 =	vld [tilespmem:s8+$0x6330]  }
0xd0: {  	v8 =	vmul.f32 v8, v6;
	[tilespmem:s8+$0xA300] =	vst v7;
	v7 =	vld [tilespmem:s8+$0x6340]  }
0xd1: {  	s16 =	simm.s32 $0x80;
	v6 =	vld [tilespmem:s8+$0x6350];
	[tilespmem:s8+$0xA360] =	vst v3  }
0xd2: {  	s15 =	simm.s32 $0x400;
	v3 =	vld [tilespmem:s16+$0x2300];
	[tilespmem:s8+$0xA310] =	vst v8;
	v8 =	vmul.f32 v10, v9  }
.LBB2_13:
0xd3: {  	p1 =	sne.s32 s15, $0x7E00;
	v9 =	vld [tilespmem:s16+$0x6360]  }
0xd4: {  	v10 =	vld [tilespmem:s16+$0x6300];
	[tilespmem:s8+$0xA320] =	vst v8;
	v4 =	vmul.f32 v5, v4  }
0xd5: {  	v8 =	vld [tilespmem:s16+$0x2310];
	v5 =	vmul.f32 v7, v2  }
0xd6: {  	v7 =	vld [tilespmem:s16+$0x6310];
	[tilespmem:s8+$0xA330] =	vst v4;
	v4 =	vmul.f32 v6, v2  }
0xd7: {  	v11 =	vld [tilespmem:s16+$0x2320];
	[tilespmem:s8+$0xA340] =	vst v5;
	v2 =	vmov v3  }
0xd8: {  	v12 =	vld [tilespmem:s16+$0x6320];
	v3 =	vmul.f32 v9, v2;
	[tilespmem:s8+$0xA350] =	vst v4;
	s8 =	smov.u32 s16  }
.Ltmp5:
0xd9: {  	v6 =	vmul.f32 v10, v2;
	v4 =	vld [tilespmem:s8+$0x2330];
	(pc) =	sbr.rel @p1 .LBB2_13-.Ltmp5, $4  }
0xda: {  	v5 =	vld [tilespmem:s8+$0x6330];
	[tilespmem:s8+$0xA360] =	vst v3  }
0xdb: {  	[tilespmem:s8+$0xA300] =	vst v6;
	v8 =	vmul.f32 v7, v8;
	v7 =	vld [tilespmem:s8+$0x6340]  }
0xdc: {  	s16 =	sshra.s32 s15, $0x2;
	v6 =	vld [tilespmem:s8+$0x6350]  }
0xdd: {  	s15 =	sadd.s32 $0x200, s15;
	v3 =	vld [tilespmem:s16+$0x2300];
	[tilespmem:s8+$0xA310] =	vst v8;
	v8 =	vmul.f32 v12, v11  }
0xde: {  	v9 =	vld [tilespmem:s16+$0x6360]  }
0xdf: {  	v10 =	vld [tilespmem:s16+$0x6300];
	[tilespmem:s8+$0xA320] =	vst v8;
	v4 =	vmul.f32 v5, v4  }
0xe0: {  	v58 =	vld [tilespmem:s16+$0x2310];
	v7 =	vmul.f32 v7, v2  }
0xe1: {  	v8 =	vld [tilespmem:s16+$0x6310];
	[tilespmem:s8+$0xA330] =	vst v4;
	v2 =	vmul.f32 v6, v2  }
0xe2: {  	v4 =	vld [tilespmem:s16+$0x2320];
	[tilespmem:s8+$0xA340] =	vst v7  }
0xe3: {  	v59 =	vld [tilespmem:s16+$0x6320];
	[tilespmem:s8+$0xA350] =	vst v2  }
0xe4: {  	v2 =	vmul.f32 v9, v3;
	v7 =	vld [tilespmem:s16+$0x2330]  }
0xe5: {  	v61 =	vld [tilespmem:s16+$0x6330]  }
0xe6: {  	[tilespmem:s16+$0xA360] =	vst v2;
	v2 =	vld [tilespmem:s16+$0x6340]  }
0xe7: {  	v60 =	vmul.f32 v10, v3;
	v62 =	vld [tilespmem:s16+$0x6350]  }
0xe8: {  	v5 =	vmul.f32 v8, v58  }
0xe9: {  	[tilespmem:s16+$0xA300] =	vst v60;
	v4 =	vmul.f32 v59, v4  }
0xea: {  	[tilespmem:s16+$0xA310] =	vst v5;
	v63 =	vmul.f32 v61, v7  }
0xeb: {  	[tilespmem:s16+$0xA320] =	vst v4;
	v2 =	vmul.f32 v2, v3  }
0xec: {  	v3 =	vmul.f32 v62, v3;
	[tilespmem:s16+$0xA330] =	vst v63  }
0xed: {  	[tilespmem:s16+$0xA340] =	vst v2  }
.Ltmp6:
0xee: {  	[tilespmem:s16+$0xA350] =	vst v3;
	(pc) =	sbr.rel @p0 .LBB2_16-.Ltmp6, $4  }
0xef: {  	_ =	swait.ge [sflag:s28], $0x40  }
0xf0: {  	[sflag:s28] =	ssyncset.done $0x0  }
0xf1: {  	[sflag:s28] =	ssyncadd.s32 $0xFFFFFFC0  }
0xf2: {  	[spmem:s2] =	stream.indirect.scatter.add.f32 [tilespmem:s0], [sflag:$0x8], $0x80, s31, s21, $0xb8;
	[tilespmem:$0x1FF00] =	vst v63  }
0xf3: {  	s3 =	sadd.s32 s3, s20  }
0xf4: {  	s3 =	sshll.u32 s3, $0x4  }
0xf5: {  	s8 =	simm.s32 $0x6300;
	s3 =	sadd.s32 s7, s3  }
0xf6: {  	[tilespmem:s8], [sflag:$0x4] =	stream.linear.gather [hbm4b:s3+s4], $0x2000, $0x38;
	[tilespmem:$0x1FF00] =	vst v63  }
.Ltmp7:
0xf7: {  	_ = 	snop;
	(pc) =	sbr.rel .LBB2_10-.Ltmp7, $4  }
0xf8: {  	_ =	swait.ge [sflag:s23], $0x40  }
0xf9: {  	[sflag:s23] =	ssyncset.done $0x0  }
0xfa: {  	s22 =	sadd.s32 $0x1, s22;
	[sflag:s23] =	ssyncadd.s32 $0xFFFFFFC0  }
0xfb: {  	[tilespmem:s24], [sflag:$0x6] =	stream.indirect.gather [hbm4b:s5+s21], $0x80, s14, s21, $0xb8;
	[tilespmem:$0x1FF00] =	vst v63  }
.LBB2_16:
0xfc: {  	s3 =	simm.s32 $0x7  }
0xfd: {  	_ =	swait.ge [sflag:s3], $0x2000  }
0xfe: {  	[sflag:s3] =	ssyncset.done $0x0  }
0xff: {  	s16 =	simm.s32 $0x8;
	[sflag:s3] =	ssyncadd.s32 $0xFFFFE000  }
0x100: {  	_ =	swait.ge [sflag:s16], $0x2000  }
0x101: {  	s3 =	simm.s32 $0x0;
	[sflag:s16] =	ssyncset.done $0x0  }
0x102: {  	s8 =	rddreg [dreg:$0xb];
	[sflag:s16] =	ssyncadd.s32 $0xFFFFE000;
	s16 =	simm.s32 $0x200  }
0x103: {  	[tilespmem:s16], [sflag:$0xA] =	stream.linear.gather [hbm4b:s8+s3], $0x28, $0x38;
	[tilespmem:$0x1FF00] =	vst v63  }
0x104: {  	_ =	swait.ge [sflag:s11], $0x28  }
0x105: {  	[sflag:s11] =	ssyncset.done $0x0  }
0x106: {  	s15 =	simm.s32 $0x280;
	s22 =	rddreg [dreg:$0xc];
	[sflag:s11] =	ssyncadd.s32 $0xFFFFFFD8  }
0x107: {  	[tilespmem:s15], [sflag:$0xA] =	stream.linear.gather [hbm4b:s22+s3], $0x28, $0x38;
	[tilespmem:$0x1FF00] =	vst v63  }
0x108: {  	_ =	swait.ge [sflag:s11], $0x28  }
0x109: {  	[sflag:s11] =	ssyncset.done $0x0  }
0x10a: {  	s22 =	simm.s32 $0x4300;
	s15 =	rddreg [dreg:$0xd];
	[sflag:s11] =	ssyncadd.s32 $0xFFFFFFD8  }
0x10b: {  	[tilespmem:s22], [sflag:$0xA] =	stream.linear.gather [hbm4b:s15+s3], $0x1400, $0x38;
	[tilespmem:$0x1FF00] =	vst v63  }
0x10c: {  	_ =	swait.ge [sflag:s11], $0x1400  }
0x10d: {  	[sflag:s11] =	ssyncset.done $0x0  }
0x10e: {  	s15 =	simm.s32 $0x300;
	s22 =	simm.s32 $0x28;
	[sflag:s11] =	ssyncadd.s32 $0xFFFFEC00  }
0x10f: {  	[tilespmem:s15], [sflag:$0x9] =	stream.indirect.gather [hbm4b:s5+s22], $0x80, s16, s22, $0xb8;
	[tilespmem:$0x1FF00] =	vst v63  }
0x110: {  	_ =	swait.ge [sflag:s28], $0x1400  }
0x111: {  	[sflag:s28] =	ssyncset.done $0x0  }
0x112: {  	s3 =	simm.s32 $0x0;
	[sflag:s28] =	ssyncadd.s32 $0xFFFFEC00  }
0x113: {  	v2 =	vld [tilespmem:s3+$0x300]  }
0x114: {  	v3 =	vld [tilespmem:s3+$0x4360]  }
0x115: {  	v5 =	vld [tilespmem:s3+$0x4300]  }
0x116: {  	v6 =	vld [tilespmem:s3+$0x310]  }
0x117: {  	v8 =	vld [tilespmem:s3+$0x4310]  }
0x118: {  	v9 =	vld [tilespmem:s3+$0x320]  }
0x119: {  	v10 =	vld [tilespmem:s3+$0x4320]  }
0x11a: {  	v4 =	vld [tilespmem:s3+$0x330];
	v7 =	vmul.f32 v5, v2  }
0x11b: {  	v3 =	vmul.f32 v3, v2;
	v5 =	vld [tilespmem:s3+$0x4330]  }
0x11c: {  	v8 =	vmul.f32 v8, v6;
	[tilespmem:s3+$0x8300] =	vst v7;
	v7 =	vld [tilespmem:s3+$0x4340]  }
0x11d: {  	s8 =	simm.s32 $0x80;
	v6 =	vld [tilespmem:s3+$0x4350];
	[tilespmem:s3+$0x8360] =	vst v3  }
0x11e: {  	s16 =	simm.s32 $0x28;
	s15 =	simm.s32 $0x400;
	v3 =	vld [tilespmem:s8+$0x300];
	[tilespmem:s3+$0x8310] =	vst v8;
	v8 =	vmul.f32 v10, v9  }
.LBB2_17:
0x11f: {  	p0 =	sne.s32 s15, $0x4E00;
	v9 =	vld [tilespmem:s8+$0x4360]  }
0x120: {  	v10 =	vld [tilespmem:s8+$0x4300];
	[tilespmem:s3+$0x8320] =	vst v8;
	v4 =	vmul.f32 v5, v4  }
0x121: {  	v8 =	vld [tilespmem:s8+$0x310];
	v5 =	vmul.f32 v7, v2  }
0x122: {  	v7 =	vld [tilespmem:s8+$0x4310];
	[tilespmem:s3+$0x8330] =	vst v4;
	v4 =	vmul.f32 v6, v2  }
0x123: {  	v11 =	vld [tilespmem:s8+$0x320];
	[tilespmem:s3+$0x8340] =	vst v5;
	v2 =	vmov v3  }
0x124: {  	v12 =	vld [tilespmem:s8+$0x4320];
	v3 =	vmul.f32 v9, v2;
	[tilespmem:s3+$0x8350] =	vst v4;
	s3 =	smov.u32 s8  }
.Ltmp8:
0x125: {  	v6 =	vmul.f32 v10, v2;
	v4 =	vld [tilespmem:s3+$0x330];
	(pc) =	sbr.rel @p0 .LBB2_17-.Ltmp8, $4  }
0x126: {  	v5 =	vld [tilespmem:s3+$0x4330];
	[tilespmem:s3+$0x8360] =	vst v3  }
0x127: {  	[tilespmem:s3+$0x8300] =	vst v6;
	v8 =	vmul.f32 v7, v8;
	v7 =	vld [tilespmem:s3+$0x4340]  }
0x128: {  	s8 =	sshra.s32 s15, $0x2;
	v6 =	vld [tilespmem:s3+$0x4350]  }
0x129: {  	s15 =	sadd.s32 $0x200, s15;
	v3 =	vld [tilespmem:s8+$0x300];
	[tilespmem:s3+$0x8310] =	vst v8;
	v8 =	vmul.f32 v12, v11  }
0x12a: {  	v9 =	vld [tilespmem:s8+$0x4360]  }
0x12b: {  	v10 =	vld [tilespmem:s8+$0x4300];
	[tilespmem:s3+$0x8320] =	vst v8;
	v4 =	vmul.f32 v5, v4  }
0x12c: {  	v58 =	vld [tilespmem:s8+$0x310];
	v7 =	vmul.f32 v7, v2  }
0x12d: {  	v8 =	vld [tilespmem:s8+$0x4310];
	[tilespmem:s3+$0x8330] =	vst v4;
	v2 =	vmul.f32 v6, v2  }
0x12e: {  	v4 =	vld [tilespmem:s8+$0x320];
	[tilespmem:s3+$0x8340] =	vst v7  }
0x12f: {  	v59 =	vld [tilespmem:s8+$0x4320];
	[tilespmem:s3+$0x8350] =	vst v2  }
0x130: {  	v2 =	vmul.f32 v9, v3;
	v7 =	vld [tilespmem:s8+$0x330]  }
0x131: {  	v61 =	vld [tilespmem:s8+$0x4330]  }
0x132: {  	[tilespmem:s8+$0x8360] =	vst v2;
	v2 =	vld [tilespmem:s8+$0x4340]  }
0x133: {  	v60 =	vmul.f32 v10, v3;
	v62 =	vld [tilespmem:s8+$0x4350]  }
0x134: {  	v5 =	vmul.f32 v8, v58  }
0x135: {  	[tilespmem:s8+$0x8300] =	vst v60;
	v4 =	vmul.f32 v59, v4  }
0x136: {  	[tilespmem:s8+$0x8310] =	vst v5;
	v63 =	vmul.f32 v61, v7  }
0x137: {  	[tilespmem:s8+$0x8320] =	vst v4;
	v2 =	vmul.f32 v2, v3  }
0x138: {  	v3 =	vmul.f32 v62, v3;
	[tilespmem:s8+$0x8330] =	vst v63  }
0x139: {  	[tilespmem:s8+$0x8340] =	vst v2  }
0x13a: {  	[tilespmem:s8+$0x8350] =	vst v3;
	s8 =	simm.s32 $0x280  }
0x13b: {  	[spmem:s2] =	stream.indirect.scatter.add.f32 [tilespmem:s10], [sflag:$0xA], $0x80, s8, s16, $0xb8;
	[tilespmem:$0x1FF00] =	vst v63  }
0x13c: {  	_ =	swait.ge [sflag:s11], $0x1400  }
0x13d: {  	[sflag:s11] =	ssyncset.done $0x0  }
0x13e: {  	[sflag:s11] =	ssyncadd.s32 $0xFFFFEC00  }
0x13f: {  	s15 =	stileid.u32;
	[bflag:$0x0] =	sbarrier.arrive $0xFFFF  }
0x140: {  	s3 =	sshll.u32 s15, $0x6;
	s22 =	rddreg [dreg:$0x4]  }
0x141: {  	s3 =	sor.u32 $0x1C0A, s3;
	s15 =	rddreg [dreg:$0xe];
	s16 =	sshrl.u32 s22, $0x3  }
0x142: {  	[hbm:s15], [sflag:s3] =	dma.local [spmem:s16], $0x2780  }
0x143: {  	_ =	swait.ge [sflag:s11], $0x2780  }
0x144: {  	s15 =	rddreg [dreg:$0x17]  }
0x145: {  	s16 =	rddreg [dreg:$0xf];
	s8 =	sadd.s32 $0x1, s15  }
0x146: {  	p0 =	sne.s32 s8, s16  }
.Ltmp9:
0x147: {  	_ = 	snop;
	(pc) =	sbr.rel @p0 .LBB2_1-.Ltmp9, $3  }
0x148: {  	_ =	sdelay $0x1  }
0x149: {  	[sflag:s11] =	ssyncset.done $0x0  }
0x14a: {  	[sflag:s11] =	ssyncadd.s32 $0xFFFFD880  }
0x14b: {  	_ =	sfence.sel $0x180000  }
0x14c: {  	[bflag:$0x0] =	sbarrier.arrive $0xFFFF  }
0x14d: {  	_ =	strace $0x90000047  }
0x14e: {  	s0 =	stileid.u32;
	[bflag:$0x2] =	sbarrier.arrive $0xFFFF  }
0x14f: {  	p0 =	sne.s32 s0, $0x0;
	s0 =	rddreg [dreg:$0x3]  }
0x150: {  	s0 =	sadd.s32 @!p0 $0x100000, s0  }
0x151: {  	[sflag:s0] =	ssyncadd.tile.s32 @!p0 $0x1;
	_ =	shalt  }
.Lfunc_end2:
_tile_overlayer_lowered:
.L_overlay_start_2:
0x152: {  	(tag) =	ssettag $0x2  }
0x153: {  	s0 =	rddreg [dreg:$0x0];
	s2 =	stileid.u32  }
0x154: {  	s1 =	rddreg [dreg:$0x1];
	p0 =	sne.s32 s2, $0x0  }
0x155: {  	s3 =	rddreg [dreg:$0x2];
	[bflag:$0x3] =	sbarrier.arrive $0xFFFF;
	s2 =	simm.s32 @!p0 $0x1C0A  }
0x156: {  	[timem:s3], [sflag:s2] =	dma.local @!p0 [hbm:s0], s1  }
0x157: {  	s0 =	simm.s32 @!p0 $0xA  }
0x158: {  	_ =	swait.ge @!p0 [sflag:s0], s1  }
0x159: {  	s1 =	ssub.s32 @!p0 $0x0, s1;
	[sflag:s0] =	ssyncset.done @!p0 $0x0  }
0x15a: {  	[sflag:s0] =	ssyncadd.s32 @!p0 s1  }
0x15b: {  	[bflag:$0x3] =	sbarrier.arrive $0xFFFF  }
0x15c: {  	_ =	shalt  }

// kernel: kernel.7.cloned.1.call-start
scs
__scs_entry_jumppad:
0x0: {  	(pc) =	sbr.rel $0x88, $3  }
0x1: {  	(tag) =	ssettag $0x0;
	lr =	simm.s32 $0x1  }
0x2: {  	[smem:$0x3F99] =	sst lr;
	_ =	strace $0xD0000000  }
0x3: {  	_ = 	snop  }
0x4: {  	_ = 	snop  }
0x5: {  	_ = 	snop  }
0x6: {  	_ = 	snop  }
0x7: {  	_ = 	snop  }
__scs_overlays_trampoline_lowered:
0x8: {  	[smem:$0x3FA8] =	sst s0  }
0x9: {  	[smem:$0x3FA9] =	sst s1  }
0xa: {  	[smem:$0x3FAA] =	sst s2  }
0xb: {  	[smem:$0x3FAB] =	sst s3  }
0xc: {  	[smem:$0x3FAC] =	sst s4  }
0xd: {  	[smem:$0x3FAD] =	sst s5  }
0xe: {  	[smem:$0x3FAE] =	sst s6  }
0xf: {  	[smem:$0x3FAF] =	sst s7  }
0x10: {  	[smem:$0x3FB0] =	sst s8  }
0x11: {  	[smem:$0x3FB1] =	sst s9;
	s0 =	simm.s32 @!p0 $0x0  }
0x12: {  	s1 =	sld [smem:$0x3F97];
	s0 =	simm.s32 @p0 $0x1  }
0x13: {  	[smem:$0x3FB2] =	sst s0;
	s0 =	simm.s32 @!p1 $0x0  }
0x14: {  	s2 =	sld [smem:$0x3F96];
	s0 =	simm.s32 @p1 $0x1  }
0x15: {  	[smem:$0x3FB3] =	sst s0;
	s0 =	simm.s32 @!p2 $0x0  }
0x16: {  	s3 =	sld [smem:$0x3FDB];
	s0 =	simm.s32 @p2 $0x1  }
0x17: {  	s4 =	simm.s32 $0x1BF5;
	[smem:$0x3FB5] =	sst s0  }
0x18: {  	s0 =	sld [smem:$0x3F98];
	_ =	swait.ge [sflag:s4], $0x0  }
0x19: {  	s7 =	sld [smem:$0x3F99]  }
0x1a: {  	s8 =	sadd.s32 $0xFFFFE003, lr  }
0x1b: {  	s9 =	sadd.s32 $0xFFFFFEF7, lr;
	s5 =	simm.s32 $0xFFFFFFFF;
	p2 =	slt.u32 s8, $0xFFFFF086  }
0x1c: {  	p1 =	slt.u32 s9, $0xF7A;
	s5 =	simm.s32 @!p2 $0x0  }
0x1d: {  	s5 =	simm.s32 @p1 $0x1;
	p0 =	seq.s32 s7, s2  }
0x1e: {  	s7 =	smul.u32 @!p0 $0xF7A, s2;
	p2 =	seq.s32 @!p0 s5, $0x0  }
0x1f: {  	s9 =	smul.u32 $0xF7A, s1;
	s8 =	simm.s32 @!p0 $0x1BF5;
	p2 =	por !p2, p0  }
0x20: {  	[sflag:s8] =	ssyncset.s32 @!p0 $0xFFFFF086;
	s6 =	sadd.s32 @!p0 s3, s7;
	s7 =	simm.s32 @!p0 $0x108  }
0x21: {  	s3 =	sadd.s32 s3, s9;
	s6 =	sadd.s32 @!p0 $0x88, s6;
	s7 =	simm.s32 @p2 $0x1082  }
0x22: {  	[simem:s7], [sflag:s8] =	dma.local @!p0 [hbm:s6], $0xF7A  }
0x23: {  	s9 =	sor.u32 $0xD0000000, s2;
	s6 =	simm.s32 $0x108;
	_ =	swait.ge @!p0 [sflag:s8], $0x0  }
0x24: {  	s3 =	sadd.s32 $0x88, s3;
	s6 =	simm.s32 @!p1 $0x1082;
	[sflag:s4] =	ssyncset.s32 $0xFFFFF086  }
0x25: {  	[simem:s6], [sflag:s4] =	dma.local [hbm:s3], $0xF7A  }
0x26: {  	[smem:$0x3F99] =	sst s1;
	(tag) =	ssettag s2;
	_ =	strace s9  }
0x27: {  	s1 =	sld [smem:$0x3FA9]  }
0x28: {  	s2 =	sld [smem:$0x3FAA]  }
0x29: {  	s4 =	sld [smem:$0x3FAC]  }
0x2a: {  	p0 =	seq.s32 s5, $0x0;
	s5 =	sld [smem:$0x3FAD]  }
0x2b: {  	s6 =	sld [smem:$0x3FAE]  }
0x2c: {  	s7 =	sld [smem:$0x3FAF]  }
0x2d: {  	s3 =	simm.s32 $0x108;
	s8 =	sld [smem:$0x3FB0]  }
0x2e: {  	s3 =	simm.s32 @!p0 $0x1082;
	s9 =	sld [smem:$0x3FB1]  }
0x2f: {  	lr =	sadd.s32 s0, s3;
	s0 =	sld [smem:$0x3FA8]  }
0x30: {  	s3 =	sld [smem:$0x3FAB]  }
0x31: {  	[smem:$0x3FB4] =	sst s10  }
0x32: {  	s10 =	sld [smem:$0x3FB2];
	_ =	sdelay $0x3  }
0x33: {  	p0 =	seq.s32 s10, $0x1;
	s10 =	sld [smem:$0x3FB4];
	_ =	sdelay $0x3  }
0x34: {  	[smem:$0x3FB4] =	sst s10  }
0x35: {  	s10 =	sld [smem:$0x3FB3];
	_ =	sdelay $0x3  }
0x36: {  	p1 =	seq.s32 s10, $0x1;
	s10 =	sld [smem:$0x3FB4];
	_ =	sdelay $0x3  }
0x37: {  	[smem:$0x3FB4] =	sst s10  }
0x38: {  	s10 =	sld [smem:$0x3FB5]  }
0x39: {  	_ = 	snop;
	(pc) =	sbr.ind lr, $3  }
0x3a: {  	_ = 	snop  }
0x3b: {  	_ = 	snop  }
0x3c: {  	p2 =	seq.s32 s10, $0x1;
	s10 =	sld [smem:$0x3FB4]  }
0x3d: {  	_ =	shalt  }
0x3e: {  	_ =	shalt  }
0x3f: {  	_ =	shalt  }
0x40: {  	_ =	shalt  }
0x41: {  	_ =	shalt  }
0x42: {  	_ =	shalt  }
0x43: {  	_ =	shalt  }
0x44: {  	_ =	shalt  }
0x45: {  	_ =	shalt  }
0x46: {  	_ =	shalt  }
0x47: {  	_ =	shalt  }
0x48: {  	_ =	shalt  }
0x49: {  	_ =	shalt  }
0x4a: {  	_ =	shalt  }
0x4b: {  	_ =	shalt  }
0x4c: {  	_ =	shalt  }
0x4d: {  	_ =	shalt  }
0x4e: {  	_ =	shalt  }
0x4f: {  	_ =	shalt  }
0x50: {  	_ =	shalt  }
0x51: {  	_ =	shalt  }
0x52: {  	_ =	shalt  }
0x53: {  	_ =	shalt  }
0x54: {  	_ =	shalt  }
0x55: {  	_ =	shalt  }
0x56: {  	_ =	shalt  }
0x57: {  	_ =	shalt  }
0x58: {  	_ =	shalt  }
0x59: {  	_ =	shalt  }
0x5a: {  	_ =	shalt  }
0x5b: {  	_ =	shalt  }
0x5c: {  	_ =	shalt  }
0x5d: {  	_ =	shalt  }
0x5e: {  	_ =	shalt  }
0x5f: {  	_ =	shalt  }
0x60: {  	_ =	shalt  }
0x61: {  	_ =	shalt  }
0x62: {  	_ =	shalt  }
0x63: {  	_ =	shalt  }
0x64: {  	_ =	shalt  }
0x65: {  	_ =	shalt  }
0x66: {  	_ =	shalt  }
0x67: {  	_ =	shalt  }
0x68: {  	_ =	shalt  }
0x69: {  	_ =	shalt  }
0x6a: {  	_ =	shalt  }
0x6b: {  	_ =	shalt  }
0x6c: {  	_ =	shalt  }
0x6d: {  	_ =	shalt  }
0x6e: {  	_ =	shalt  }
0x6f: {  	_ =	shalt  }
0x70: {  	_ =	shalt  }
0x71: {  	_ =	shalt  }
0x72: {  	_ =	shalt  }
0x73: {  	_ =	shalt  }
0x74: {  	_ =	shalt  }
0x75: {  	_ =	shalt  }
0x76: {  	_ =	shalt  }
0x77: {  	_ =	shalt  }
0x78: {  	_ =	shalt  }
0x79: {  	_ =	shalt  }
0x7a: {  	_ =	shalt  }
0x7b: {  	_ =	shalt  }
0x7c: {  	_ =	shalt  }
0x7d: {  	_ =	shalt  }
0x7e: {  	_ =	shalt  }
0x7f: {  	_ =	shalt  }
0x80: {  	_ =	shalt  }
0x81: {  	_ =	shalt  }
0x82: {  	_ =	shalt  }
0x83: {  	_ =	shalt  }
0x84: {  	_ =	shalt  }
0x85: {  	_ =	shalt  }
0x86: {  	_ =	shalt  }
0x87: {  	_ =	shalt  }
.Lfunc_end0:
.L_simem_size_0:
called_computation_lowered:
.L_overlay_start_0:
0x88: {  	s2 =	sld [smem:$0x3FD9]  }
0x89: {  	s3 =	sld [smem:$0x3FFE];
	_ =	sdelay $0x1  }
0x8a: {  	s1 =	srdreg.scid  }
0x8b: {  	s0 =	sand.u32 $0x1, s1  }
0x8c: {  	s17 =	sshll.u32 s0, $0xA;
	s2 =	sadd.s32 s3, s2  }
0x8d: {  	s2 =	sadd.s32 s2, s17  }
0x8e: {  	[smem:$0x3FC0] =	sst s2  }
0x8f: {  	_ = 	snop  }
0x90: {  	s18 =	sld [smem:$0x3FD0];
	(tm) =	ssettm $0x1  }
0x91: {  	s19 =	sld [smem:$0x3FFB];
	_ =	sdelay $0x3  }
0x92: {  	_ =	strace s19  }
0x93: {  	s2 =	sld [smem:$0x3FFC];
	_ =	sdelay $0x3  }
0x94: {  	_ =	strace s2  }
0x95: {  	s2 =	sld [smem:$0x3FFD];
	_ =	sdelay $0x3  }
0x96: {  	_ =	strace s2  }
0x97: {  	_ =	strace $0x8FFFFFFF  }
0x98: {  	s20 =	sld [smem:$0x3FDB];
	_ =	sdelay $0x1  }
0x99: {  	s4 =	simm.s32 $_scs_section_size  }
0x9a: {  	s5 =	simm.s32 $_size__tile_overlayer_lowered;
	s6 =	simm.s32 $_tile_overlayer_lowered  }
0x9b: {  	s7 =	simm.s32 $0x1BFF;
	s21 =	sshll.u32 s6, $0x1;
	s4 =	sadd.s32 s4, s20  }
0x9c: {  	s22 =	simm.s32 $0x0;
	s5 =	sshll.u32 s5, $0x1;
	s6 =	sadd.s32 s21, s4  }
0x9d: {  	[timem:s22], [sflag:s7] =	dma.local [hbm:s6], s5  }
0x9e: {  	_ =	swait.ge [sflag:s7], s5  }
0x9f: {  	s5 =	ssub.s32 $0x0, s5;
	[sflag:s7] =	ssyncset.done $0x0  }
0xa0: {  	[sflag:s7] =	ssyncadd.s32 s5;
	_ =	sdelay $0x1  }
0xa1: {  	s23 =	simm.s32 $0x1B8B  }
0xa2: {  	_ =	swait.ge [sflag:s23], $0x1  }
0xa3: {  	[sflag:s23] =	ssyncset.done $0x0  }
0xa4: {  	[sflag:s23] =	ssyncadd.s32 $0xFFFFFFFF  }
0xa5: {  	s5 =	sld [smem:$0x0]  }
0xa6: {  	s6 =	sand.u32 $0xFFFFFFFE, s1  }
0xa7: {  	p0 =	sne.s32 s1, s6  }
0xa8: {  	s6 =	sshll.u32 @p0 s6, $0xE  }
0xa9: {  	s6 =	sadd.s32 @p0 $0x11B8D, s6;
	s7 =	sshll.u32 @p0 s5, $0x11  }
0xaa: {  	s6 =	sor.u32 @p0 s7, s6  }
0xab: {  	[sflag:s6] =	ssyncadd.remote.s32 @p0 $0x1;
	_ =	sdelay $0x1  }
0xac: {  	s6 =	simm.s32 @p0 $0x1B8D  }
0xad: {  	_ =	swait.eq @p0 [sflag:s6], $0x1  }
0xae: {  	[sflag:s6] =	ssyncadd.s32 @p0 $0xFFFFFFFF  }
0xaf: {  	s7 =	sshll.u32 @!p0 s1, $0xE  }
0xb0: {  	s7 =	sor.u32 @!p0 $0x4000, s7;
	s6 =	simm.s32 @!p0 $0x1B8D  }
0xb1: {  	s5 =	sshll.u32 @!p0 s5, $0x11;
	s7 =	sadd.s32 @!p0 $0x11B8D, s7;
	_ =	swait.eq @!p0 [sflag:s6], $0x1  }
0xb2: {  	s5 =	sor.u32 @!p0 s5, s7;
	[sflag:s6] =	ssyncadd.s32 @!p0 $0xFFFFFFFF  }
0xb3: {  	s25 =	simm.s32 $0x1B8E;
	s24 =	sld [smem:$0x3FFE];
	[sflag:s5] =	ssyncadd.remote.s32 @!p0 $0x1  }
0xb4: {  	s26 =	simm.s32 $execute0_lowered;
	[smem:$0x3FD2] =	sst s25  }
0xb5: {  	s6 =	sshll.u32 s26, $0x1;
	_ =	strace $0x80000049;
	[dreg:$0x1] =	wrdreg $0xFFFFFFFF  }
0xb6: {  	s28 =	simm.s32 $_size_execute0_lowered;
	s4 =	sadd.s32 s4, s6;
	[dreg:$0x0] =	wrdreg $0x0  }
0xb7: {  	s6 =	sshll.u32 s28, $0x1;
	[dreg:$0x2] =	wrdreg s4  }
0xb8: {  	[dreg:$0x3] =	wrdreg s6  }
0xb9: {  	[dreg:$0x4] =	wrdreg $0xC0  }
0xba: {  	_ =	task [dreg:s22], $0x5FFFF  }
0xbb: {  	[dreg:$0x1] =	wrdreg $0xFFFFFFFF  }
0xbc: {  	[dreg:$0x0] =	wrdreg $0x60  }
0xbd: {  	[dreg:$0x2] =	wrdreg s24  }
0xbe: {  	[dreg:$0x3] =	wrdreg s18  }
0xbf: {  	[dreg:$0x4] =	wrdreg $0xC3000  }
0xc0: {  	[dreg:$0x5] =	wrdreg $0x9  }
0xc1: {  	_ =	task.clear_ibuf [dreg:s22], $0x6FFFF;
	_ =	strace $0x90000049  }
0xc2: {  	s29 =	simm.s32 $0x9;
	_ =	strace $0x8000004B  }
0xc3: {  	_ =	swait.ge [sflag:s29], $0x1  }
0xc4: {  	[sflag:s29] =	ssyncadd.s32 $0xFFFFFFFF  }
0xc5: {  	_ =	strace $0x9000004B  }
0xc6: {  	_ =	sfence  }
0xc7: {  	s30 =	sld [smem:$0x0];
	_ =	sdelay $0x2  }
0xc8: {  	s31 =	sshll.u32 s1, $0xD;
	s1 =	sshrl.u32 s1, $0x2  }
0xc9: {  	s4 =	sand.u32 $0x4000, s31;
	s1 =	sadd.s32 s1, s30  }
0xca: {  	s0 =	sor.u32 s4, s0;
	s1 =	sshll.u32 s1, $0x11  }
0xcb: {  	s0 =	sor.u32 s1, s0  }
0xcc: {  	s0 =	sadd.s32 $0x8F2B, s0  }
0xcd: {  	[sflag:s0] =	ssyncadd.remote.s32 $0x1  }
0xce: {  	_ =	sfence.sel $0xFFFF  }
0xcf: {  	[dreg:$0x0] =	wrdreg $0xFFFFFFFF;
	(pc) =	sbr.abs _section_cstart, $3  }
0xd0: {  	[dreg:$0x1] =	wrdreg $0xFFFFFFFF  }
0xd1: {  	_ =	task.clear_ibuf [dreg:s22], $0x2FFFF;
	_ =	strace $0x9FFFFFFF  }
0xd2: {  	(tm) =	ssettm $0x7FFFFFFF  }
0xd3: {  	_ =	shalt  }
tec
execute0_lowered:
.L_overlay_start_1:
0x0: {  	(tag) =	ssettag $0x1  }
0x1: {  	s0 =	rddreg [dreg:$0x0]  }
0x2: {  	s1 =	rddreg [dreg:$0x1]  }
0x3: {  	s2 =	rddreg [dreg:$0x2]  }
0x4: {  	s3 =	srdreg.scid;
	s4 =	simm.s32 $0x0;
	s11 =	stileid.u32  }
0x5: {  	s3 =	sand.u32 $0x1, s3;
	[smem:$0x7FF] =	sst s4;
	s8 =	smul.u32 $0x13C00, s11  }
0x6: {  	s5 =	sadd.s32 $0x5600, s0;
	s6 =	sadd.s32 $0x600, s0;
	s9 =	smul.u32 $0x4F000, s11  }
0x7: {  	s7 =	smul.u32 $0x13C000, s3;
	s26 =	ssub.s32 $0x2, s3;
	s3 =	sshll.u32 s3, $0x4  }
0x8: {  	_ =	strace $0x8000004A;
	s9 =	sshrl.u32 s9, $0x2;
	s3 =	sor.u32 s11, s3  }
0x9: {  	s10 =	sshrl.u32 s26, $0x1;
	s28 =	sadd.s32 s9, s2;
	s9 =	smul.u32 $0x960, s3  }
0xa: {  	s8 =	sadd.s32 s8, s7;
	s7 =	sadd.s32 $0x1C0800, s0;
	s3 =	smul.u32 $0x9600, s3  }
0xb: {  	s8 =	sshrl.u32 s8, $0x3;
	s29 =	sadd.s32 $0x2000, s28;
	[dreg:$0x4] =	wrdreg s28  }
0xc: {  	s30 =	sadd.s32 $0x4000, s28;
	s11 =	sadd.s32 $0x6000, s28;
	[dreg:$0x5] =	wrdreg s29  }
0xd: {  	s12 =	sadd.s32 $0x8000, s28;
	s13 =	sadd.s32 $0xA000, s28;
	[dreg:$0x6] =	wrdreg s30  }
0xe: {  	s25 =	sadd.s32 $0xC000, s28;
	s0 =	sadd.s32 s8, s0;
	[dreg:$0x7] =	wrdreg s11  }
0xf: {  	s8 =	ssub.s32 s26, s10;
	[dreg:$0x8] =	wrdreg s12;
	s14 =	sadd.s32 $0x40, s9  }
0x10: {  	[dreg:$0x9] =	wrdreg s13;
	s15 =	sshrl.u32 s9, $0x3;
	s3 =	sadd.s32 s7, s3  }
0x11: {  	s19 =	sadd.s32 $0x940, s9;
	[dreg:$0x14] =	wrdreg s25;
	s26 =	sadd.s32 $0xE000, s28  }
0x12: {  	s29 =	sadd.s32 $0x10000, s28;
	s30 =	sadd.s32 $0x12000, s28;
	s31 =	sadd.s32 $0x80, s9  }
0x13: {  	s25 =	simm.s32 $0x4;
	s11 =	simm.s32 $0x0;
	[dreg:$0xb] =	wrdreg s3  }
0x14: {  	s16 =	sshrl.u32 s14, $0x3;
	s12 =	sadd.s32 s6, s15;
	[dreg:$0x15] =	wrdreg s26  }
0x15: {  	s18 =	sshll.u32 s14, $0x4;
	s10 =	sadd.s32 s1, s15;
	[dreg:$0x16] =	wrdreg s29  }
0x16: {  	s21 =	sshrl.u32 s19, $0x3;
	s23 =	sshll.u32 s19, $0x4;
	[dreg:$0x17] =	wrdreg s30  }
0x17: {  	s0 =	sadd.s32 $0x2EC800, s0;
	s24 =	smax.u32 s8, $0x1;
	[dreg:$0xa] =	wrdreg s12  }
0x18: {  	s15 =	simm.s32 $0x1;
	s26 =	simm.s32 $0x180;
	[dreg:$0x12] =	wrdreg s0  }
0x19: {  	s17 =	sadd.s32 s6, s16;
	s3 =	sadd.s32 s7, s18;
	[dreg:$0x13] =	wrdreg s24  }
0x1a: {  	s20 =	sadd.s32 $0x120, s10;
	s22 =	sadd.s32 s6, s21;
	[dreg:$0xc] =	wrdreg s17  }
0x1b: {  	s0 =	sadd.s32 $0xC0, s9;
	s10 =	simm.s32 $0xA;
	[dreg:$0xd] =	wrdreg s3  }
0x1c: {  	s16 =	simm.s32 $0x40;
	s18 =	simm.s32 $0x2;
	[dreg:$0xe] =	wrdreg s20  }
0x1d: {  	s24 =	simm.s32 $0x6;
	[dreg:$0xf] =	wrdreg s22;
	s3 =	sadd.s32 s1, s21  }
0x1e: {  	s17 =	simm.s32 $0x300;
	s20 =	simm.s32 $0x5;
	s21 =	simm.s32 $0x3  }
0x1f: {  	v0 =	vimm.f32 $0.0e+00;
	vm0 =	vcmask $0x300;
	s22 =	simm.s32 $0x100;
	[dreg:$0x10] =	wrdreg s3;
	s3 =	sadd.s32 s7, s23  }
0x20: {  	v1 =	vsel vm0, $0x3F800000, v0;
	s23 =	simm.s32 $0x9;
	[dreg:$0x11] =	wrdreg s3;
	s3 =	simm.s32 $0x8300  }
.LBB2_1:
0x21: {  	s8 =	simm.s32 $0x0;
	s12 =	simm.s32 $0x0  }
.LBB2_2:
0x22: {  	p0 =	sne.s32 s12, $0x7FC0  }
.Ltmp0:
0x23: {  	_ = 	snop;
	(pc) =	sbr.rel @p0 .LBB2_2-.Ltmp0, $4  }
0x24: {  	s13 =	sand.u32 $0x7E00, s12  }
0x25: {  	s19 =	sand.u32 $0x70, s8;
	s13 =	sshrl.u32 s13, $0x2  }
0x26: {  	s13 =	sor.u32 s19, s13  }
0x27: {  	s8 =	sadd.s32 $0x10, s8;
	s12 =	sadd.s32 $0x40, s12;
	[tilespmem:s13+$0x8300] =	vst v0  }
0x28: {  	s8 =	simm.s32 $0x0  }
0x29: {  	s12 =	sand.u32 $0x7E00, s8  }
0x2a: {  	s13 =	sand.u32 $0x70, s8;
	s19 =	sshrl.u32 s12, $0x2  }
0x2b: {  	s12 =	simm.s32 $0x40;
	s13 =	sor.u32 s13, s19  }
.LBB2_4:
0x2c: {  	p0 =	sne.s32 s12, $0x7FC0  }
0x2d: {  	[tilespmem:s13+$0xA300] =	vst v0;
	s8 =	sadd.s32 $0x10, s8;
	s13 =	smov.u32 s12;
	s12 =	sadd.s32 $0x40, s12  }
.Ltmp1:
0x2e: {  	(pc) =	sbr.rel @p0 .LBB2_4-.Ltmp1, $4  }
0x2f: {  	_ = 	snop  }
0x30: {  	s13 =	sand.u32 $0x7E00, s13  }
0x31: {  	s19 =	sand.u32 $0x70, s8;
	s13 =	sshrl.u32 s13, $0x2  }
0x32: {  	s13 =	sor.u32 s19, s13  }
0x33: {  	[tilespmem:s13+$0xA300] =	vst v0  }
0x34: {  	[spmem:s28] =	stream.linear.scatter [tilespmem:s3], [sflag:$0xA], $0x2000, $0x38;
	[tilespmem:$0x1FF00] =	vst v63  }
0x35: {  	_ =	swait.ge [sflag:s10], $0x2000  }
0x36: {  	[sflag:s10] =	ssyncset.done $0x0  }
0x37: {  	s8 =	rddreg [dreg:$0x5];
	[sflag:s10] =	ssyncadd.s32 $0xFFFFE000  }
0x38: {  	[spmem:s8] =	stream.linear.scatter [tilespmem:s3], [sflag:$0xA], $0x2000, $0x38;
	[tilespmem:$0x1FF00] =	vst v63  }
0x39: {  	_ =	swait.ge [sflag:s10], $0x2000  }
0x3a: {  	[sflag:s10] =	ssyncset.done $0x0  }
0x3b: {  	s29 =	rddreg [dreg:$0x6];
	[sflag:s10] =	ssyncadd.s32 $0xFFFFE000  }
0x3c: {  	[spmem:s29] =	stream.linear.scatter [tilespmem:s3], [sflag:$0xA], $0x2000, $0x38;
	[tilespmem:$0x1FF00] =	vst v63  }
0x3d: {  	_ =	swait.ge [sflag:s10], $0x2000  }
0x3e: {  	[sflag:s10] =	ssyncset.done $0x0  }
0x3f: {  	s30 =	rddreg [dreg:$0x7];
	[sflag:s10] =	ssyncadd.s32 $0xFFFFE000  }
0x40: {  	[spmem:s30] =	stream.linear.scatter [tilespmem:s3], [sflag:$0xA], $0x2000, $0x38;
	[tilespmem:$0x1FF00] =	vst v63  }
0x41: {  	_ =	swait.ge [sflag:s10], $0x2000  }
0x42: {  	[sflag:s10] =	ssyncset.done $0x0  }
0x43: {  	s12 =	rddreg [dreg:$0x8];
	[sflag:s10] =	ssyncadd.s32 $0xFFFFE000  }
0x44: {  	[spmem:s12] =	stream.linear.scatter [tilespmem:s3], [sflag:$0xA], $0x2000, $0x38;
	[tilespmem:$0x1FF00] =	vst v63  }
0x45: {  	_ =	swait.ge [sflag:s10], $0x2000  }
0x46: {  	[sflag:s10] =	ssyncset.done $0x0  }
0x47: {  	s13 =	rddreg [dreg:$0x9];
	[sflag:s10] =	ssyncadd.s32 $0xFFFFE000  }
0x48: {  	[spmem:s13] =	stream.linear.scatter [tilespmem:s3], [sflag:$0xA], $0x2000, $0x38;
	[tilespmem:$0x1FF00] =	vst v63  }
0x49: {  	_ =	swait.ge [sflag:s10], $0x2000  }
0x4a: {  	[sflag:s10] =	ssyncset.done $0x0  }
0x4b: {  	s19 =	rddreg [dreg:$0x14];
	[sflag:s10] =	ssyncadd.s32 $0xFFFFE000  }
0x4c: {  	[spmem:s19] =	stream.linear.scatter [tilespmem:s3], [sflag:$0xA], $0x2000, $0x38;
	[tilespmem:$0x1FF00] =	vst v63  }
0x4d: {  	_ =	swait.ge [sflag:s10], $0x2000  }
0x4e: {  	[sflag:s10] =	ssyncset.done $0x0  }
0x4f: {  	s28 =	rddreg [dreg:$0x15];
	[sflag:s10] =	ssyncadd.s32 $0xFFFFE000  }
0x50: {  	[spmem:s28] =	stream.linear.scatter [tilespmem:s3], [sflag:$0xA], $0x2000, $0x38;
	[tilespmem:$0x1FF00] =	vst v63  }
0x51: {  	_ =	swait.ge [sflag:s10], $0x2000  }
0x52: {  	[sflag:s10] =	ssyncset.done $0x0  }
0x53: {  	s29 =	rddreg [dreg:$0x16];
	[sflag:s10] =	ssyncadd.s32 $0xFFFFE000  }
0x54: {  	[spmem:s29] =	stream.linear.scatter [tilespmem:s3], [sflag:$0xA], $0x2000, $0x38;
	[tilespmem:$0x1FF00] =	vst v63  }
0x55: {  	_ =	swait.ge [sflag:s10], $0x2000  }
0x56: {  	[sflag:s10] =	ssyncset.done $0x0  }
0x57: {  	s30 =	rddreg [dreg:$0x17];
	[sflag:s10] =	ssyncadd.s32 $0xFFFFE000  }
0x58: {  	[spmem:s30] =	stream.linear.scatter [tilespmem:s3], [sflag:$0xA], $0x1C00, $0x38;
	[tilespmem:$0x1FF00] =	vst v63  }
0x59: {  	_ =	swait.ge [sflag:s10], $0x1C00  }
0x5a: {  	[sflag:s10] =	ssyncset.done $0x0  }
0x5b: {  	s8 =	simm.s32 $0x200;
	s12 =	simm.s32 $0x0;
	[sflag:s10] =	ssyncadd.s32 $0xFFFFE400  }
.LBB2_6:
0x5c: {  	p0 =	sne.s32 s8, $0x7E00;
	[tilespmem:s12+$0x8370] =	vst v1;
	s12 =	smov.u32 s8;
	s8 =	sadd.s32 $0x200, s8  }
.Ltmp2:
0x5d: {  	(pc) =	sbr.rel @p0 .LBB2_6-.Ltmp2, $2  }
0x5e: {  	_ =	sdelay $0x2  }
0x5f: {  	s12 =	sshra.s32 s12, $0x2  }
0x60: {  	[dreg:$0x18] =	wrdreg s11;
	[tilespmem:s12+$0x8370] =	vst v1;
	s8 =	simm.s32 $0x200;
	s12 =	simm.s32 $0x0  }
.LBB2_8:
0x61: {  	p0 =	sne.s32 s8, $0x7E00;
	[tilespmem:s12+$0xA370] =	vst v1;
	s12 =	smov.u32 s8;
	s8 =	sadd.s32 $0x200, s8  }
.Ltmp3:
0x62: {  	(pc) =	sbr.rel @p0 .LBB2_8-.Ltmp3, $2  }
0x63: {  	_ =	sdelay $0x2  }
0x64: {  	s12 =	sshra.s32 s12, $0x2  }
0x65: {  	[tilespmem:s12+$0xA370] =	vst v1  }
0x66: {  	[bflag:$0x0] =	sbarrier.arrive $0xFFFF  }
0x67: {  	s8 =	simm.s32 $0x0;
	s28 =	rddreg [dreg:$0xa]  }
0x68: {  	[tilespmem:s8], [sflag:$0x1] =	stream.linear.gather [hbm4b:s28+s8], $0x40, $0x38;
	[tilespmem:$0x1FF00] =	vst v63  }
0x69: {  	s11 =	simm.s32 $0x4300;
	s30 =	rddreg [dreg:$0xb]  }
0x6a: {  	[tilespmem:s11], [sflag:$0x3] =	stream.linear.gather [hbm4b:s30+s8], $0x2000, $0x38;
	[tilespmem:$0x1FF00] =	vst v63  }
0x6b: {  	s13 =	simm.s32 $0x80;
	s11 =	rddreg [dreg:$0xc]  }
0x6c: {  	[tilespmem:s13], [sflag:$0x2] =	stream.linear.gather [hbm4b:s11+s8], $0x40, $0x38;
	[tilespmem:$0x1FF00] =	vst v63  }
0x6d: {  	s19 =	rddreg [dreg:$0xd];
	s28 =	simm.s32 $0x6300  }
0x6e: {  	[tilespmem:s28], [sflag:$0x4] =	stream.linear.gather [hbm4b:s19+s8], $0x2000, $0x38;
	[tilespmem:$0x1FF00] =	vst v63  }
0x6f: {  	_ =	swait.ge [sflag:s15], $0x40  }
0x70: {  	[sflag:s15] =	ssyncset.done $0x0  }
0x71: {  	[sflag:s15] =	ssyncadd.s32 $0xFFFFFFC0  }
0x72: {  	[tilespmem:s17], [sflag:$0x5] =	stream.indirect.gather [hbm4b:s5+s16], $0x80, s8, s16, $0xb8;
	[tilespmem:$0x1FF00] =	vst v63  }
0x73: {  	_ =	swait.ge [sflag:s18], $0x40  }
0x74: {  	s29 =	simm.s32 $0x0;
	[sflag:s18] =	ssyncset.done $0x0  }
0x75: {  	s30 =	simm.s32 $0x2300;
	s11 =	simm.s32 $0x80;
	[sflag:s18] =	ssyncadd.s32 $0xFFFFFFC0  }
0x76: {  	[tilespmem:s30], [sflag:$0x6] =	stream.indirect.gather [hbm4b:s5+s16], $0x80, s13, s16, $0xb8;
	[tilespmem:$0x1FF00] =	vst v63  }
.LBB2_10:
0x77: {  	_ =	swait.ge [sflag:s20], $0x2000  }
0x78: {  	[sflag:s20] =	ssyncset.done $0x0  }
0x79: {  	[sflag:s20] =	ssyncadd.s32 $0xFFFFE000  }
0x7a: {  	_ =	swait.ge [sflag:s21], $0x2000  }
0x7b: {  	p0 =	seq.s32 s29, $0x0;
	[sflag:s21] =	ssyncset.done $0x0  }
0x7c: {  	s30 =	sshll.u32 s29, $0x7;
	s12 =	simm.s32 @!p0 $0x7;
	[sflag:s21] =	ssyncadd.s32 $0xFFFFE000  }
0x7d: {  	s13 =	sadd.s32 s9, s30;
	_ =	swait.ge @!p0 [sflag:s12], $0x2000  }
0x7e: {  	s13 =	sshrl.u32 s13, $0x3;
	[sflag:s12] =	ssyncset.done @!p0 $0x0  }
0x7f: {  	s13 =	sadd.s32 s1, s13;
	[sflag:s12] =	ssyncadd.s32 @!p0 $0xFFFFE000  }
0x80: {  	[tilespmem:s22], [sflag:$0x9] =	stream.linear.gather [hbm4b:s13+s8], $0x40, $0x38;
	[tilespmem:$0x1FF00] =	vst v63  }
0x81: {  	s13 =	sadd.s32 s30, s31  }
0x82: {  	s19 =	sshrl.u32 s13, $0x3  }
0x83: {  	s12 =	sadd.s32 s6, s19;
	s19 =	simm.s32 $0x0  }
0x84: {  	[tilespmem:s8], [sflag:$0x1] =	stream.linear.gather [hbm4b:s12+s8], $0x40, $0x38;
	[tilespmem:$0x1FF00] =	vst v63  }
0x85: {  	v2 =	vld [tilespmem:s19+$0x300]  }
0x86: {  	v3 =	vld [tilespmem:s19+$0x4360]  }
0x87: {  	v5 =	vld [tilespmem:s19+$0x4300]  }
0x88: {  	v6 =	vld [tilespmem:s19+$0x310]  }
0x89: {  	v8 =	vld [tilespmem:s19+$0x4310]  }
0x8a: {  	v9 =	vld [tilespmem:s19+$0x320]  }
0x8b: {  	v10 =	vld [tilespmem:s19+$0x4320]  }
0x8c: {  	v4 =	vld [tilespmem:s19+$0x330];
	v7 =	vmul.f32 v5, v2  }
0x8d: {  	v3 =	vmul.f32 v3, v2;
	v5 =	vld [tilespmem:s19+$0x4330]  }
0x8e: {  	v8 =	vmul.f32 v8, v6;
	[tilespmem:s19+$0x8300] =	vst v7;
	v7 =	vld [tilespmem:s19+$0x4340]  }
0x8f: {  	s28 =	simm.s32 $0x80;
	v6 =	vld [tilespmem:s19+$0x4350];
	[tilespmem:s19+$0x8360] =	vst v3  }
0x90: {  	s12 =	simm.s32 $0x400;
	v3 =	vld [tilespmem:s28+$0x300];
	[tilespmem:s19+$0x8310] =	vst v8;
	v8 =	vmul.f32 v10, v9  }
.LBB2_11:
0x91: {  	p1 =	sne.s32 s12, $0x7E00;
	v9 =	vld [tilespmem:s28+$0x4360]  }
0x92: {  	v10 =	vld [tilespmem:s28+$0x4300];
	[tilespmem:s19+$0x8320] =	vst v8;
	v4 =	vmul.f32 v5, v4  }
0x93: {  	v8 =	vld [tilespmem:s28+$0x310];
	v5 =	vmul.f32 v7, v2  }
0x94: {  	v7 =	vld [tilespmem:s28+$0x4310];
	[tilespmem:s19+$0x8330] =	vst v4;
	v4 =	vmul.f32 v6, v2  }
0x95: {  	v11 =	vld [tilespmem:s28+$0x320];
	[tilespmem:s19+$0x8340] =	vst v5;
	v2 =	vmov v3  }
0x96: {  	v12 =	vld [tilespmem:s28+$0x4320];
	v3 =	vmul.f32 v9, v2;
	[tilespmem:s19+$0x8350] =	vst v4;
	s19 =	smov.u32 s28  }
.Ltmp4:
0x97: {  	v6 =	vmul.f32 v10, v2;
	v4 =	vld [tilespmem:s19+$0x330];
	(pc) =	sbr.rel @p1 .LBB2_11-.Ltmp4, $4  }
0x98: {  	v5 =	vld [tilespmem:s19+$0x4330];
	[tilespmem:s19+$0x8360] =	vst v3  }
0x99: {  	[tilespmem:s19+$0x8300] =	vst v6;
	v8 =	vmul.f32 v7, v8;
	v7 =	vld [tilespmem:s19+$0x4340]  }
0x9a: {  	s28 =	sshra.s32 s12, $0x2;
	v6 =	vld [tilespmem:s19+$0x4350]  }
0x9b: {  	s12 =	sadd.s32 $0x200, s12;
	v3 =	vld [tilespmem:s28+$0x300];
	[tilespmem:s19+$0x8310] =	vst v8;
	v8 =	vmul.f32 v12, v11  }
0x9c: {  	v9 =	vld [tilespmem:s28+$0x4360]  }
0x9d: {  	v10 =	vld [tilespmem:s28+$0x4300];
	[tilespmem:s19+$0x8320] =	vst v8;
	v4 =	vmul.f32 v5, v4  }
0x9e: {  	v5 =	vld [tilespmem:s28+$0x310];
	v7 =	vmul.f32 v7, v2  }
0x9f: {  	v8 =	vld [tilespmem:s28+$0x4310];
	[tilespmem:s19+$0x8330] =	vst v4;
	v2 =	vmul.f32 v6, v2  }
0xa0: {  	v4 =	vld [tilespmem:s28+$0x320];
	[tilespmem:s19+$0x8340] =	vst v7  }
0xa1: {  	v6 =	vld [tilespmem:s28+$0x4320];
	[tilespmem:s19+$0x8350] =	vst v2  }
0xa2: {  	v2 =	vmul.f32 v9, v3;
	v7 =	vld [tilespmem:s28+$0x330]  }
0xa3: {  	v9 =	vmul.f32 v10, v3;
	v10 =	vld [tilespmem:s28+$0x4330]  }
0xa4: {  	[tilespmem:s28+$0x8360] =	vst v2;
	v2 =	vld [tilespmem:s28+$0x4340]  }
0xa5: {  	[tilespmem:s28+$0x8300] =	vst v9;
	v9 =	vld [tilespmem:s28+$0x4350]  }
0xa6: {  	v5 =	vmul.f32 v8, v5  }
0xa7: {  	v4 =	vmul.f32 v6, v4  }
0xa8: {  	[tilespmem:s28+$0x8310] =	vst v5;
	v5 =	vmul.f32 v10, v7  }
0xa9: {  	[tilespmem:s28+$0x8320] =	vst v4;
	v2 =	vmul.f32 v2, v3  }
0xaa: {  	v3 =	vmul.f32 v9, v3;
	[tilespmem:s28+$0x8330] =	vst v5  }
0xab: {  	[tilespmem:s28+$0x8340] =	vst v2  }
0xac: {  	[tilespmem:s28+$0x8350] =	vst v3  }
0xad: {  	_ =	swait.ge [sflag:s23], $0x40  }
0xae: {  	[sflag:s23] =	ssyncset.done $0x0  }
0xaf: {  	s12 =	sshll.u32 s13, $0x4;
	[sflag:s23] =	ssyncadd.s32 $0xFFFFFFC0  }
0xb0: {  	[spmem:s2] =	stream.indirect.scatter.add.f32 [tilespmem:s3], [sflag:$0x7], $0x80, s22, s16, $0xb8;
	[tilespmem:$0x1FF00] =	vst v63  }
0xb1: {  	s12 =	sadd.s32 s7, s12;
	s28 =	simm.s32 $0x4300  }
0xb2: {  	[tilespmem:s28], [sflag:$0x3] =	stream.linear.gather [hbm4b:s12+s4], $0x2000, $0x38;
	[tilespmem:$0x1FF00] =	vst v63  }
0xb3: {  	_ =	swait.ge [sflag:s15], $0x40  }
0xb4: {  	[sflag:s15] =	ssyncset.done $0x0  }
0xb5: {  	[sflag:s15] =	ssyncadd.s32 $0xFFFFFFC0  }
0xb6: {  	[tilespmem:s17], [sflag:$0x5] =	stream.indirect.gather [hbm4b:s5+s16], $0x80, s4, s16, $0xb8;
	[tilespmem:$0x1FF00] =	vst v63  }
0xb7: {  	_ =	swait.ge [sflag:s24], $0x2000  }
0xb8: {  	[sflag:s24] =	ssyncset.done $0x0  }
0xb9: {  	[sflag:s24] =	ssyncadd.s32 $0xFFFFE000  }
0xba: {  	_ =	swait.ge [sflag:s25], $0x2000  }
0xbb: {  	[sflag:s25] =	ssyncset.done $0x0  }
0xbc: {  	s12 =	simm.s32 @!p0 $0x8;
	[sflag:s25] =	ssyncadd.s32 $0xFFFFE000  }
0xbd: {  	s19 =	sadd.s32 s30, s14;
	_ =	swait.ge @!p0 [sflag:s12], $0x2000  }
0xbe: {  	s13 =	sshrl.u32 s19, $0x3;
	[sflag:s12] =	ssyncset.done @!p0 $0x0  }
0xbf: {  	s28 =	sadd.s32 s1, s13;
	[sflag:s12] =	ssyncadd.s32 @!p0 $0xFFFFE000;
	p0 =	seq.s32 s29, $0x11  }
0xc0: {  	[tilespmem:s26], [sflag:$0x9] =	stream.linear.gather [hbm4b:s28+s4], $0x40, $0x38;
	[tilespmem:$0x1FF00] =	vst v63  }
0xc1: {  	s12 =	sadd.s32 @!p0 s30, s0  }
0xc2: {  	s12 =	sshrl.u32 @!p0 s12, $0x3  }
0xc3: {  	s13 =	simm.s32 @!p0 $0x0;
	s19 =	simm.s32 @!p0 $0x80;
	s12 =	sadd.s32 @!p0 s6, s12  }
0xc4: {  	[tilespmem:s19], [sflag:$0x2] =	stream.linear.gather @!p0 [hbm4b:s12+s13], $0x40, $0x38;
	[tilespmem:$0x1FF00] =	vst v63  }
0xc5: {  	s13 =	simm.s32 $0x0  }
0xc6: {  	v2 =	vld [tilespmem:s13+$0x2300]  }
0xc7: {  	v3 =	vld [tilespmem:s13+$0x6360]  }
0xc8: {  	v5 =	vld [tilespmem:s13+$0x6300]  }
0xc9: {  	v6 =	vld [tilespmem:s13+$0x2310]  }
0xca: {  	v8 =	vld [tilespmem:s13+$0x6310]  }
0xcb: {  	v9 =	vld [tilespmem:s13+$0x2320]  }
0xcc: {  	v10 =	vld [tilespmem:s13+$0x6320]  }
0xcd: {  	v4 =	vld [tilespmem:s13+$0x2330];
	v7 =	vmul.f32 v5, v2  }
0xce: {  	v3 =	vmul.f32 v3, v2;
	v5 =	vld [tilespmem:s13+$0x6330]  }
0xcf: {  	v8 =	vmul.f32 v8, v6;
	[tilespmem:s13+$0xA300] =	vst v7;
	v7 =	vld [tilespmem:s13+$0x6340]  }
0xd0: {  	s19 =	simm.s32 $0x80;
	v6 =	vld [tilespmem:s13+$0x6350];
	[tilespmem:s13+$0xA360] =	vst v3  }
0xd1: {  	s12 =	simm.s32 $0x400;
	v3 =	vld [tilespmem:s19+$0x2300];
	[tilespmem:s13+$0xA310] =	vst v8;
	v8 =	vmul.f32 v10, v9  }
.LBB2_13:
0xd2: {  	p1 =	sne.s32 s12, $0x7E00;
	v9 =	vld [tilespmem:s19+$0x6360]  }
0xd3: {  	v10 =	vld [tilespmem:s19+$0x6300];
	[tilespmem:s13+$0xA320] =	vst v8;
	v4 =	vmul.f32 v5, v4  }
0xd4: {  	v8 =	vld [tilespmem:s19+$0x2310];
	v5 =	vmul.f32 v7, v2  }
0xd5: {  	v7 =	vld [tilespmem:s19+$0x6310];
	[tilespmem:s13+$0xA330] =	vst v4;
	v4 =	vmul.f32 v6, v2  }
0xd6: {  	v11 =	vld [tilespmem:s19+$0x2320];
	[tilespmem:s13+$0xA340] =	vst v5;
	v2 =	vmov v3  }
0xd7: {  	v12 =	vld [tilespmem:s19+$0x6320];
	v3 =	vmul.f32 v9, v2;
	[tilespmem:s13+$0xA350] =	vst v4;
	s13 =	smov.u32 s19  }
.Ltmp5:
0xd8: {  	v6 =	vmul.f32 v10, v2;
	v4 =	vld [tilespmem:s13+$0x2330];
	(pc) =	sbr.rel @p1 .LBB2_13-.Ltmp5, $4  }
0xd9: {  	v5 =	vld [tilespmem:s13+$0x6330];
	[tilespmem:s13+$0xA360] =	vst v3  }
0xda: {  	[tilespmem:s13+$0xA300] =	vst v6;
	v8 =	vmul.f32 v7, v8;
	v7 =	vld [tilespmem:s13+$0x6340]  }
0xdb: {  	s19 =	sshra.s32 s12, $0x2;
	v6 =	vld [tilespmem:s13+$0x6350]  }
0xdc: {  	s12 =	sadd.s32 $0x200, s12;
	v3 =	vld [tilespmem:s19+$0x2300];
	[tilespmem:s13+$0xA310] =	vst v8;
	v8 =	vmul.f32 v12, v11  }
0xdd: {  	v9 =	vld [tilespmem:s19+$0x6360]  }
0xde: {  	v10 =	vld [tilespmem:s19+$0x6300];
	[tilespmem:s13+$0xA320] =	vst v8;
	v4 =	vmul.f32 v5, v4  }
0xdf: {  	v58 =	vld [tilespmem:s19+$0x2310];
	v7 =	vmul.f32 v7, v2  }
0xe0: {  	v8 =	vld [tilespmem:s19+$0x6310];
	[tilespmem:s13+$0xA330] =	vst v4;
	v2 =	vmul.f32 v6, v2  }
0xe1: {  	v4 =	vld [tilespmem:s19+$0x2320];
	[tilespmem:s13+$0xA340] =	vst v7  }
0xe2: {  	v59 =	vld [tilespmem:s19+$0x6320];
	[tilespmem:s13+$0xA350] =	vst v2  }
0xe3: {  	v2 =	vmul.f32 v9, v3;
	v7 =	vld [tilespmem:s19+$0x2330]  }
0xe4: {  	v61 =	vld [tilespmem:s19+$0x6330]  }
0xe5: {  	[tilespmem:s19+$0xA360] =	vst v2;
	v2 =	vld [tilespmem:s19+$0x6340]  }
0xe6: {  	v60 =	vmul.f32 v10, v3;
	v62 =	vld [tilespmem:s19+$0x6350]  }
0xe7: {  	v5 =	vmul.f32 v8, v58  }
0xe8: {  	[tilespmem:s19+$0xA300] =	vst v60;
	v4 =	vmul.f32 v59, v4  }
0xe9: {  	[tilespmem:s19+$0xA310] =	vst v5;
	v63 =	vmul.f32 v61, v7  }
0xea: {  	[tilespmem:s19+$0xA320] =	vst v4;
	v2 =	vmul.f32 v2, v3  }
0xeb: {  	v3 =	vmul.f32 v62, v3;
	[tilespmem:s19+$0xA330] =	vst v63  }
0xec: {  	[tilespmem:s19+$0xA340] =	vst v2  }
.Ltmp6:
0xed: {  	[tilespmem:s19+$0xA350] =	vst v3;
	(pc) =	sbr.rel @p0 .LBB2_16-.Ltmp6, $4  }
0xee: {  	_ =	swait.ge [sflag:s23], $0x40  }
0xef: {  	[sflag:s23] =	ssyncset.done $0x0  }
0xf0: {  	s12 =	simm.s32 $0xA300;
	[sflag:s23] =	ssyncadd.s32 $0xFFFFFFC0  }
0xf1: {  	[spmem:s2] =	stream.indirect.scatter.add.f32 [tilespmem:s12], [sflag:$0x8], $0x80, s26, s16, $0xb8;
	[tilespmem:$0x1FF00] =	vst v63  }
0xf2: {  	s12 =	sadd.s32 s30, s0  }
0xf3: {  	s12 =	sshll.u32 s12, $0x4  }
0xf4: {  	s13 =	simm.s32 $0x6300;
	s12 =	sadd.s32 s7, s12  }
0xf5: {  	[tilespmem:s13], [sflag:$0x4] =	stream.linear.gather [hbm4b:s12+s4], $0x2000, $0x38;
	[tilespmem:$0x1FF00] =	vst v63  }
.Ltmp7:
0xf6: {  	_ = 	snop;
	(pc) =	sbr.rel .LBB2_10-.Ltmp7, $4  }
0xf7: {  	_ =	swait.ge [sflag:s18], $0x40  }
0xf8: {  	[sflag:s18] =	ssyncset.done $0x0  }
0xf9: {  	s30 =	simm.s32 $0x2300;
	s29 =	sadd.s32 $0x1, s29;
	[sflag:s18] =	ssyncadd.s32 $0xFFFFFFC0  }
0xfa: {  	[tilespmem:s30], [sflag:$0x6] =	stream.indirect.gather [hbm4b:s5+s16], $0x80, s11, s16, $0xb8;
	[tilespmem:$0x1FF00] =	vst v63  }
.LBB2_16:
0xfb: {  	_ =	swait.ge [sflag:s20], $0x2000  }
0xfc: {  	[sflag:s20] =	ssyncset.done $0x0  }
0xfd: {  	[sflag:s20] =	ssyncadd.s32 $0xFFFFE000  }
0xfe: {  	_ =	swait.ge [sflag:s21], $0x2000  }
0xff: {  	[sflag:s21] =	ssyncset.done $0x0  }
0x100: {  	s11 =	simm.s32 $0x7;
	[sflag:s21] =	ssyncadd.s32 $0xFFFFE000  }
0x101: {  	_ =	swait.ge [sflag:s11], $0x2000  }
0x102: {  	[sflag:s11] =	ssyncset.done $0x0  }
0x103: {  	s8 =	simm.s32 $0x0;
	s12 =	rddreg [dreg:$0xe];
	[sflag:s11] =	ssyncadd.s32 $0xFFFFE000  }
0x104: {  	[tilespmem:s22], [sflag:$0x9] =	stream.linear.gather [hbm4b:s12+s8], $0x40, $0x38;
	[tilespmem:$0x1FF00] =	vst v63  }
0x105: {  	s8 =	simm.s32 $0x0  }
0x106: {  	v2 =	vld [tilespmem:s8+$0x300]  }
0x107: {  	v3 =	vld [tilespmem:s8+$0x4360]  }
0x108: {  	v5 =	vld [tilespmem:s8+$0x4300]  }
0x109: {  	v6 =	vld [tilespmem:s8+$0x310]  }
0x10a: {  	v8 =	vld [tilespmem:s8+$0x4310]  }
0x10b: {  	v9 =	vld [tilespmem:s8+$0x320]  }
0x10c: {  	v10 =	vld [tilespmem:s8+$0x4320]  }
0x10d: {  	v4 =	vld [tilespmem:s8+$0x330];
	v7 =	vmul.f32 v5, v2  }
0x10e: {  	v3 =	vmul.f32 v3, v2;
	v5 =	vld [tilespmem:s8+$0x4330]  }
0x10f: {  	v8 =	vmul.f32 v8, v6;
	[tilespmem:s8+$0x8300] =	vst v7;
	v7 =	vld [tilespmem:s8+$0x4340]  }
0x110: {  	s13 =	simm.s32 $0x80;
	v6 =	vld [tilespmem:s8+$0x4350];
	[tilespmem:s8+$0x8360] =	vst v3  }
0x111: {  	s19 =	simm.s32 $0x280;
	s12 =	simm.s32 $0x400;
	v3 =	vld [tilespmem:s13+$0x300];
	[tilespmem:s8+$0x8310] =	vst v8;
	v8 =	vmul.f32 v10, v9  }
.LBB2_17:
0x112: {  	p0 =	sne.s32 s12, $0x7E00;
	v9 =	vld [tilespmem:s13+$0x4360]  }
0x113: {  	v10 =	vld [tilespmem:s13+$0x4300];
	[tilespmem:s8+$0x8320] =	vst v8;
	v4 =	vmul.f32 v5, v4  }
0x114: {  	v8 =	vld [tilespmem:s13+$0x310];
	v5 =	vmul.f32 v7, v2  }
0x115: {  	v7 =	vld [tilespmem:s13+$0x4310];
	[tilespmem:s8+$0x8330] =	vst v4;
	v4 =	vmul.f32 v6, v2  }
0x116: {  	v11 =	vld [tilespmem:s13+$0x320];
	[tilespmem:s8+$0x8340] =	vst v5;
	v2 =	vmov v3  }
0x117: {  	v12 =	vld [tilespmem:s13+$0x4320];
	v3 =	vmul.f32 v9, v2;
	[tilespmem:s8+$0x8350] =	vst v4;
	s8 =	smov.u32 s13  }
.Ltmp8:
0x118: {  	v6 =	vmul.f32 v10, v2;
	v4 =	vld [tilespmem:s8+$0x330];
	(pc) =	sbr.rel @p0 .LBB2_17-.Ltmp8, $4  }
0x119: {  	v5 =	vld [tilespmem:s8+$0x4330];
	[tilespmem:s8+$0x8360] =	vst v3  }
0x11a: {  	[tilespmem:s8+$0x8300] =	vst v6;
	v8 =	vmul.f32 v7, v8;
	v7 =	vld [tilespmem:s8+$0x4340]  }
0x11b: {  	s13 =	sshra.s32 s12, $0x2;
	v6 =	vld [tilespmem:s8+$0x4350]  }
0x11c: {  	s12 =	sadd.s32 $0x200, s12;
	v3 =	vld [tilespmem:s13+$0x300];
	[tilespmem:s8+$0x8310] =	vst v8;
	v8 =	vmul.f32 v12, v11  }
0x11d: {  	v9 =	vld [tilespmem:s13+$0x4360]  }
0x11e: {  	v10 =	vld [tilespmem:s13+$0x4300];
	[tilespmem:s8+$0x8320] =	vst v8;
	v4 =	vmul.f32 v5, v4  }
0x11f: {  	v5 =	vld [tilespmem:s13+$0x310];
	v7 =	vmul.f32 v7, v2  }
0x120: {  	v8 =	vld [tilespmem:s13+$0x4310];
	[tilespmem:s8+$0x8330] =	vst v4;
	v2 =	vmul.f32 v6, v2  }
0x121: {  	v4 =	vld [tilespmem:s13+$0x320];
	[tilespmem:s8+$0x8340] =	vst v7  }
0x122: {  	v6 =	vld [tilespmem:s13+$0x4320];
	[tilespmem:s8+$0x8350] =	vst v2  }
0x123: {  	v2 =	vmul.f32 v9, v3;
	v7 =	vld [tilespmem:s13+$0x330]  }
0x124: {  	v9 =	vmul.f32 v10, v3;
	v10 =	vld [tilespmem:s13+$0x4330]  }
0x125: {  	[tilespmem:s13+$0x8360] =	vst v2;
	v2 =	vld [tilespmem:s13+$0x4340]  }
0x126: {  	[tilespmem:s13+$0x8300] =	vst v9;
	v9 =	vld [tilespmem:s13+$0x4350]  }
0x127: {  	v5 =	vmul.f32 v8, v5  }
0x128: {  	v4 =	vmul.f32 v6, v4  }
0x129: {  	[tilespmem:s13+$0x8310] =	vst v5;
	v5 =	vmul.f32 v10, v7  }
0x12a: {  	[tilespmem:s13+$0x8320] =	vst v4;
	v2 =	vmul.f32 v2, v3  }
0x12b: {  	v3 =	vmul.f32 v9, v3;
	[tilespmem:s13+$0x8330] =	vst v5  }
0x12c: {  	[tilespmem:s13+$0x8340] =	vst v2  }
0x12d: {  	[tilespmem:s13+$0x8350] =	vst v3  }
0x12e: {  	_ =	swait.ge [sflag:s23], $0x40  }
0x12f: {  	[sflag:s23] =	ssyncset.done $0x0  }
0x130: {  	[sflag:s23] =	ssyncadd.s32 $0xFFFFFFC0  }
0x131: {  	[spmem:s2] =	stream.indirect.scatter.add.f32 [tilespmem:s3], [sflag:$0x7], $0x80, s22, s16, $0xb8;
	[tilespmem:$0x1FF00] =	vst v63  }
0x132: {  	_ =	swait.ge [sflag:s11], $0x2000  }
0x133: {  	[sflag:s11] =	ssyncset.done $0x0  }
0x134: {  	s30 =	simm.s32 $0x8;
	[sflag:s11] =	ssyncadd.s32 $0xFFFFE000  }
0x135: {  	_ =	swait.ge [sflag:s30], $0x2000  }
0x136: {  	s8 =	simm.s32 $0x0;
	[sflag:s30] =	ssyncset.done $0x0  }
0x137: {  	s13 =	simm.s32 $0x200;
	s12 =	rddreg [dreg:$0xf];
	[sflag:s30] =	ssyncadd.s32 $0xFFFFE000  }
0x138: {  	[tilespmem:s13], [sflag:$0xA] =	stream.linear.gather [hbm4b:s12+s8], $0x20, $0x38;
	[tilespmem:$0x1FF00] =	vst v63  }
0x139: {  	_ =	swait.ge [sflag:s10], $0x20  }
0x13a: {  	[sflag:s10] =	ssyncset.done $0x0  }
0x13b: {  	s11 =	rddreg [dreg:$0x10];
	[sflag:s10] =	ssyncadd.s32 $0xFFFFFFE0  }
0x13c: {  	[tilespmem:s19], [sflag:$0xA] =	stream.linear.gather [hbm4b:s11+s8], $0x20, $0x38;
	[tilespmem:$0x1FF00] =	vst v63  }
0x13d: {  	_ =	swait.ge [sflag:s10], $0x20  }
0x13e: {  	[sflag:s10] =	ssyncset.done $0x0  }
0x13f: {  	s30 =	simm.s32 $0x4300;
	s29 =	rddreg [dreg:$0x11];
	[sflag:s10] =	ssyncadd.s32 $0xFFFFFFE0  }
0x140: {  	[tilespmem:s30], [sflag:$0xA] =	stream.linear.gather [hbm4b:s29+s8], $0x1000, $0x38;
	[tilespmem:$0x1FF00] =	vst v63  }
0x141: {  	_ =	swait.ge [sflag:s10], $0x1000  }
0x142: {  	[sflag:s10] =	ssyncset.done $0x0  }
0x143: {  	s11 =	simm.s32 $0x20;
	[sflag:s10] =	ssyncadd.s32 $0xFFFFF000  }
0x144: {  	[tilespmem:s17], [sflag:$0x9] =	stream.indirect.gather [hbm4b:s5+s11], $0x80, s13, s11, $0xb8;
	[tilespmem:$0x1FF00] =	vst v63  }
0x145: {  	_ =	swait.ge [sflag:s23], $0x1000  }
0x146: {  	[sflag:s23] =	ssyncset.done $0x0  }
0x147: {  	s8 =	simm.s32 $0x0;
	[sflag:s23] =	ssyncadd.s32 $0xFFFFF000  }
0x148: {  	v2 =	vld [tilespmem:s8+$0x300]  }
0x149: {  	v3 =	vld [tilespmem:s8+$0x4360]  }
0x14a: {  	v5 =	vld [tilespmem:s8+$0x4300]  }
0x14b: {  	v6 =	vld [tilespmem:s8+$0x310]  }
0x14c: {  	v8 =	vld [tilespmem:s8+$0x4310]  }
0x14d: {  	v9 =	vld [tilespmem:s8+$0x320]  }
0x14e: {  	v10 =	vld [tilespmem:s8+$0x4320]  }
0x14f: {  	v4 =	vld [tilespmem:s8+$0x330];
	v7 =	vmul.f32 v5, v2  }
0x150: {  	v3 =	vmul.f32 v3, v2;
	v5 =	vld [tilespmem:s8+$0x4330]  }
0x151: {  	v8 =	vmul.f32 v8, v6;
	[tilespmem:s8+$0x8300] =	vst v7;
	v7 =	vld [tilespmem:s8+$0x4340]  }
0x152: {  	s13 =	simm.s32 $0x80;
	v6 =	vld [tilespmem:s8+$0x4350];
	[tilespmem:s8+$0x8360] =	vst v3  }
0x153: {  	s12 =	simm.s32 $0x400;
	s28 =	rddreg [dreg:$0x4];
	v3 =	vld [tilespmem:s13+$0x300];
	[tilespmem:s8+$0x8310] =	vst v8;
	v8 =	vmul.f32 v10, v9  }
.LBB2_19:
0x154: {  	p0 =	sne.s32 s12, $0x3E00;
	v9 =	vld [tilespmem:s13+$0x4360]  }
0x155: {  	v10 =	vld [tilespmem:s13+$0x4300];
	[tilespmem:s8+$0x8320] =	vst v8;
	v4 =	vmul.f32 v5, v4  }
0x156: {  	v8 =	vld [tilespmem:s13+$0x310];
	v5 =	vmul.f32 v7, v2  }
0x157: {  	v7 =	vld [tilespmem:s13+$0x4310];
	[tilespmem:s8+$0x8330] =	vst v4;
	v4 =	vmul.f32 v6, v2  }
0x158: {  	v11 =	vld [tilespmem:s13+$0x320];
	[tilespmem:s8+$0x8340] =	vst v5;
	v2 =	vmov v3  }
0x159: {  	v12 =	vld [tilespmem:s13+$0x4320];
	v3 =	vmul.f32 v9, v2;
	[tilespmem:s8+$0x8350] =	vst v4;
	s8 =	smov.u32 s13  }
.Ltmp9:
0x15a: {  	v6 =	vmul.f32 v10, v2;
	v4 =	vld [tilespmem:s8+$0x330];
	(pc) =	sbr.rel @p0 .LBB2_19-.Ltmp9, $4  }
0x15b: {  	v5 =	vld [tilespmem:s8+$0x4330];
	[tilespmem:s8+$0x8360] =	vst v3  }
0x15c: {  	[tilespmem:s8+$0x8300] =	vst v6;
	v8 =	vmul.f32 v7, v8;
	v7 =	vld [tilespmem:s8+$0x4340]  }
0x15d: {  	s13 =	sshra.s32 s12, $0x2;
	v6 =	vld [tilespmem:s8+$0x4350]  }
0x15e: {  	s12 =	sadd.s32 $0x200, s12;
	v3 =	vld [tilespmem:s13+$0x300];
	[tilespmem:s8+$0x8310] =	vst v8;
	v8 =	vmul.f32 v12, v11  }
0x15f: {  	v9 =	vld [tilespmem:s13+$0x4360]  }
0x160: {  	v10 =	vld [tilespmem:s13+$0x4300];
	[tilespmem:s8+$0x8320] =	vst v8;
	v4 =	vmul.f32 v5, v4  }
0x161: {  	v58 =	vld [tilespmem:s13+$0x310];
	v7 =	vmul.f32 v7, v2  }
0x162: {  	v8 =	vld [tilespmem:s13+$0x4310];
	[tilespmem:s8+$0x8330] =	vst v4;
	v2 =	vmul.f32 v6, v2  }
0x163: {  	v4 =	vld [tilespmem:s13+$0x320];
	[tilespmem:s8+$0x8340] =	vst v7  }
0x164: {  	v59 =	vld [tilespmem:s13+$0x4320];
	[tilespmem:s8+$0x8350] =	vst v2  }
0x165: {  	v2 =	vmul.f32 v9, v3;
	v7 =	vld [tilespmem:s13+$0x330]  }
0x166: {  	v61 =	vld [tilespmem:s13+$0x4330]  }
0x167: {  	[tilespmem:s13+$0x8360] =	vst v2;
	v2 =	vld [tilespmem:s13+$0x4340]  }
0x168: {  	v60 =	vmul.f32 v10, v3;
	v62 =	vld [tilespmem:s13+$0x4350]  }
0x169: {  	v5 =	vmul.f32 v8, v58  }
0x16a: {  	[tilespmem:s13+$0x8300] =	vst v60;
	v4 =	vmul.f32 v59, v4  }
0x16b: {  	[tilespmem:s13+$0x8310] =	vst v5;
	v63 =	vmul.f32 v61, v7  }
0x16c: {  	[tilespmem:s13+$0x8320] =	vst v4;
	v2 =	vmul.f32 v2, v3  }
0x16d: {  	v3 =	vmul.f32 v62, v3;
	[tilespmem:s13+$0x8330] =	vst v63  }
0x16e: {  	[tilespmem:s13+$0x8340] =	vst v2  }
0x16f: {  	[tilespmem:s13+$0x8350] =	vst v3  }
0x170: {  	[spmem:s2] =	stream.indirect.scatter.add.f32 [tilespmem:s3], [sflag:$0xA], $0x80, s19, s11, $0xb8;
	[tilespmem:$0x1FF00] =	vst v63  }
0x171: {  	_ =	swait.ge [sflag:s10], $0x1000  }
0x172: {  	[sflag:s10] =	ssyncset.done $0x0  }
0x173: {  	s13 =	stileid.u32;
	[sflag:s10] =	ssyncadd.s32 $0xFFFFF000  }
0x174: {  	s8 =	sshll.u32 s13, $0x6;
	[bflag:$0x0] =	sbarrier.arrive $0xFFFF  }
0x175: {  	s12 =	sshrl.u32 s28, $0x3;
	s8 =	sor.u32 $0x1C0A, s8;
	s19 =	rddreg [dreg:$0x12]  }
0x176: {  	[hbm:s19], [sflag:s8] =	dma.local [spmem:s12], $0x2780  }
0x177: {  	_ =	swait.ge [sflag:s10], $0x2780  }
0x178: {  	s29 =	rddreg [dreg:$0x18]  }
0x179: {  	s30 =	rddreg [dreg:$0x13];
	s11 =	sadd.s32 $0x1, s29  }
0x17a: {  	p0 =	sne.s32 s11, s30  }
.Ltmp10:
0x17b: {  	_ = 	snop;
	(pc) =	sbr.rel @p0 .LBB2_1-.Ltmp10, $3  }
0x17c: {  	_ =	sdelay $0x1  }
0x17d: {  	[sflag:s10] =	ssyncset.done $0x0  }
0x17e: {  	[sflag:s10] =	ssyncadd.s32 $0xFFFFD880  }
0x17f: {  	_ =	sfence.sel $0x180000  }
0x180: {  	[bflag:$0x0] =	sbarrier.arrive $0xFFFF  }
0x181: {  	_ =	strace $0x9000004A  }
0x182: {  	s0 =	stileid.u32;
	[bflag:$0x2] =	sbarrier.arrive $0xFFFF  }
0x183: {  	p0 =	sne.s32 s0, $0x0;
	s0 =	rddreg [dreg:$0x3]  }
0x184: {  	s0 =	sadd.s32 @!p0 $0x100000, s0  }
0x185: {  	[sflag:s0] =	ssyncadd.tile.s32 @!p0 $0x1;
	_ =	shalt  }
.Lfunc_end2:
_tile_overlayer_lowered:
.L_overlay_start_2:
0x186: {  	(tag) =	ssettag $0x2  }
0x187: {  	s0 =	rddreg [dreg:$0x0];
	s2 =	stileid.u32  }
0x188: {  	s1 =	rddreg [dreg:$0x1];
	p0 =	sne.s32 s2, $0x0  }
0x189: {  	s3 =	rddreg [dreg:$0x2];
	[bflag:$0x3] =	sbarrier.arrive $0xFFFF;
	s2 =	simm.s32 @!p0 $0x1C0A  }
0x18a: {  	[timem:s3], [sflag:s2] =	dma.local @!p0 [hbm:s0], s1  }
0x18b: {  	s0 =	simm.s32 @!p0 $0xA  }
0x18c: {  	_ =	swait.ge @!p0 [sflag:s0], s1  }
0x18d: {  	s1 =	ssub.s32 @!p0 $0x0, s1;
	[sflag:s0] =	ssyncset.done @!p0 $0x0  }
0x18e: {  	[sflag:s0] =	ssyncadd.s32 @!p0 s1  }
0x18f: {  	[bflag:$0x3] =	sbarrier.arrive $0xFFFF  }
0x190: {  	_ =	shalt  }

</sc_bundles>
